<compile_context>
chip_gen: v7x
topology: tpu7x:2x2x1
jax: 0.10.2.dev20260603
libtpu: 0.0.44.dev20260713+nightly
codegen_flags: <defaults>
</compile_context>

<pallas_src>
import functools

import jax
import jax.numpy as jnp
from jax import lax
from jax.experimental import pallas as pl
from jax.experimental.pallas import tpu as pltpu
from jax.experimental.pallas import tpu_sc as plsc

N = 10000
E = 320000
F_IN = 128
H = 64
C = 32
K = 10
ALPHA = 0.1

NC = 2
NS = 16
HC = C // 2
N_PAD = 10240
NPT = N_PAD // NS
CHUNK = 128
NCHUNK = 160
NBUF = 8
LAG = 4
NROUNDS = NCHUNK // NBUF
EPT = NCHUNK * CHUNK
E_PAD = EPT * NS


def _mlp_body(x_ref, w1_ref, b1_ref, w2_ref, b2_ref, oa_ref, ob_ref):
    h1 = jnp.dot(x_ref[...], w1_ref[...], preferred_element_type=jnp.float32)
    h1 = jnp.maximum(h1 + b1_ref[...], 0.0)
    h = (
        jnp.dot(h1, w2_ref[...], preferred_element_type=jnp.float32)
        + b2_ref[...]
    )
    oa_ref[...] = h[:, :HC]
    ob_ref[...] = h[:, HC:]


def _mlp(x, W1, b1, W2, b2):
    blk = 1000
    return pl.pallas_call(
        _mlp_body,
        grid=(N // blk,),
        in_specs=[
            pl.BlockSpec((blk, F_IN), lambda i: (i, 0)),
            pl.BlockSpec((F_IN, H), lambda i: (0, 0)),
            pl.BlockSpec((1, H), lambda i: (0, 0)),
            pl.BlockSpec((H, C), lambda i: (0, 0)),
            pl.BlockSpec((1, C), lambda i: (0, 0)),
        ],
        out_specs=[
            pl.BlockSpec((blk, HC), lambda i: (i, 0)),
            pl.BlockSpec((blk, HC), lambda i: (i, 0)),
        ],
        out_shape=[
            jax.ShapeDtypeStruct((N_PAD, HC), jnp.float32),
            jax.ShapeDtypeStruct((N_PAD, HC), jnp.float32),
        ],
    )(x, W1, b1.reshape(1, H), W2, b2.reshape(1, C))


def _lsm_body(za_ref, zb_ref, o_ref):
    z = jnp.concatenate([za_ref[...], zb_ref[...]], axis=1)
    m = jnp.max(z, axis=1, keepdims=True)
    e = jnp.exp(z - m)
    s = jnp.sum(e, axis=1, keepdims=True)
    o_ref[...] = z - m - jnp.log(s)


def _log_softmax(z2):
    blk = 80
    return pl.pallas_call(
        _lsm_body,
        grid=(N // blk,),
        in_specs=[
            pl.BlockSpec((blk, HC), lambda i: (i, 0)),
            pl.BlockSpec((blk, HC), lambda i: (N_PAD // blk + i, 0)),
        ],
        out_specs=pl.BlockSpec((blk, C), lambda i: (i, 0)),
        out_shape=jax.ShapeDtypeStruct((N, C), jnp.float32),
    )(z2, z2)


def _prop_body(srcx_hbm, dst_hbm, h2a_hbm, h2b_hbm, z2_hbm,
               acc_sh, zt_sh, h_l, z_l, dv_l, s_l, zeros_l,
               src_all, dst_all, rows_v, srci_v, dsti_v, semg, sems):

    def load_idx(buf, table, ci):
        for j in range(CHUNK // 16):
            buf[pl.ds(j * 16, 16)] = table[ci, pl.ds(j * 16, 16)]
    c = lax.axis_index("c")
    s = lax.axis_index("s")
    nid0 = s * NPT
    g0 = c * N_PAD + nid0

    @pl.when(c == 0)
    def _():
        pltpu.sync_copy(h2a_hbm.at[pl.ds(nid0, NPT)], h_l)

    @pl.when(c == 1)
    def _():
        pltpu.sync_copy(h2b_hbm.at[pl.ds(nid0, NPT)], h_l)

    pltpu.sync_copy(srcx_hbm.at[pl.ds(s * NCHUNK, NCHUNK)], src_all)
    pltpu.sync_copy(dst_hbm.at[pl.ds(s * NCHUNK, NCHUNK)], dst_all)

    def initrow(r4, _):
        for u in range(4):
            zeros_l[r4 * 4 + u, :] = jnp.zeros((16,), jnp.float32)
        return None
    lax.fori_loop(0, NPT // 4, initrow, None)

    def onesrow(r4, _):
        for u in range(4):
            rows_v[0][r4 * 4 + u, :] = jnp.ones((16,), jnp.float32)
        return None
    lax.fori_loop(0, CHUNK // 4, onesrow, None)

    pltpu.sync_copy(zeros_l, acc_sh.at[pl.ds(nid0, NPT)])
    plsc.subcore_barrier()

    def ds_start(ci, b):
        pltpu.async_copy(rows_v[0], acc_sh.at[dst_all.at[ci, 0]], sems[b],
                         add=True)

    def ds_wait(b):
        pltpu.make_async_copy(
            rows_v[0], acc_sh.at[dst_all.at[0, 0]], sems[b]).wait()

    for ci in range(NBUF):
        ds_start(ci, ci)

    def degrnd(r, _):
        for b in range(NBUF):
            ds_wait(b)
            ds_start(r * NBUF + b, b)
        return None
    lax.fori_loop(1, NROUNDS, degrnd, None)
    for b in range(NBUF):
        ds_wait(b)
    plsc.subcore_barrier()

    pltpu.sync_copy(acc_sh.at[pl.ds(nid0, NPT)], s_l)

    def dinvrow(r4, _):
      for u in range(4):
        r = r4 * 4 + u
        x = s_l[r, :] + 1.0
        i = plsc.bitcast(x, jnp.int32)
        i = 0x5F3759DF - lax.shift_right_arithmetic(i, 1)
        y = plsc.bitcast(i, jnp.float32)
        y = y * (1.5 - 0.5 * x * y * y)
        y = y * (1.5 - 0.5 * x * y * y)
        y = y * (1.5 - 0.5 * x * y * y)
        dv_l[r, :] = y
        vb = jnp.full((16,), nid0 + r < N, dtype=jnp.bool_)
        hr = jnp.where(vb, h_l[r, :], 0.0)
        h_l[r, :] = hr
        z_l[r, :] = hr
        s_l[r, :] = hr * y
      return None
    lax.fori_loop(0, NPT // 4, dinvrow, None)
    pltpu.sync_copy(s_l, zt_sh.at[pl.ds(nid0, NPT)])
    pltpu.sync_copy(zeros_l, acc_sh.at[pl.ds(nid0, NPT)])

    def g_start(ci, b):
        pltpu.async_copy(zt_sh.at[src_all.at[ci]], rows_v[b], semg[b])

    def g_wait(b):
        pltpu.make_async_copy(
            zt_sh.at[src_all.at[0]], rows_v[b], semg[b]).wait()

    def s_start(ci, b):
        pltpu.async_copy(rows_v[b], acc_sh.at[dst_all.at[ci, 0]], sems[b],
                         add=True)

    def s_wait(b):
        pltpu.make_async_copy(
            rows_v[b], acc_sh.at[dst_all.at[0, 0]], sems[b]).wait()

    def k_iter(k, _):
        plsc.subcore_barrier()

        for ci in range(LAG):
            g_start(ci, ci % NBUF)
        for ci in range(NBUF):
            b = ci % NBUF
            g_wait(b)
            s_start(ci, b)
            if ci >= LAG:
                s_wait((ci + LAG) % NBUF)
            g_start(ci + LAG, (ci + LAG) % NBUF)

        def rnd(r, _):
            for b in range(NBUF):
                ci = r * NBUF + b
                g_wait(b)
                s_start(ci, b)
                s_wait((b + LAG) % NBUF)
                g_start(ci + LAG, (b + LAG) % NBUF)
            return None
        lax.fori_loop(1, NROUNDS - 1, rnd, None)

        for ci in range((NROUNDS - 1) * NBUF, NCHUNK):
            b = ci % NBUF
            g_wait(b)
            s_start(ci, b)
            s_wait((ci + LAG) % NBUF)
            if ci + LAG < NCHUNK:
                g_start(ci + LAG, (ci + LAG) % NBUF)
        for ci in range(NCHUNK - LAG, NCHUNK):
            s_wait(ci % NBUF)
        plsc.subcore_barrier()

        pltpu.sync_copy(acc_sh.at[pl.ds(nid0, NPT)], s_l)
        pltpu.sync_copy(zeros_l, acc_sh.at[pl.ds(nid0, NPT)])

        def comb(r4, _):
            for u in range(4):
                r = r4 * 4 + u
                dv = dv_l[r, :]
                agg = dv * s_l[r, :] + dv * dv * z_l[r, :]
                z = (1.0 - ALPHA) * agg + ALPHA * h_l[r, :]
                z_l[r, :] = z
                s_l[r, :] = z * dv
            return None
        lax.fori_loop(0, NPT // 4, comb, None)
        pltpu.sync_copy(s_l, zt_sh.at[pl.ds(nid0, NPT)])
        return None
    lax.fori_loop(0, K, k_iter, None)

    pltpu.sync_copy(z_l, z2_hbm.at[pl.ds(g0, NPT)])


_propagate = functools.partial(
    pl.kernel,
    out_type=jax.ShapeDtypeStruct((2 * N_PAD, HC), jnp.float32),
    mesh=plsc.VectorSubcoreMesh(core_axis_name="c", subcore_axis_name="s"),
    compiler_params=pltpu.CompilerParams(
        needs_layout_passes=False, use_tc_tiling_on_sc=False,
        disable_bounds_checks=True
    ),
    scratch_types=[
        pltpu.VMEM_SHARED((N_PAD, HC), jnp.float32),
        pltpu.VMEM_SHARED((N_PAD, HC), jnp.float32),
        pltpu.VMEM((NPT, HC), jnp.float32),
        pltpu.VMEM((NPT, HC), jnp.float32),
        pltpu.VMEM((NPT, HC), jnp.float32),
        pltpu.VMEM((NPT, HC), jnp.float32),
        pltpu.VMEM((NPT, HC), jnp.float32),
        pltpu.VMEM((NCHUNK, CHUNK), jnp.int32),
        pltpu.VMEM((NCHUNK, 1, CHUNK), jnp.int32),
        [pltpu.VMEM((CHUNK, HC), jnp.float32)] * NBUF,
        [pltpu.VMEM((CHUNK,), jnp.int32)] * NBUF,
        [pltpu.VMEM((CHUNK,), jnp.int32)] * NBUF,
        [pltpu.SemaphoreType.DMA] * NBUF,
        [pltpu.SemaphoreType.DMA] * NBUF,
    ],
)(_prop_body)


def kernel(x, edge_index, W1, b1, W2, b2):
    h2a, h2b = _mlp(x, W1, b1, W2, b2)
    src2 = jnp.pad(edge_index[0].astype(jnp.int32), (0, E_PAD - E),
                   constant_values=N).reshape(-1, CHUNK)
    dst2 = jnp.pad(edge_index[1].astype(jnp.int32), (0, E_PAD - E),
                   constant_values=N).reshape(-1, 1, CHUNK)
    z2 = _propagate(src2, dst2, h2a, h2b)
    return _log_softmax(z2)

# --- scband reference (transcript-rebuilt; emitter-appended) ---
"""Pipeline reference for scband-net-62130996904552 (READ-ONLY COPY).

The authoritative reference and input builder live on the scoring server;
editing this copy changes nothing except your own understanding.
"""

import jax, jax.numpy as jnp
import numpy as np

N = 10000
E = 320000
F_IN = 128
H = 64
C = 32
K = 10
ALPHA = 0.1


def setup_inputs(seed: int = 0) -> dict:
    key = jax.random.key(seed)
    k1, k2, k3, k4, k5, k6 = jax.random.split(key, 6)
    x = jax.random.normal(k1, (N, F_IN), dtype=jnp.float32)
    edge_index = jax.random.randint(k2, (2, E), 0, N)
    W1 = jax.random.normal(k3, (F_IN, H), dtype=jnp.float32) * 0.05
    b1 = jnp.zeros((H,), dtype=jnp.float32)
    W2 = jax.random.normal(k4, (H, C), dtype=jnp.float32) * 0.05
    b2 = jnp.zeros((C,), dtype=jnp.float32)
    return {"x": x, "edge_index": edge_index, "W1": W1, "b1": b1, "W2": W2, "b2": b2}


def reference(x, edge_index, W1, b1, W2, b2):
    # MLP part (dropout is identity in eval mode)
    h = jax.nn.relu(x @ W1 + b1)
    h = h @ W2 + b2
    # APPNP propagation with GCN normalization + self loops
    self_loops = jnp.arange(N, dtype=edge_index.dtype)
    src = jnp.concatenate([edge_index[0], self_loops])
    dst = jnp.concatenate([edge_index[1], self_loops])
    ones = jnp.ones(src.shape[0], dtype=h.dtype)
    deg = jax.ops.segment_sum(ones, dst, num_segments=N)
    dinv = jax.lax.rsqrt(jnp.maximum(deg, 1.0))
    norm = dinv[src] * dinv[dst]
    z = h
    for _ in range(K):
        msg = z[src] * norm[:, None]
        agg = jax.ops.segment_sum(msg, dst, num_segments=N)
        z = (1.0 - ALPHA) * agg + ALPHA * h
    return jax.nn.log_softmax(z, axis=1)

if __name__ == "__main__":
    import jax
    _d = setup_inputs()
    print(jax.jit(kernel)(*tuple(_d.values())))

</pallas_src>

<mosaic_0001>
#map = affine_map<(d0, d1) -> (0, 0)>
#map1 = affine_map<(d0, d1) -> (0, 0, 0)>
module attributes {stable_mosaic.version = 14 : i64} {
  func.func @_prop_body(%arg0: i32, %arg1: i32, %arg2: memref<2560x128xi32, #tpu.memory_space<hbm>>, %arg3: memref<2560x1x128xi32, #tpu.memory_space<hbm>>, %arg4: memref<10240x16xf32, #tpu.memory_space<hbm>>, %arg5: memref<10240x16xf32, #tpu.memory_space<hbm>>, %arg6: memref<20480x16xf32, #tpu.memory_space<hbm>>, %arg7: memref<10240x16xf32, #tpu.memory_space<vmem_shared>>, %arg8: memref<10240x16xf32, #tpu.memory_space<vmem_shared>>, %arg9: memref<640x16xf32, #tpu.memory_space<vmem>>, %arg10: memref<640x16xf32, #tpu.memory_space<vmem>>, %arg11: memref<640x16xf32, #tpu.memory_space<vmem>>, %arg12: memref<640x16xf32, #tpu.memory_space<vmem>>, %arg13: memref<640x16xf32, #tpu.memory_space<vmem>>, %arg14: memref<160x128xi32, #tpu.memory_space<vmem>>, %arg15: memref<160x1x128xi32, #tpu.memory_space<vmem>>, %arg16: memref<128x16xf32, #tpu.memory_space<vmem>>, %arg17: memref<128x16xf32, #tpu.memory_space<vmem>>, %arg18: memref<128x16xf32, #tpu.memory_space<vmem>>, %arg19: memref<128x16xf32, #tpu.memory_space<vmem>>, %arg20: memref<128x16xf32, #tpu.memory_space<vmem>>, %arg21: memref<128x16xf32, #tpu.memory_space<vmem>>, %arg22: memref<128x16xf32, #tpu.memory_space<vmem>>, %arg23: memref<128x16xf32, #tpu.memory_space<vmem>>, %arg24: memref<128xi32, #tpu.memory_space<vmem>>, %arg25: memref<128xi32, #tpu.memory_space<vmem>>, %arg26: memref<128xi32, #tpu.memory_space<vmem>>, %arg27: memref<128xi32, #tpu.memory_space<vmem>>, %arg28: memref<128xi32, #tpu.memory_space<vmem>>, %arg29: memref<128xi32, #tpu.memory_space<vmem>>, %arg30: memref<128xi32, #tpu.memory_space<vmem>>, %arg31: memref<128xi32, #tpu.memory_space<vmem>>, %arg32: memref<128xi32, #tpu.memory_space<vmem>>, %arg33: memref<128xi32, #tpu.memory_space<vmem>>, %arg34: memref<128xi32, #tpu.memory_space<vmem>>, %arg35: memref<128xi32, #tpu.memory_space<vmem>>, %arg36: memref<128xi32, #tpu.memory_space<vmem>>, %arg37: memref<128xi32, #tpu.memory_space<vmem>>, %arg38: memref<128xi32, #tpu.memory_space<vmem>>, %arg39: memref<128xi32, #tpu.memory_space<vmem>>, %arg40: memref<!tpu.dma_semaphore, #tpu.memory_space<semaphore_mem>>, %arg41: memref<!tpu.dma_semaphore, #tpu.memory_space<semaphore_mem>>, %arg42: memref<!tpu.dma_semaphore, #tpu.memory_space<semaphore_mem>>, %arg43: memref<!tpu.dma_semaphore, #tpu.memory_space<semaphore_mem>>, %arg44: memref<!tpu.dma_semaphore, #tpu.memory_space<semaphore_mem>>, %arg45: memref<!tpu.dma_semaphore, #tpu.memory_space<semaphore_mem>>, %arg46: memref<!tpu.dma_semaphore, #tpu.memory_space<semaphore_mem>>, %arg47: memref<!tpu.dma_semaphore, #tpu.memory_space<semaphore_mem>>, %arg48: memref<!tpu.dma_semaphore, #tpu.memory_space<semaphore_mem>>, %arg49: memref<!tpu.dma_semaphore, #tpu.memory_space<semaphore_mem>>, %arg50: memref<!tpu.dma_semaphore, #tpu.memory_space<semaphore_mem>>, %arg51: memref<!tpu.dma_semaphore, #tpu.memory_space<semaphore_mem>>, %arg52: memref<!tpu.dma_semaphore, #tpu.memory_space<semaphore_mem>>, %arg53: memref<!tpu.dma_semaphore, #tpu.memory_space<semaphore_mem>>, %arg54: memref<!tpu.dma_semaphore, #tpu.memory_space<semaphore_mem>>, %arg55: memref<!tpu.dma_semaphore, #tpu.memory_space<semaphore_mem>>) attributes {dimension_semantics = [#tpu.dimension_semantics<core_parallel>, #tpu.dimension_semantics<subcore_parallel>], iteration_bounds = array<i64: 2, 16>, scalar_prefetch = 0 : i64, scratch_operands = 49 : i64, tpu.core_type = #tpu.core_type<sc_vector_subcore>, window_params = [{transform_indices = #map}, {transform_indices = #map1}, {transform_indices = #map}, {transform_indices = #map}, {transform_indices = #map}]} {
    %mul3A = arith.constant 640 : i32
    %mul3A_0 = arith.muli %arg1, %mul3A : i32
    %mul3A_1 = arith.constant 10240 : i32
    %mul3A_2 = arith.muli %arg0, %mul3A_1 : i32
    %add3A = arith.addi %mul3A_2, %mul3A_0 : i32
    %eq3A = arith.constant 0 : i32
    %eq3A_3 = arith.cmpi eq, %arg0, %eq3A : i32
    %convert_element_type3A = arith.extui %eq3A_3 : i1 to i32
    %cond3A = arith.constant 0 : i32
    %cond3A_4 = arith.cmpi ne, %convert_element_type3A, %cond3A : i32
    scf.if %cond3A_4 {
      "tpu.region"() ({
        %run_scoped3A = tpu.sem_alloc : memref<!tpu.dma_semaphore, #tpu.memory_space<semaphore_mem>>
        %dma_start3A_165 = arith.constant 0 : i32
        %dma_start3A_166 = tpu.memref_slice %arg4[%mul3A_0, %dma_start3A_165] : memref<10240x16xf32, #tpu.memory_space<hbm>> -> memref<640x16xf32, #tpu.memory_space<hbm>>
        %dma_start3A_167 = arith.constant 0 : i32
        %dma_start3A_168 = tpu.memref_slice %arg4[%mul3A_0, %dma_start3A_167] : memref<10240x16xf32, #tpu.memory_space<hbm>> -> memref<640x16xf32, #tpu.memory_space<hbm>>
        tpu.enqueue_dma source(%dma_start3A_168 : memref<640x16xf32, #tpu.memory_space<hbm>>) target(%arg9 : memref<640x16xf32, #tpu.memory_space<vmem>>) target_semaphore(%run_scoped3A : memref<!tpu.dma_semaphore, #tpu.memory_space<semaphore_mem>>)
        %dma_wait3A_169 = arith.constant 0 : i32
        %dma_wait3A_170 = tpu.memref_slice %arg4[%mul3A_0, %dma_wait3A_169] : memref<10240x16xf32, #tpu.memory_space<hbm>> -> memref<640x16xf32, #tpu.memory_space<hbm>>
        %dma_wait3A_171 = arith.constant 0 : i32
        %dma_wait3A_172 = tpu.memref_slice %arg4[%mul3A_0, %dma_wait3A_171] : memref<10240x16xf32, #tpu.memory_space<hbm>> -> memref<640x16xf32, #tpu.memory_space<hbm>>
        tpu.wait_dma2 semaphore(%run_scoped3A : memref<!tpu.dma_semaphore, #tpu.memory_space<semaphore_mem>>) src(%dma_wait3A_172 : memref<640x16xf32, #tpu.memory_space<hbm>>) dst(%arg9 : memref<640x16xf32, #tpu.memory_space<vmem>>)
        tpu.yield
      }) : () -> ()
    } else {
    }
    %eq3A_5 = arith.constant 1 : i32
    %eq3A_6 = arith.cmpi eq, %arg0, %eq3A_5 : i32
    %convert_element_type3A_7 = arith.extui %eq3A_6 : i1 to i32
    %cond3A_8 = arith.constant 0 : i32
    %cond3A_9 = arith.cmpi ne, %convert_element_type3A_7, %cond3A_8 : i32
    scf.if %cond3A_9 {
      "tpu.region"() ({
        %run_scoped3A = tpu.sem_alloc : memref<!tpu.dma_semaphore, #tpu.memory_space<semaphore_mem>>
        %dma_start3A_165 = arith.constant 0 : i32
        %dma_start3A_166 = tpu.memref_slice %arg5[%mul3A_0, %dma_start3A_165] : memref<10240x16xf32, #tpu.memory_space<hbm>> -> memref<640x16xf32, #tpu.memory_space<hbm>>
        %dma_start3A_167 = arith.constant 0 : i32
        %dma_start3A_168 = tpu.memref_slice %arg5[%mul3A_0, %dma_start3A_167] : memref<10240x16xf32, #tpu.memory_space<hbm>> -> memref<640x16xf32, #tpu.memory_space<hbm>>
        tpu.enqueue_dma source(%dma_start3A_168 : memref<640x16xf32, #tpu.memory_space<hbm>>) target(%arg9 : memref<640x16xf32, #tpu.memory_space<vmem>>) target_semaphore(%run_scoped3A : memref<!tpu.dma_semaphore, #tpu.memory_space<semaphore_mem>>)
        %dma_wait3A_169 = arith.constant 0 : i32
        %dma_wait3A_170 = tpu.memref_slice %arg5[%mul3A_0, %dma_wait3A_169] : memref<10240x16xf32, #tpu.memory_space<hbm>> -> memref<640x16xf32, #tpu.memory_space<hbm>>
        %dma_wait3A_171 = arith.constant 0 : i32
        %dma_wait3A_172 = tpu.memref_slice %arg5[%mul3A_0, %dma_wait3A_171] : memref<10240x16xf32, #tpu.memory_space<hbm>> -> memref<640x16xf32, #tpu.memory_space<hbm>>
        tpu.wait_dma2 semaphore(%run_scoped3A : memref<!tpu.dma_semaphore, #tpu.memory_space<semaphore_mem>>) src(%dma_wait3A_172 : memref<640x16xf32, #tpu.memory_space<hbm>>) dst(%arg9 : memref<640x16xf32, #tpu.memory_space<vmem>>)
        tpu.yield
      }) : () -> ()
    } else {
    }
    %mul3A_10 = arith.constant 160 : i32
    %mul3A_11 = arith.muli %arg1, %mul3A_10 : i32
    "tpu.region"() ({
      %run_scoped3A = tpu.sem_alloc : memref<!tpu.dma_semaphore, #tpu.memory_space<semaphore_mem>>
      %dma_start3A_165 = arith.constant 0 : i32
      %dma_start3A_166 = tpu.memref_slice %arg2[%mul3A_11, %dma_start3A_165] : memref<2560x128xi32, #tpu.memory_space<hbm>> -> memref<160x128xi32, #tpu.memory_space<hbm>>
      %dma_start3A_167 = arith.constant 0 : i32
      %dma_start3A_168 = tpu.memref_slice %arg2[%mul3A_11, %dma_start3A_167] : memref<2560x128xi32, #tpu.memory_space<hbm>> -> memref<160x128xi32, #tpu.memory_space<hbm>>
      tpu.enqueue_dma source(%dma_start3A_168 : memref<160x128xi32, #tpu.memory_space<hbm>>) target(%arg14 : memref<160x128xi32, #tpu.memory_space<vmem>>) target_semaphore(%run_scoped3A : memref<!tpu.dma_semaphore, #tpu.memory_space<semaphore_mem>>)
      %dma_wait3A_169 = arith.constant 0 : i32
      %dma_wait3A_170 = tpu.memref_slice %arg2[%mul3A_11, %dma_wait3A_169] : memref<2560x128xi32, #tpu.memory_space<hbm>> -> memref<160x128xi32, #tpu.memory_space<hbm>>
      %dma_wait3A_171 = arith.constant 0 : i32
      %dma_wait3A_172 = tpu.memref_slice %arg2[%mul3A_11, %dma_wait3A_171] : memref<2560x128xi32, #tpu.memory_space<hbm>> -> memref<160x128xi32, #tpu.memory_space<hbm>>
      tpu.wait_dma2 semaphore(%run_scoped3A : memref<!tpu.dma_semaphore, #tpu.memory_space<semaphore_mem>>) src(%dma_wait3A_172 : memref<160x128xi32, #tpu.memory_space<hbm>>) dst(%arg14 : memref<160x128xi32, #tpu.memory_space<vmem>>)
      tpu.yield
    }) : () -> ()
    %mul3A_12 = arith.constant 160 : i32
    %mul3A_13 = arith.muli %arg1, %mul3A_12 : i32
    "tpu.region"() ({
      %run_scoped3A = tpu.sem_alloc : memref<!tpu.dma_semaphore, #tpu.memory_space<semaphore_mem>>
      %dma_start3A_165 = arith.constant 0 : i32
      %dma_start3A_166 = arith.constant 0 : i32
      %dma_start3A_167 = tpu.memref_slice %arg3[%mul3A_13, %dma_start3A_165, %dma_start3A_166] : memref<2560x1x128xi32, #tpu.memory_space<hbm>> -> memref<160x1x128xi32, #tpu.memory_space<hbm>>
      %dma_start3A_168 = arith.constant 0 : i32
      %dma_start3A_169 = arith.constant 0 : i32
      %dma_start3A_170 = tpu.memref_slice %arg3[%mul3A_13, %dma_start3A_168, %dma_start3A_169] : memref<2560x1x128xi32, #tpu.memory_space<hbm>> -> memref<160x1x128xi32, #tpu.memory_space<hbm>>
      tpu.enqueue_dma source(%dma_start3A_170 : memref<160x1x128xi32, #tpu.memory_space<hbm>>) target(%arg15 : memref<160x1x128xi32, #tpu.memory_space<vmem>>) target_semaphore(%run_scoped3A : memref<!tpu.dma_semaphore, #tpu.memory_space<semaphore_mem>>)
      %dma_wait3A_171 = arith.constant 0 : i32
      %dma_wait3A_172 = arith.constant 0 : i32
      %dma_wait3A_173 = tpu.memref_slice %arg3[%mul3A_13, %dma_wait3A_171, %dma_wait3A_172] : memref<2560x1x128xi32, #tpu.memory_space<hbm>> -> memref<160x1x128xi32, #tpu.memory_space<hbm>>
      %dma_wait3A_174 = arith.constant 0 : i32
      %dma_wait3A_175 = arith.constant 0 : i32
      %dma_wait3A_176 = tpu.memref_slice %arg3[%mul3A_13, %dma_wait3A_174, %dma_wait3A_175] : memref<2560x1x128xi32, #tpu.memory_space<hbm>> -> memref<160x1x128xi32, #tpu.memory_space<hbm>>
      tpu.wait_dma2 semaphore(%run_scoped3A : memref<!tpu.dma_semaphore, #tpu.memory_space<semaphore_mem>>) src(%dma_wait3A_176 : memref<160x1x128xi32, #tpu.memory_space<hbm>>) dst(%arg15 : memref<160x1x128xi32, #tpu.memory_space<vmem>>)
      tpu.yield
    }) : () -> ()
    %scan3A = arith.constant 0 : i32
    %scan3A_14 = arith.constant 160 : i32
    %scan3A_15 = arith.addi %scan3A, %scan3A_14 : i32
    %scan3A_16 = arith.constant 1 : i32
    scf.for %scan3A_165 = %scan3A to %scan3A_15 step %scan3A_16  : i32 {
      %broadcast_in_dim3A = arith.constant 0.000000e+00 : f32
      %broadcast_in_dim3A_166 = vector.broadcast %broadcast_in_dim3A : f32 to vector<16xf32>
      %mul3A_167 = arith.constant 4 : i32
      %mul3A_168 = arith.muli %scan3A_165, %mul3A_167 : i32
      %add3A_169 = arith.constant 0 : i32
      %add3A_170 = arith.addi %mul3A_168, %add3A_169 : i32
      %swap3A = arith.index_cast %add3A_170 : i32 to index
      %swap3A_171 = arith.constant 0 : index
      %swap3A_172 = tpu.vector_load %arg13[%swap3A, %swap3A_171] {strides = array<i32>} : memref<640x16xf32, #tpu.memory_space<vmem>>, vector<16xf32>,
      tpu.vector_store %arg13[%swap3A, %swap3A_171], %broadcast_in_dim3A_166 {strides = array<i32>} : memref<640x16xf32, #tpu.memory_space<vmem>>, vector<16xf32>,
      %broadcast_in_dim3A_173 = arith.constant 0.000000e+00 : f32
      %broadcast_in_dim3A_174 = vector.broadcast %broadcast_in_dim3A_173 : f32 to vector<16xf32>
      %mul3A_175 = arith.constant 4 : i32
      %mul3A_176 = arith.muli %scan3A_165, %mul3A_175 : i32
      %add3A_177 = arith.constant 1 : i32
      %add3A_178 = arith.addi %mul3A_176, %add3A_177 : i32
      %swap3A_179 = arith.index_cast %add3A_178 : i32 to index
      %swap3A_180 = arith.constant 0 : index
      %swap3A_181 = tpu.vector_load %arg13[%swap3A_179, %swap3A_180] {strides = array<i32>} : memref<640x16xf32, #tpu.memory_space<vmem>>, vector<16xf32>,
      tpu.vector_store %arg13[%swap3A_179, %swap3A_180], %broadcast_in_dim3A_174 {strides = array<i32>} : memref<640x16xf32, #tpu.memory_space<vmem>>, vector<16xf32>,
      %broadcast_in_dim3A_182 = arith.constant 0.000000e+00 : f32
      %broadcast_in_dim3A_183 = vector.broadcast %broadcast_in_dim3A_182 : f32 to vector<16xf32>
      %mul3A_184 = arith.constant 4 : i32
      %mul3A_185 = arith.muli %scan3A_165, %mul3A_184 : i32
      %add3A_186 = arith.constant 2 : i32
      %add3A_187 = arith.addi %mul3A_185, %add3A_186 : i32
      %swap3A_188 = arith.index_cast %add3A_187 : i32 to index
      %swap3A_189 = arith.constant 0 : index
      %swap3A_190 = tpu.vector_load %arg13[%swap3A_188, %swap3A_189] {strides = array<i32>} : memref<640x16xf32, #tpu.memory_space<vmem>>, vector<16xf32>,
      tpu.vector_store %arg13[%swap3A_188, %swap3A_189], %broadcast_in_dim3A_183 {strides = array<i32>} : memref<640x16xf32, #tpu.memory_space<vmem>>, vector<16xf32>,
      %broadcast_in_dim3A_191 = arith.constant 0.000000e+00 : f32
      %broadcast_in_dim3A_192 = vector.broadcast %broadcast_in_dim3A_191 : f32 to vector<16xf32>
      %mul3A_193 = arith.constant 4 : i32
      %mul3A_194 = arith.muli %scan3A_165, %mul3A_193 : i32
      %add3A_195 = arith.constant 3 : i32
      %add3A_196 = arith.addi %mul3A_194, %add3A_195 : i32
      %swap3A_197 = arith.index_cast %add3A_196 : i32 to index
      %swap3A_198 = arith.constant 0 : index
      %swap3A_199 = tpu.vector_load %arg13[%swap3A_197, %swap3A_198] {strides = array<i32>} : memref<640x16xf32, #tpu.memory_space<vmem>>, vector<16xf32>,
      tpu.vector_store %arg13[%swap3A_197, %swap3A_198], %broadcast_in_dim3A_192 {strides = array<i32>} : memref<640x16xf32, #tpu.memory_space<vmem>>, vector<16xf32>,
    }
    %scan3A_17 = arith.constant 160 : i32
    %scan3A_18 = arith.constant 0 : i32
    %scan3A_19 = arith.constant 32 : i32
    %scan3A_20 = arith.addi %scan3A_18, %scan3A_19 : i32
    %scan3A_21 = arith.constant 1 : i32
    scf.for %scan3A_165 = %scan3A_18 to %scan3A_20 step %scan3A_21  : i32 {
      %broadcast_in_dim3A = arith.constant 1.000000e+00 : f32
      %broadcast_in_dim3A_166 = vector.broadcast %broadcast_in_dim3A : f32 to vector<16xf32>
      %mul3A_167 = arith.constant 4 : i32
      %mul3A_168 = arith.muli %scan3A_165, %mul3A_167 : i32
      %add3A_169 = arith.constant 0 : i32
      %add3A_170 = arith.addi %mul3A_168, %add3A_169 : i32
      %swap3A = arith.index_cast %add3A_170 : i32 to index
      %swap3A_171 = arith.constant 0 : index
      %swap3A_172 = tpu.vector_load %arg16[%swap3A, %swap3A_171] {strides = array<i32>} : memref<128x16xf32, #tpu.memory_space<vmem>>, vector<16xf32>,
      tpu.vector_store %arg16[%swap3A, %swap3A_171], %broadcast_in_dim3A_166 {strides = array<i32>} : memref<128x16xf32, #tpu.memory_space<vmem>>, vector<16xf32>,
      %broadcast_in_dim3A_173 = arith.constant 1.000000e+00 : f32
      %broadcast_in_dim3A_174 = vector.broadcast %broadcast_in_dim3A_173 : f32 to vector<16xf32>
      %mul3A_175 = arith.constant 4 : i32
      %mul3A_176 = arith.muli %scan3A_165, %mul3A_175 : i32
      %add3A_177 = arith.constant 1 : i32
      %add3A_178 = arith.addi %mul3A_176, %add3A_177 : i32
      %swap3A_179 = arith.index_cast %add3A_178 : i32 to index
      %swap3A_180 = arith.constant 0 : index
      %swap3A_181 = tpu.vector_load %arg16[%swap3A_179, %swap3A_180] {strides = array<i32>} : memref<128x16xf32, #tpu.memory_space<vmem>>, vector<16xf32>,
      tpu.vector_store %arg16[%swap3A_179, %swap3A_180], %broadcast_in_dim3A_174 {strides = array<i32>} : memref<128x16xf32, #tpu.memory_space<vmem>>, vector<16xf32>,
      %broadcast_in_dim3A_182 = arith.constant 1.000000e+00 : f32
      %broadcast_in_dim3A_183 = vector.broadcast %broadcast_in_dim3A_182 : f32 to vector<16xf32>
      %mul3A_184 = arith.constant 4 : i32
      %mul3A_185 = arith.muli %scan3A_165, %mul3A_184 : i32
      %add3A_186 = arith.constant 2 : i32
      %add3A_187 = arith.addi %mul3A_185, %add3A_186 : i32
      %swap3A_188 = arith.index_cast %add3A_187 : i32 to index
      %swap3A_189 = arith.constant 0 : index
      %swap3A_190 = tpu.vector_load %arg16[%swap3A_188, %swap3A_189] {strides = array<i32>} : memref<128x16xf32, #tpu.memory_space<vmem>>, vector<16xf32>,
      tpu.vector_store %arg16[%swap3A_188, %swap3A_189], %broadcast_in_dim3A_183 {strides = array<i32>} : memref<128x16xf32, #tpu.memory_space<vmem>>, vector<16xf32>,
      %broadcast_in_dim3A_191 = arith.constant 1.000000e+00 : f32
      %broadcast_in_dim3A_192 = vector.broadcast %broadcast_in_dim3A_191 : f32 to vector<16xf32>
      %mul3A_193 = arith.constant 4 : i32
      %mul3A_194 = arith.muli %scan3A_165, %mul3A_193 : i32
      %add3A_195 = arith.constant 3 : i32
      %add3A_196 = arith.addi %mul3A_194, %add3A_195 : i32
      %swap3A_197 = arith.index_cast %add3A_196 : i32 to index
      %swap3A_198 = arith.constant 0 : index
      %swap3A_199 = tpu.vector_load %arg16[%swap3A_197, %swap3A_198] {strides = array<i32>} : memref<128x16xf32, #tpu.memory_space<vmem>>, vector<16xf32>,
      tpu.vector_store %arg16[%swap3A_197, %swap3A_198], %broadcast_in_dim3A_192 {strides = array<i32>} : memref<128x16xf32, #tpu.memory_space<vmem>>, vector<16xf32>,
    }
    %scan3A_22 = arith.constant 32 : i32
    "tpu.region"() ({
      %run_scoped3A = tpu.sem_alloc : memref<!tpu.dma_semaphore, #tpu.memory_space<semaphore_mem>>
      %dma_start3A_165 = arith.constant 0 : i32
      %dma_start3A_166 = tpu.memref_slice %arg7[%mul3A_0, %dma_start3A_165] : memref<10240x16xf32, #tpu.memory_space<vmem_shared>> -> memref<640x16xf32, #tpu.memory_space<vmem_shared>>
      %dma_start3A_167 = arith.constant 0 : i32
      %dma_start3A_168 = tpu.memref_slice %arg7[%mul3A_0, %dma_start3A_167] : memref<10240x16xf32, #tpu.memory_space<vmem_shared>> -> memref<640x16xf32, #tpu.memory_space<vmem_shared>>
      tpu.enqueue_dma source(%arg13 : memref<640x16xf32, #tpu.memory_space<vmem>>) target(%dma_start3A_168 : memref<640x16xf32, #tpu.memory_space<vmem_shared>>) target_semaphore(%run_scoped3A : memref<!tpu.dma_semaphore, #tpu.memory_space<semaphore_mem>>)
      %dma_wait3A_169 = arith.constant 0 : i32
      %dma_wait3A_170 = tpu.memref_slice %arg7[%mul3A_0, %dma_wait3A_169] : memref<10240x16xf32, #tpu.memory_space<vmem_shared>> -> memref<640x16xf32, #tpu.memory_space<vmem_shared>>
      %dma_wait3A_171 = arith.constant 0 : i32
      %dma_wait3A_172 = tpu.memref_slice %arg7[%mul3A_0, %dma_wait3A_171] : memref<10240x16xf32, #tpu.memory_space<vmem_shared>> -> memref<640x16xf32, #tpu.memory_space<vmem_shared>>
      tpu.wait_dma2 semaphore(%run_scoped3A : memref<!tpu.dma_semaphore, #tpu.memory_space<semaphore_mem>>) src(%arg13 : memref<640x16xf32, #tpu.memory_space<vmem>>) dst(%dma_wait3A_172 : memref<640x16xf32, #tpu.memory_space<vmem_shared>>)
      tpu.yield
    }) : () -> ()
    %barrier3A = arith.constant 0 : index
    tpu.barrier barrier_id(%barrier3A)
    %dma_start3A = arith.constant 0 : i32
    %dma_start3A_23 = arith.constant 0 : i32
    %dma_start3A_24 = arith.constant 0 : i32
    %dma_start3A_25 = tpu.memref_slice %arg15[%dma_start3A, %dma_start3A_23, %dma_start3A_24] : memref<160x1x128xi32, #tpu.memory_space<vmem>> -> memref<1x1x128xi32, #tpu.memory_space<vmem>>
    %dma_start3A_26 = tpu.memref_squeeze %dma_start3A_25 : memref<1x1x128xi32, #tpu.memory_space<vmem>> -> memref<128xi32, #tpu.memory_space<vmem>>
    %dma_start3A_27 = arith.constant 0 : i32
    %dma_start3A_28 = arith.constant 0 : i32
    %dma_start3A_29 = tpu.memref_slice %arg7[%dma_start3A_27, %dma_start3A_28] : memref<10240x16xf32, #tpu.memory_space<vmem_shared>> -> memref<10240x16xf32, #tpu.memory_space<vmem_shared>>
    tpu.enqueue_indirect_dma source(%arg16 : memref<128x16xf32, #tpu.memory_space<vmem>>) target(%dma_start3A_29 : memref<10240x16xf32, #tpu.memory_space<vmem_shared>>) offsets(%dma_start3A_26 : memref<128xi32, #tpu.memory_space<vmem>>) semaphore(%arg48 : memref<!tpu.dma_semaphore, #tpu.memory_space<semaphore_mem>>) {add = true}
    %dma_start3A_30 = arith.constant 1 : i32
    %dma_start3A_31 = arith.constant 0 : i32
    %dma_start3A_32 = arith.constant 0 : i32
    %dma_start3A_33 = tpu.memref_slice %arg15[%dma_start3A_30, %dma_start3A_31, %dma_start3A_32] : memref<160x1x128xi32, #tpu.memory_space<vmem>> -> memref<1x1x128xi32, #tpu.memory_space<vmem>>
    %dma_start3A_34 = tpu.memref_squeeze %dma_start3A_33 : memref<1x1x128xi32, #tpu.memory_space<vmem>> -> memref<128xi32, #tpu.memory_space<vmem>>
    %dma_start3A_35 = arith.constant 0 : i32
    %dma_start3A_36 = arith.constant 0 : i32
    %dma_start3A_37 = tpu.memref_slice %arg7[%dma_start3A_35, %dma_start3A_36] : memref<10240x16xf32, #tpu.memory_space<vmem_shared>> -> memref<10240x16xf32, #tpu.memory_space<vmem_shared>>
    tpu.enqueue_indirect_dma source(%arg16 : memref<128x16xf32, #tpu.memory_space<vmem>>) target(%dma_start3A_37 : memref<10240x16xf32, #tpu.memory_space<vmem_shared>>) offsets(%dma_start3A_34 : memref<128xi32, #tpu.memory_space<vmem>>) semaphore(%arg49 : memref<!tpu.dma_semaphore, #tpu.memory_space<semaphore_mem>>) {add = true}
    %dma_start3A_38 = arith.constant 2 : i32
    %dma_start3A_39 = arith.constant 0 : i32
    %dma_start3A_40 = arith.constant 0 : i32
    %dma_start3A_41 = tpu.memref_slice %arg15[%dma_start3A_38, %dma_start3A_39, %dma_start3A_40] : memref<160x1x128xi32, #tpu.memory_space<vmem>> -> memref<1x1x128xi32, #tpu.memory_space<vmem>>
    %dma_start3A_42 = tpu.memref_squeeze %dma_start3A_41 : memref<1x1x128xi32, #tpu.memory_space<vmem>> -> memref<128xi32, #tpu.memory_space<vmem>>
    %dma_start3A_43 = arith.constant 0 : i32
    %dma_start3A_44 = arith.constant 0 : i32
    %dma_start3A_45 = tpu.memref_slice %arg7[%dma_start3A_43, %dma_start3A_44] : memref<10240x16xf32, #tpu.memory_space<vmem_shared>> -> memref<10240x16xf32, #tpu.memory_space<vmem_shared>>
    tpu.enqueue_indirect_dma source(%arg16 : memref<128x16xf32, #tpu.memory_space<vmem>>) target(%dma_start3A_45 : memref<10240x16xf32, #tpu.memory_space<vmem_shared>>) offsets(%dma_start3A_42 : memref<128xi32, #tpu.memory_space<vmem>>) semaphore(%arg50 : memref<!tpu.dma_semaphore, #tpu.memory_space<semaphore_mem>>) {add = true}
    %dma_start3A_46 = arith.constant 3 : i32
    %dma_start3A_47 = arith.constant 0 : i32
    %dma_start3A_48 = arith.constant 0 : i32
    %dma_start3A_49 = tpu.memref_slice %arg15[%dma_start3A_46, %dma_start3A_47, %dma_start3A_48] : memref<160x1x128xi32, #tpu.memory_space<vmem>> -> memref<1x1x128xi32, #tpu.memory_space<vmem>>
    %dma_start3A_50 = tpu.memref_squeeze %dma_start3A_49 : memref<1x1x128xi32, #tpu.memory_space<vmem>> -> memref<128xi32, #tpu.memory_space<vmem>>
    %dma_start3A_51 = arith.constant 0 : i32
    %dma_start3A_52 = arith.constant 0 : i32
    %dma_start3A_53 = tpu.memref_slice %arg7[%dma_start3A_51, %dma_start3A_52] : memref<10240x16xf32, #tpu.memory_space<vmem_shared>> -> memref<10240x16xf32, #tpu.memory_space<vmem_shared>>
    tpu.enqueue_indirect_dma source(%arg16 : memref<128x16xf32, #tpu.memory_space<vmem>>) target(%dma_start3A_53 : memref<10240x16xf32, #tpu.memory_space<vmem_shared>>) offsets(%dma_start3A_50 : memref<128xi32, #tpu.memory_space<vmem>>) semaphore(%arg51 : memref<!tpu.dma_semaphore, #tpu.memory_space<semaphore_mem>>) {add = true}
    %dma_start3A_54 = arith.constant 4 : i32
    %dma_start3A_55 = arith.constant 0 : i32
    %dma_start3A_56 = arith.constant 0 : i32
    %dma_start3A_57 = tpu.memref_slice %arg15[%dma_start3A_54, %dma_start3A_55, %dma_start3A_56] : memref<160x1x128xi32, #tpu.memory_space<vmem>> -> memref<1x1x128xi32, #tpu.memory_space<vmem>>
    %dma_start3A_58 = tpu.memref_squeeze %dma_start3A_57 : memref<1x1x128xi32, #tpu.memory_space<vmem>> -> memref<128xi32, #tpu.memory_space<vmem>>
    %dma_start3A_59 = arith.constant 0 : i32
    %dma_start3A_60 = arith.constant 0 : i32
    %dma_start3A_61 = tpu.memref_slice %arg7[%dma_start3A_59, %dma_start3A_60] : memref<10240x16xf32, #tpu.memory_space<vmem_shared>> -> memref<10240x16xf32, #tpu.memory_space<vmem_shared>>
    tpu.enqueue_indirect_dma source(%arg16 : memref<128x16xf32, #tpu.memory_space<vmem>>) target(%dma_start3A_61 : memref<10240x16xf32, #tpu.memory_space<vmem_shared>>) offsets(%dma_start3A_58 : memref<128xi32, #tpu.memory_space<vmem>>) semaphore(%arg52 : memref<!tpu.dma_semaphore, #tpu.memory_space<semaphore_mem>>) {add = true}
    %dma_start3A_62 = arith.constant 5 : i32
    %dma_start3A_63 = arith.constant 0 : i32
    %dma_start3A_64 = arith.constant 0 : i32
    %dma_start3A_65 = tpu.memref_slice %arg15[%dma_start3A_62, %dma_start3A_63, %dma_start3A_64] : memref<160x1x128xi32, #tpu.memory_space<vmem>> -> memref<1x1x128xi32, #tpu.memory_space<vmem>>
    %dma_start3A_66 = tpu.memref_squeeze %dma_start3A_65 : memref<1x1x128xi32, #tpu.memory_space<vmem>> -> memref<128xi32, #tpu.memory_space<vmem>>
    %dma_start3A_67 = arith.constant 0 : i32
    %dma_start3A_68 = arith.constant 0 : i32
    %dma_start3A_69 = tpu.memref_slice %arg7[%dma_start3A_67, %dma_start3A_68] : memref<10240x16xf32, #tpu.memory_space<vmem_shared>> -> memref<10240x16xf32, #tpu.memory_space<vmem_shared>>
    tpu.enqueue_indirect_dma source(%arg16 : memref<128x16xf32, #tpu.memory_space<vmem>>) target(%dma_start3A_69 : memref<10240x16xf32, #tpu.memory_space<vmem_shared>>) offsets(%dma_start3A_66 : memref<128xi32, #tpu.memory_space<vmem>>) semaphore(%arg53 : memref<!tpu.dma_semaphore, #tpu.memory_space<semaphore_mem>>) {add = true}
    %dma_start3A_70 = arith.constant 6 : i32
    %dma_start3A_71 = arith.constant 0 : i32
    %dma_start3A_72 = arith.constant 0 : i32
    %dma_start3A_73 = tpu.memref_slice %arg15[%dma_start3A_70, %dma_start3A_71, %dma_start3A_72] : memref<160x1x128xi32, #tpu.memory_space<vmem>> -> memref<1x1x128xi32, #tpu.memory_space<vmem>>
    %dma_start3A_74 = tpu.memref_squeeze %dma_start3A_73 : memref<1x1x128xi32, #tpu.memory_space<vmem>> -> memref<128xi32, #tpu.memory_space<vmem>>
    %dma_start3A_75 = arith.constant 0 : i32
    %dma_start3A_76 = arith.constant 0 : i32
    %dma_start3A_77 = tpu.memref_slice %arg7[%dma_start3A_75, %dma_start3A_76] : memref<10240x16xf32, #tpu.memory_space<vmem_shared>> -> memref<10240x16xf32, #tpu.memory_space<vmem_shared>>
    tpu.enqueue_indirect_dma source(%arg16 : memref<128x16xf32, #tpu.memory_space<vmem>>) target(%dma_start3A_77 : memref<10240x16xf32, #tpu.memory_space<vmem_shared>>) offsets(%dma_start3A_74 : memref<128xi32, #tpu.memory_space<vmem>>) semaphore(%arg54 : memref<!tpu.dma_semaphore, #tpu.memory_space<semaphore_mem>>) {add = true}
    %dma_start3A_78 = arith.constant 7 : i32
    %dma_start3A_79 = arith.constant 0 : i32
    %dma_start3A_80 = arith.constant 0 : i32
    %dma_start3A_81 = tpu.memref_slice %arg15[%dma_start3A_78, %dma_start3A_79, %dma_start3A_80] : memref<160x1x128xi32, #tpu.memory_space<vmem>> -> memref<1x1x128xi32, #tpu.memory_space<vmem>>
    %dma_start3A_82 = tpu.memref_squeeze %dma_start3A_81 : memref<1x1x128xi32, #tpu.memory_space<vmem>> -> memref<128xi32, #tpu.memory_space<vmem>>
    %dma_start3A_83 = arith.constant 0 : i32
    %dma_start3A_84 = arith.constant 0 : i32
    %dma_start3A_85 = tpu.memref_slice %arg7[%dma_start3A_83, %dma_start3A_84] : memref<10240x16xf32, #tpu.memory_space<vmem_shared>> -> memref<10240x16xf32, #tpu.memory_space<vmem_shared>>
    tpu.enqueue_indirect_dma source(%arg16 : memref<128x16xf32, #tpu.memory_space<vmem>>) target(%dma_start3A_85 : memref<10240x16xf32, #tpu.memory_space<vmem_shared>>) offsets(%dma_start3A_82 : memref<128xi32, #tpu.memory_space<vmem>>) semaphore(%arg55 : memref<!tpu.dma_semaphore, #tpu.memory_space<semaphore_mem>>) {add = true}
    %scan3A_86 = arith.constant 1 : i32
    %scan3A_87 = arith.constant 19 : i32
    %scan3A_88 = arith.addi %scan3A_86, %scan3A_87 : i32
    %scan3A_89 = arith.constant 1 : i32
    scf.for %scan3A_165 = %scan3A_86 to %scan3A_88 step %scan3A_89  : i32 {
      %dma_wait3A_166 = arith.constant 0 : i32
      %dma_wait3A_167 = arith.constant 0 : i32
      %dma_wait3A_168 = arith.constant 0 : i32
      %dma_wait3A_169 = tpu.memref_slice %arg15[%dma_wait3A_166, %dma_wait3A_167, %dma_wait3A_168] : memref<160x1x128xi32, #tpu.memory_space<vmem>> -> memref<1x1x128xi32, #tpu.memory_space<vmem>>
      %dma_wait3A_170 = tpu.memref_squeeze %dma_wait3A_169 : memref<1x1x128xi32, #tpu.memory_space<vmem>> -> memref<128xi32, #tpu.memory_space<vmem>>
      %dma_wait3A_171 = arith.constant 0 : i32
      %dma_wait3A_172 = arith.constant 0 : i32
      %dma_wait3A_173 = tpu.memref_slice %arg7[%dma_wait3A_171, %dma_wait3A_172] : memref<10240x16xf32, #tpu.memory_space<vmem_shared>> -> memref<10240x16xf32, #tpu.memory_space<vmem_shared>>
      tpu.wait_indirect_dma semaphore(%arg48 : memref<!tpu.dma_semaphore, #tpu.memory_space<semaphore_mem>>) src(%arg16 : memref<128x16xf32, #tpu.memory_space<vmem>>) dst(%dma_wait3A_173 : memref<10240x16xf32, #tpu.memory_space<vmem_shared>>)
      %mul3A_174 = arith.constant 8 : i32
      %mul3A_175 = arith.muli %scan3A_165, %mul3A_174 : i32
      %add3A_176 = arith.constant 0 : i32
      %add3A_177 = arith.addi %mul3A_175, %add3A_176 : i32
      %dma_start3A_178 = arith.constant 0 : i32
      %dma_start3A_179 = arith.constant 0 : i32
      %dma_start3A_180 = tpu.memref_slice %arg15[%add3A_177, %dma_start3A_178, %dma_start3A_179] : memref<160x1x128xi32, #tpu.memory_space<vmem>> -> memref<1x1x128xi32, #tpu.memory_space<vmem>>
      %dma_start3A_181 = tpu.memref_squeeze %dma_start3A_180 : memref<1x1x128xi32, #tpu.memory_space<vmem>> -> memref<128xi32, #tpu.memory_space<vmem>>
      %dma_start3A_182 = arith.constant 0 : i32
      %dma_start3A_183 = arith.constant 0 : i32
      %dma_start3A_184 = tpu.memref_slice %arg7[%dma_start3A_182, %dma_start3A_183] : memref<10240x16xf32, #tpu.memory_space<vmem_shared>> -> memref<10240x16xf32, #tpu.memory_space<vmem_shared>>
      tpu.enqueue_indirect_dma source(%arg16 : memref<128x16xf32, #tpu.memory_space<vmem>>) target(%dma_start3A_184 : memref<10240x16xf32, #tpu.memory_space<vmem_shared>>) offsets(%dma_start3A_181 : memref<128xi32, #tpu.memory_space<vmem>>) semaphore(%arg48 : memref<!tpu.dma_semaphore, #tpu.memory_space<semaphore_mem>>) {add = true}
      %dma_wait3A_185 = arith.constant 0 : i32
      %dma_wait3A_186 = arith.constant 0 : i32
      %dma_wait3A_187 = arith.constant 0 : i32
      %dma_wait3A_188 = tpu.memref_slice %arg15[%dma_wait3A_185, %dma_wait3A_186, %dma_wait3A_187] : memref<160x1x128xi32, #tpu.memory_space<vmem>> -> memref<1x1x128xi32, #tpu.memory_space<vmem>>
      %dma_wait3A_189 = tpu.memref_squeeze %dma_wait3A_188 : memref<1x1x128xi32, #tpu.memory_space<vmem>> -> memref<128xi32, #tpu.memory_space<vmem>>
      %dma_wait3A_190 = arith.constant 0 : i32
      %dma_wait3A_191 = arith.constant 0 : i32
      %dma_wait3A_192 = tpu.memref_slice %arg7[%dma_wait3A_190, %dma_wait3A_191] : memref<10240x16xf32, #tpu.memory_space<vmem_shared>> -> memref<10240x16xf32, #tpu.memory_space<vmem_shared>>
      tpu.wait_indirect_dma semaphore(%arg49 : memref<!tpu.dma_semaphore, #tpu.memory_space<semaphore_mem>>) src(%arg16 : memref<128x16xf32, #tpu.memory_space<vmem>>) dst(%dma_wait3A_192 : memref<10240x16xf32, #tpu.memory_space<vmem_shared>>)
      %mul3A_193 = arith.constant 8 : i32
      %mul3A_194 = arith.muli %scan3A_165, %mul3A_193 : i32
      %add3A_195 = arith.constant 1 : i32
      %add3A_196 = arith.addi %mul3A_194, %add3A_195 : i32
      %dma_start3A_197 = arith.constant 0 : i32
      %dma_start3A_198 = arith.constant 0 : i32
      %dma_start3A_199 = tpu.memref_slice %arg15[%add3A_196, %dma_start3A_197, %dma_start3A_198] : memref<160x1x128xi32, #tpu.memory_space<vmem>> -> memref<1x1x128xi32, #tpu.memory_space<vmem>>
      %dma_start3A_200 = tpu.memref_squeeze %dma_start3A_199 : memref<1x1x128xi32, #tpu.memory_space<vmem>> -> memref<128xi32, #tpu.memory_space<vmem>>
      %dma_start3A_201 = arith.constant 0 : i32
      %dma_start3A_202 = arith.constant 0 : i32
      %dma_start3A_203 = tpu.memref_slice %arg7[%dma_start3A_201, %dma_start3A_202] : memref<10240x16xf32, #tpu.memory_space<vmem_shared>> -> memref<10240x16xf32, #tpu.memory_space<vmem_shared>>
      tpu.enqueue_indirect_dma source(%arg16 : memref<128x16xf32, #tpu.memory_space<vmem>>) target(%dma_start3A_203 : memref<10240x16xf32, #tpu.memory_space<vmem_shared>>) offsets(%dma_start3A_200 : memref<128xi32, #tpu.memory_space<vmem>>) semaphore(%arg49 : memref<!tpu.dma_semaphore, #tpu.memory_space<semaphore_mem>>) {add = true}
      %dma_wait3A_204 = arith.constant 0 : i32
      %dma_wait3A_205 = arith.constant 0 : i32
      %dma_wait3A_206 = arith.constant 0 : i32
      %dma_wait3A_207 = tpu.memref_slice %arg15[%dma_wait3A_204, %dma_wait3A_205, %dma_wait3A_206] : memref<160x1x128xi32, #tpu.memory_space<vmem>> -> memref<1x1x128xi32, #tpu.memory_space<vmem>>
      %dma_wait3A_208 = tpu.memref_squeeze %dma_wait3A_207 : memref<1x1x128xi32, #tpu.memory_space<vmem>> -> memref<128xi32, #tpu.memory_space<vmem>>
      %dma_wait3A_209 = arith.constant 0 : i32
      %dma_wait3A_210 = arith.constant 0 : i32
      %dma_wait3A_211 = tpu.memref_slice %arg7[%dma_wait3A_209, %dma_wait3A_210] : memref<10240x16xf32, #tpu.memory_space<vmem_shared>> -> memref<10240x16xf32, #tpu.memory_space<vmem_shared>>
      tpu.wait_indirect_dma semaphore(%arg50 : memref<!tpu.dma_semaphore, #tpu.memory_space<semaphore_mem>>) src(%arg16 : memref<128x16xf32, #tpu.memory_space<vmem>>) dst(%dma_wait3A_211 : memref<10240x16xf32, #tpu.memory_space<vmem_shared>>)
      %mul3A_212 = arith.constant 8 : i32
      %mul3A_213 = arith.muli %scan3A_165, %mul3A_212 : i32
      %add3A_214 = arith.constant 2 : i32
      %add3A_215 = arith.addi %mul3A_213, %add3A_214 : i32
      %dma_start3A_216 = arith.constant 0 : i32
      %dma_start3A_217 = arith.constant 0 : i32
      %dma_start3A_218 = tpu.memref_slice %arg15[%add3A_215, %dma_start3A_216, %dma_start3A_217] : memref<160x1x128xi32, #tpu.memory_space<vmem>> -> memref<1x1x128xi32, #tpu.memory_space<vmem>>
      %dma_start3A_219 = tpu.memref_squeeze %dma_start3A_218 : memref<1x1x128xi32, #tpu.memory_space<vmem>> -> memref<128xi32, #tpu.memory_space<vmem>>
      %dma_start3A_220 = arith.constant 0 : i32
      %dma_start3A_221 = arith.constant 0 : i32
      %dma_start3A_222 = tpu.memref_slice %arg7[%dma_start3A_220, %dma_start3A_221] : memref<10240x16xf32, #tpu.memory_space<vmem_shared>> -> memref<10240x16xf32, #tpu.memory_space<vmem_shared>>
      tpu.enqueue_indirect_dma source(%arg16 : memref<128x16xf32, #tpu.memory_space<vmem>>) target(%dma_start3A_222 : memref<10240x16xf32, #tpu.memory_space<vmem_shared>>) offsets(%dma_start3A_219 : memref<128xi32, #tpu.memory_space<vmem>>) semaphore(%arg50 : memref<!tpu.dma_semaphore, #tpu.memory_space<semaphore_mem>>) {add = true}
      %dma_wait3A_223 = arith.constant 0 : i32
      %dma_wait3A_224 = arith.constant 0 : i32
      %dma_wait3A_225 = arith.constant 0 : i32
      %dma_wait3A_226 = tpu.memref_slice %arg15[%dma_wait3A_223, %dma_wait3A_224, %dma_wait3A_225] : memref<160x1x128xi32, #tpu.memory_space<vmem>> -> memref<1x1x128xi32, #tpu.memory_space<vmem>>
      %dma_wait3A_227 = tpu.memref_squeeze %dma_wait3A_226 : memref<1x1x128xi32, #tpu.memory_space<vmem>> -> memref<128xi32, #tpu.memory_space<vmem>>
      %dma_wait3A_228 = arith.constant 0 : i32
      %dma_wait3A_229 = arith.constant 0 : i32
      %dma_wait3A_230 = tpu.memref_slice %arg7[%dma_wait3A_228, %dma_wait3A_229] : memref<10240x16xf32, #tpu.memory_space<vmem_shared>> -> memref<10240x16xf32, #tpu.memory_space<vmem_shared>>
      tpu.wait_indirect_dma semaphore(%arg51 : memref<!tpu.dma_semaphore, #tpu.memory_space<semaphore_mem>>) src(%arg16 : memref<128x16xf32, #tpu.memory_space<vmem>>) dst(%dma_wait3A_230 : memref<10240x16xf32, #tpu.memory_space<vmem_shared>>)
      %mul3A_231 = arith.constant 8 : i32
      %mul3A_232 = arith.muli %scan3A_165, %mul3A_231 : i32
      %add3A_233 = arith.constant 3 : i32
      %add3A_234 = arith.addi %mul3A_232, %add3A_233 : i32
      %dma_start3A_235 = arith.constant 0 : i32
      %dma_start3A_236 = arith.constant 0 : i32
      %dma_start3A_237 = tpu.memref_slice %arg15[%add3A_234, %dma_start3A_235, %dma_start3A_236] : memref<160x1x128xi32, #tpu.memory_space<vmem>> -> memref<1x1x128xi32, #tpu.memory_space<vmem>>
      %dma_start3A_238 = tpu.memref_squeeze %dma_start3A_237 : memref<1x1x128xi32, #tpu.memory_space<vmem>> -> memref<128xi32, #tpu.memory_space<vmem>>
      %dma_start3A_239 = arith.constant 0 : i32
      %dma_start3A_240 = arith.constant 0 : i32
      %dma_start3A_241 = tpu.memref_slice %arg7[%dma_start3A_239, %dma_start3A_240] : memref<10240x16xf32, #tpu.memory_space<vmem_shared>> -> memref<10240x16xf32, #tpu.memory_space<vmem_shared>>
      tpu.enqueue_indirect_dma source(%arg16 : memref<128x16xf32, #tpu.memory_space<vmem>>) target(%dma_start3A_241 : memref<10240x16xf32, #tpu.memory_space<vmem_shared>>) offsets(%dma_start3A_238 : memref<128xi32, #tpu.memory_space<vmem>>) semaphore(%arg51 : memref<!tpu.dma_semaphore, #tpu.memory_space<semaphore_mem>>) {add = true}
      %dma_wait3A_242 = arith.constant 0 : i32
      %dma_wait3A_243 = arith.constant 0 : i32
      %dma_wait3A_244 = arith.constant 0 : i32
      %dma_wait3A_245 = tpu.memref_slice %arg15[%dma_wait3A_242, %dma_wait3A_243, %dma_wait3A_244] : memref<160x1x128xi32, #tpu.memory_space<vmem>> -> memref<1x1x128xi32, #tpu.memory_space<vmem>>
      %dma_wait3A_246 = tpu.memref_squeeze %dma_wait3A_245 : memref<1x1x128xi32, #tpu.memory_space<vmem>> -> memref<128xi32, #tpu.memory_space<vmem>>
      %dma_wait3A_247 = arith.constant 0 : i32
      %dma_wait3A_248 = arith.constant 0 : i32
      %dma_wait3A_249 = tpu.memref_slice %arg7[%dma_wait3A_247, %dma_wait3A_248] : memref<10240x16xf32, #tpu.memory_space<vmem_shared>> -> memref<10240x16xf32, #tpu.memory_space<vmem_shared>>
      tpu.wait_indirect_dma semaphore(%arg52 : memref<!tpu.dma_semaphore, #tpu.memory_space<semaphore_mem>>) src(%arg16 : memref<128x16xf32, #tpu.memory_space<vmem>>) dst(%dma_wait3A_249 : memref<10240x16xf32, #tpu.memory_space<vmem_shared>>)
      %mul3A_250 = arith.constant 8 : i32
      %mul3A_251 = arith.muli %scan3A_165, %mul3A_250 : i32
      %add3A_252 = arith.constant 4 : i32
      %add3A_253 = arith.addi %mul3A_251, %add3A_252 : i32
      %dma_start3A_254 = arith.constant 0 : i32
      %dma_start3A_255 = arith.constant 0 : i32
      %dma_start3A_256 = tpu.memref_slice %arg15[%add3A_253, %dma_start3A_254, %dma_start3A_255] : memref<160x1x128xi32, #tpu.memory_space<vmem>> -> memref<1x1x128xi32, #tpu.memory_space<vmem>>
      %dma_start3A_257 = tpu.memref_squeeze %dma_start3A_256 : memref<1x1x128xi32, #tpu.memory_space<vmem>> -> memref<128xi32, #tpu.memory_space<vmem>>
      %dma_start3A_258 = arith.constant 0 : i32
      %dma_start3A_259 = arith.constant 0 : i32
      %dma_start3A_260 = tpu.memref_slice %arg7[%dma_start3A_258, %dma_start3A_259] : memref<10240x16xf32, #tpu.memory_space<vmem_shared>> -> memref<10240x16xf32, #tpu.memory_space<vmem_shared>>
      tpu.enqueue_indirect_dma source(%arg16 : memref<128x16xf32, #tpu.memory_space<vmem>>) target(%dma_start3A_260 : memref<10240x16xf32, #tpu.memory_space<vmem_shared>>) offsets(%dma_start3A_257 : memref<128xi32, #tpu.memory_space<vmem>>) semaphore(%arg52 : memref<!tpu.dma_semaphore, #tpu.memory_space<semaphore_mem>>) {add = true}
      %dma_wait3A_261 = arith.constant 0 : i32
      %dma_wait3A_262 = arith.constant 0 : i32
      %dma_wait3A_263 = arith.constant 0 : i32
      %dma_wait3A_264 = tpu.memref_slice %arg15[%dma_wait3A_261, %dma_wait3A_262, %dma_wait3A_263] : memref<160x1x128xi32, #tpu.memory_space<vmem>> -> memref<1x1x128xi32, #tpu.memory_space<vmem>>
      %dma_wait3A_265 = tpu.memref_squeeze %dma_wait3A_264 : memref<1x1x128xi32, #tpu.memory_space<vmem>> -> memref<128xi32, #tpu.memory_space<vmem>>
      %dma_wait3A_266 = arith.constant 0 : i32
      %dma_wait3A_267 = arith.constant 0 : i32
      %dma_wait3A_268 = tpu.memref_slice %arg7[%dma_wait3A_266, %dma_wait3A_267] : memref<10240x16xf32, #tpu.memory_space<vmem_shared>> -> memref<10240x16xf32, #tpu.memory_space<vmem_shared>>
      tpu.wait_indirect_dma semaphore(%arg53 : memref<!tpu.dma_semaphore, #tpu.memory_space<semaphore_mem>>) src(%arg16 : memref<128x16xf32, #tpu.memory_space<vmem>>) dst(%dma_wait3A_268 : memref<10240x16xf32, #tpu.memory_space<vmem_shared>>)
      %mul3A_269 = arith.constant 8 : i32
      %mul3A_270 = arith.muli %scan3A_165, %mul3A_269 : i32
      %add3A_271 = arith.constant 5 : i32
      %add3A_272 = arith.addi %mul3A_270, %add3A_271 : i32
      %dma_start3A_273 = arith.constant 0 : i32
      %dma_start3A_274 = arith.constant 0 : i32
      %dma_start3A_275 = tpu.memref_slice %arg15[%add3A_272, %dma_start3A_273, %dma_start3A_274] : memref<160x1x128xi32, #tpu.memory_space<vmem>> -> memref<1x1x128xi32, #tpu.memory_space<vmem>>
      %dma_start3A_276 = tpu.memref_squeeze %dma_start3A_275 : memref<1x1x128xi32, #tpu.memory_space<vmem>> -> memref<128xi32, #tpu.memory_space<vmem>>
      %dma_start3A_277 = arith.constant 0 : i32
      %dma_start3A_278 = arith.constant 0 : i32
      %dma_start3A_279 = tpu.memref_slice %arg7[%dma_start3A_277, %dma_start3A_278] : memref<10240x16xf32, #tpu.memory_space<vmem_shared>> -> memref<10240x16xf32, #tpu.memory_space<vmem_shared>>
      tpu.enqueue_indirect_dma source(%arg16 : memref<128x16xf32, #tpu.memory_space<vmem>>) target(%dma_start3A_279 : memref<10240x16xf32, #tpu.memory_space<vmem_shared>>) offsets(%dma_start3A_276 : memref<128xi32, #tpu.memory_space<vmem>>) semaphore(%arg53 : memref<!tpu.dma_semaphore, #tpu.memory_space<semaphore_mem>>) {add = true}
      %dma_wait3A_280 = arith.constant 0 : i32
      %dma_wait3A_281 = arith.constant 0 : i32
      %dma_wait3A_282 = arith.constant 0 : i32
      %dma_wait3A_283 = tpu.memref_slice %arg15[%dma_wait3A_280, %dma_wait3A_281, %dma_wait3A_282] : memref<160x1x128xi32, #tpu.memory_space<vmem>> -> memref<1x1x128xi32, #tpu.memory_space<vmem>>
      %dma_wait3A_284 = tpu.memref_squeeze %dma_wait3A_283 : memref<1x1x128xi32, #tpu.memory_space<vmem>> -> memref<128xi32, #tpu.memory_space<vmem>>
      %dma_wait3A_285 = arith.constant 0 : i32
      %dma_wait3A_286 = arith.constant 0 : i32
      %dma_wait3A_287 = tpu.memref_slice %arg7[%dma_wait3A_285, %dma_wait3A_286] : memref<10240x16xf32, #tpu.memory_space<vmem_shared>> -> memref<10240x16xf32, #tpu.memory_space<vmem_shared>>
      tpu.wait_indirect_dma semaphore(%arg54 : memref<!tpu.dma_semaphore, #tpu.memory_space<semaphore_mem>>) src(%arg16 : memref<128x16xf32, #tpu.memory_space<vmem>>) dst(%dma_wait3A_287 : memref<10240x16xf32, #tpu.memory_space<vmem_shared>>)
      %mul3A_288 = arith.constant 8 : i32
      %mul3A_289 = arith.muli %scan3A_165, %mul3A_288 : i32
      %add3A_290 = arith.constant 6 : i32
      %add3A_291 = arith.addi %mul3A_289, %add3A_290 : i32
      %dma_start3A_292 = arith.constant 0 : i32
      %dma_start3A_293 = arith.constant 0 : i32
      %dma_start3A_294 = tpu.memref_slice %arg15[%add3A_291, %dma_start3A_292, %dma_start3A_293] : memref<160x1x128xi32, #tpu.memory_space<vmem>> -> memref<1x1x128xi32, #tpu.memory_space<vmem>>
      %dma_start3A_295 = tpu.memref_squeeze %dma_start3A_294 : memref<1x1x128xi32, #tpu.memory_space<vmem>> -> memref<128xi32, #tpu.memory_space<vmem>>
      %dma_start3A_296 = arith.constant 0 : i32
      %dma_start3A_297 = arith.constant 0 : i32
      %dma_start3A_298 = tpu.memref_slice %arg7[%dma_start3A_296, %dma_start3A_297] : memref<10240x16xf32, #tpu.memory_space<vmem_shared>> -> memref<10240x16xf32, #tpu.memory_space<vmem_shared>>
      tpu.enqueue_indirect_dma source(%arg16 : memref<128x16xf32, #tpu.memory_space<vmem>>) target(%dma_start3A_298 : memref<10240x16xf32, #tpu.memory_space<vmem_shared>>) offsets(%dma_start3A_295 : memref<128xi32, #tpu.memory_space<vmem>>) semaphore(%arg54 : memref<!tpu.dma_semaphore, #tpu.memory_space<semaphore_mem>>) {add = true}
      %dma_wait3A_299 = arith.constant 0 : i32
      %dma_wait3A_300 = arith.constant 0 : i32
      %dma_wait3A_301 = arith.constant 0 : i32
      %dma_wait3A_302 = tpu.memref_slice %arg15[%dma_wait3A_299, %dma_wait3A_300, %dma_wait3A_301] : memref<160x1x128xi32, #tpu.memory_space<vmem>> -> memref<1x1x128xi32, #tpu.memory_space<vmem>>
      %dma_wait3A_303 = tpu.memref_squeeze %dma_wait3A_302 : memref<1x1x128xi32, #tpu.memory_space<vmem>> -> memref<128xi32, #tpu.memory_space<vmem>>
      %dma_wait3A_304 = arith.constant 0 : i32
      %dma_wait3A_305 = arith.constant 0 : i32
      %dma_wait3A_306 = tpu.memref_slice %arg7[%dma_wait3A_304, %dma_wait3A_305] : memref<10240x16xf32, #tpu.memory_space<vmem_shared>> -> memref<10240x16xf32, #tpu.memory_space<vmem_shared>>
      tpu.wait_indirect_dma semaphore(%arg55 : memref<!tpu.dma_semaphore, #tpu.memory_space<semaphore_mem>>) src(%arg16 : memref<128x16xf32, #tpu.memory_space<vmem>>) dst(%dma_wait3A_306 : memref<10240x16xf32, #tpu.memory_space<vmem_shared>>)
      %mul3A_307 = arith.constant 8 : i32
      %mul3A_308 = arith.muli %scan3A_165, %mul3A_307 : i32
      %add3A_309 = arith.constant 7 : i32
      %add3A_310 = arith.addi %mul3A_308, %add3A_309 : i32
      %dma_start3A_311 = arith.constant 0 : i32
      %dma_start3A_312 = arith.constant 0 : i32
      %dma_start3A_313 = tpu.memref_slice %arg15[%add3A_310, %dma_start3A_311, %dma_start3A_312] : memref<160x1x128xi32, #tpu.memory_space<vmem>> -> memref<1x1x128xi32, #tpu.memory_space<vmem>>
      %dma_start3A_314 = tpu.memref_squeeze %dma_start3A_313 : memref<1x1x128xi32, #tpu.memory_space<vmem>> -> memref<128xi32, #tpu.memory_space<vmem>>
      %dma_start3A_315 = arith.constant 0 : i32
      %dma_start3A_316 = arith.constant 0 : i32
      %dma_start3A_317 = tpu.memref_slice %arg7[%dma_start3A_315, %dma_start3A_316] : memref<10240x16xf32, #tpu.memory_space<vmem_shared>> -> memref<10240x16xf32, #tpu.memory_space<vmem_shared>>
      tpu.enqueue_indirect_dma source(%arg16 : memref<128x16xf32, #tpu.memory_space<vmem>>) target(%dma_start3A_317 : memref<10240x16xf32, #tpu.memory_space<vmem_shared>>) offsets(%dma_start3A_314 : memref<128xi32, #tpu.memory_space<vmem>>) semaphore(%arg55 : memref<!tpu.dma_semaphore, #tpu.memory_space<semaphore_mem>>) {add = true}
    }
    %scan3A_90 = arith.constant 19 : i32
    %dma_wait3A = arith.constant 0 : i32
    %dma_wait3A_91 = arith.constant 0 : i32
    %dma_wait3A_92 = arith.constant 0 : i32
    %dma_wait3A_93 = tpu.memref_slice %arg15[%dma_wait3A, %dma_wait3A_91, %dma_wait3A_92] : memref<160x1x128xi32, #tpu.memory_space<vmem>> -> memref<1x1x128xi32, #tpu.memory_space<vmem>>
    %dma_wait3A_94 = tpu.memref_squeeze %dma_wait3A_93 : memref<1x1x128xi32, #tpu.memory_space<vmem>> -> memref<128xi32, #tpu.memory_space<vmem>>
    %dma_wait3A_95 = arith.constant 0 : i32
    %dma_wait3A_96 = arith.constant 0 : i32
    %dma_wait3A_97 = tpu.memref_slice %arg7[%dma_wait3A_95, %dma_wait3A_96] : memref<10240x16xf32, #tpu.memory_space<vmem_shared>> -> memref<10240x16xf32, #tpu.memory_space<vmem_shared>>
    tpu.wait_indirect_dma semaphore(%arg48 : memref<!tpu.dma_semaphore, #tpu.memory_space<semaphore_mem>>) src(%arg16 : memref<128x16xf32, #tpu.memory_space<vmem>>) dst(%dma_wait3A_97 : memref<10240x16xf32, #tpu.memory_space<vmem_shared>>)
    %dma_wait3A_98 = arith.constant 0 : i32
    %dma_wait3A_99 = arith.constant 0 : i32
    %dma_wait3A_100 = arith.constant 0 : i32
    %dma_wait3A_101 = tpu.memref_slice %arg15[%dma_wait3A_98, %dma_wait3A_99, %dma_wait3A_100] : memref<160x1x128xi32, #tpu.memory_space<vmem>> -> memref<1x1x128xi32, #tpu.memory_space<vmem>>
    %dma_wait3A_102 = tpu.memref_squeeze %dma_wait3A_101 : memref<1x1x128xi32, #tpu.memory_space<vmem>> -> memref<128xi32, #tpu.memory_space<vmem>>
    %dma_wait3A_103 = arith.constant 0 : i32
    %dma_wait3A_104 = arith.constant 0 : i32
    %dma_wait3A_105 = tpu.memref_slice %arg7[%dma_wait3A_103, %dma_wait3A_104] : memref<10240x16xf32, #tpu.memory_space<vmem_shared>> -> memref<10240x16xf32, #tpu.memory_space<vmem_shared>>
    tpu.wait_indirect_dma semaphore(%arg49 : memref<!tpu.dma_semaphore, #tpu.memory_space<semaphore_mem>>) src(%arg16 : memref<128x16xf32, #tpu.memory_space<vmem>>) dst(%dma_wait3A_105 : memref<10240x16xf32, #tpu.memory_space<vmem_shared>>)
    %dma_wait3A_106 = arith.constant 0 : i32
    %dma_wait3A_107 = arith.constant 0 : i32
    %dma_wait3A_108 = arith.constant 0 : i32
    %dma_wait3A_109 = tpu.memref_slice %arg15[%dma_wait3A_106, %dma_wait3A_107, %dma_wait3A_108] : memref<160x1x128xi32, #tpu.memory_space<vmem>> -> memref<1x1x128xi32, #tpu.memory_space<vmem>>
    %dma_wait3A_110 = tpu.memref_squeeze %dma_wait3A_109 : memref<1x1x128xi32, #tpu.memory_space<vmem>> -> memref<128xi32, #tpu.memory_space<vmem>>
    %dma_wait3A_111 = arith.constant 0 : i32
    %dma_wait3A_112 = arith.constant 0 : i32
    %dma_wait3A_113 = tpu.memref_slice %arg7[%dma_wait3A_111, %dma_wait3A_112] : memref<10240x16xf32, #tpu.memory_space<vmem_shared>> -> memref<10240x16xf32, #tpu.memory_space<vmem_shared>>
    tpu.wait_indirect_dma semaphore(%arg50 : memref<!tpu.dma_semaphore, #tpu.memory_space<semaphore_mem>>) src(%arg16 : memref<128x16xf32, #tpu.memory_space<vmem>>) dst(%dma_wait3A_113 : memref<10240x16xf32, #tpu.memory_space<vmem_shared>>)
    %dma_wait3A_114 = arith.constant 0 : i32
    %dma_wait3A_115 = arith.constant 0 : i32
    %dma_wait3A_116 = arith.constant 0 : i32
    %dma_wait3A_117 = tpu.memref_slice %arg15[%dma_wait3A_114, %dma_wait3A_115, %dma_wait3A_116] : memref<160x1x128xi32, #tpu.memory_space<vmem>> -> memref<1x1x128xi32, #tpu.memory_space<vmem>>
    %dma_wait3A_118 = tpu.memref_squeeze %dma_wait3A_117 : memref<1x1x128xi32, #tpu.memory_space<vmem>> -> memref<128xi32, #tpu.memory_space<vmem>>
    %dma_wait3A_119 = arith.constant 0 : i32
    %dma_wait3A_120 = arith.constant 0 : i32
    %dma_wait3A_121 = tpu.memref_slice %arg7[%dma_wait3A_119, %dma_wait3A_120] : memref<10240x16xf32, #tpu.memory_space<vmem_shared>> -> memref<10240x16xf32, #tpu.memory_space<vmem_shared>>
    tpu.wait_indirect_dma semaphore(%arg51 : memref<!tpu.dma_semaphore, #tpu.memory_space<semaphore_mem>>) src(%arg16 : memref<128x16xf32, #tpu.memory_space<vmem>>) dst(%dma_wait3A_121 : memref<10240x16xf32, #tpu.memory_space<vmem_shared>>)
    %dma_wait3A_122 = arith.constant 0 : i32
    %dma_wait3A_123 = arith.constant 0 : i32
    %dma_wait3A_124 = arith.constant 0 : i32
    %dma_wait3A_125 = tpu.memref_slice %arg15[%dma_wait3A_122, %dma_wait3A_123, %dma_wait3A_124] : memref<160x1x128xi32, #tpu.memory_space<vmem>> -> memref<1x1x128xi32, #tpu.memory_space<vmem>>
    %dma_wait3A_126 = tpu.memref_squeeze %dma_wait3A_125 : memref<1x1x128xi32, #tpu.memory_space<vmem>> -> memref<128xi32, #tpu.memory_space<vmem>>
    %dma_wait3A_127 = arith.constant 0 : i32
    %dma_wait3A_128 = arith.constant 0 : i32
    %dma_wait3A_129 = tpu.memref_slice %arg7[%dma_wait3A_127, %dma_wait3A_128] : memref<10240x16xf32, #tpu.memory_space<vmem_shared>> -> memref<10240x16xf32, #tpu.memory_space<vmem_shared>>
    tpu.wait_indirect_dma semaphore(%arg52 : memref<!tpu.dma_semaphore, #tpu.memory_space<semaphore_mem>>) src(%arg16 : memref<128x16xf32, #tpu.memory_space<vmem>>) dst(%dma_wait3A_129 : memref<10240x16xf32, #tpu.memory_space<vmem_shared>>)
    %dma_wait3A_130 = arith.constant 0 : i32
    %dma_wait3A_131 = arith.constant 0 : i32
    %dma_wait3A_132 = arith.constant 0 : i32
    %dma_wait3A_133 = tpu.memref_slice %arg15[%dma_wait3A_130, %dma_wait3A_131, %dma_wait3A_132] : memref<160x1x128xi32, #tpu.memory_space<vmem>> -> memref<1x1x128xi32, #tpu.memory_space<vmem>>
    %dma_wait3A_134 = tpu.memref_squeeze %dma_wait3A_133 : memref<1x1x128xi32, #tpu.memory_space<vmem>> -> memref<128xi32, #tpu.memory_space<vmem>>
    %dma_wait3A_135 = arith.constant 0 : i32
    %dma_wait3A_136 = arith.constant 0 : i32
    %dma_wait3A_137 = tpu.memref_slice %arg7[%dma_wait3A_135, %dma_wait3A_136] : memref<10240x16xf32, #tpu.memory_space<vmem_shared>> -> memref<10240x16xf32, #tpu.memory_space<vmem_shared>>
    tpu.wait_indirect_dma semaphore(%arg53 : memref<!tpu.dma_semaphore, #tpu.memory_space<semaphore_mem>>) src(%arg16 : memref<128x16xf32, #tpu.memory_space<vmem>>) dst(%dma_wait3A_137 : memref<10240x16xf32, #tpu.memory_space<vmem_shared>>)
    %dma_wait3A_138 = arith.constant 0 : i32
    %dma_wait3A_139 = arith.constant 0 : i32
    %dma_wait3A_140 = arith.constant 0 : i32
    %dma_wait3A_141 = tpu.memref_slice %arg15[%dma_wait3A_138, %dma_wait3A_139, %dma_wait3A_140] : memref<160x1x128xi32, #tpu.memory_space<vmem>> -> memref<1x1x128xi32, #tpu.memory_space<vmem>>
    %dma_wait3A_142 = tpu.memref_squeeze %dma_wait3A_141 : memref<1x1x128xi32, #tpu.memory_space<vmem>> -> memref<128xi32, #tpu.memory_space<vmem>>
    %dma_wait3A_143 = arith.constant 0 : i32
    %dma_wait3A_144 = arith.constant 0 : i32
    %dma_wait3A_145 = tpu.memref_slice %arg7[%dma_wait3A_143, %dma_wait3A_144] : memref<10240x16xf32, #tpu.memory_space<vmem_shared>> -> memref<10240x16xf32, #tpu.memory_space<vmem_shared>>
    tpu.wait_indirect_dma semaphore(%arg54 : memref<!tpu.dma_semaphore, #tpu.memory_space<semaphore_mem>>) src(%arg16 : memref<128x16xf32, #tpu.memory_space<vmem>>) dst(%dma_wait3A_145 : memref<10240x16xf32, #tpu.memory_space<vmem_shared>>)
    %dma_wait3A_146 = arith.constant 0 : i32
    %dma_wait3A_147 = arith.constant 0 : i32
    %dma_wait3A_148 = arith.constant 0 : i32
    %dma_wait3A_149 = tpu.memref_slice %arg15[%dma_wait3A_146, %dma_wait3A_147, %dma_wait3A_148] : memref<160x1x128xi32, #tpu.memory_space<vmem>> -> memref<1x1x128xi32, #tpu.memory_space<vmem>>
    %dma_wait3A_150 = tpu.memref_squeeze %dma_wait3A_149 : memref<1x1x128xi32, #tpu.memory_space<vmem>> -> memref<128xi32, #tpu.memory_space<vmem>>
    %dma_wait3A_151 = arith.constant 0 : i32
    %dma_wait3A_152 = arith.constant 0 : i32
    %dma_wait3A_153 = tpu.memref_slice %arg7[%dma_wait3A_151, %dma_wait3A_152] : memref<10240x16xf32, #tpu.memory_space<vmem_shared>> -> memref<10240x16xf32, #tpu.memory_space<vmem_shared>>
    tpu.wait_indirect_dma semaphore(%arg55 : memref<!tpu.dma_semaphore, #tpu.memory_space<semaphore_mem>>) src(%arg16 : memref<128x16xf32, #tpu.memory_space<vmem>>) dst(%dma_wait3A_153 : memref<10240x16xf32, #tpu.memory_space<vmem_shared>>)
    %barrier3A_154 = arith.constant 0 : index
    tpu.barrier barrier_id(%barrier3A_154)
    "tpu.region"() ({
      %run_scoped3A = tpu.sem_alloc : memref<!tpu.dma_semaphore, #tpu.memory_space<semaphore_mem>>
      %dma_start3A_165 = arith.constant 0 : i32
      %dma_start3A_166 = tpu.memref_slice %arg7[%mul3A_0, %dma_start3A_165] : memref<10240x16xf32, #tpu.memory_space<vmem_shared>> -> memref<640x16xf32, #tpu.memory_space<vmem_shared>>
      %dma_start3A_167 = arith.constant 0 : i32
      %dma_start3A_168 = tpu.memref_slice %arg7[%mul3A_0, %dma_start3A_167] : memref<10240x16xf32, #tpu.memory_space<vmem_shared>> -> memref<640x16xf32, #tpu.memory_space<vmem_shared>>
      tpu.enqueue_dma source(%dma_start3A_168 : memref<640x16xf32, #tpu.memory_space<vmem_shared>>) target(%arg12 : memref<640x16xf32, #tpu.memory_space<vmem>>) target_semaphore(%run_scoped3A : memref<!tpu.dma_semaphore, #tpu.memory_space<semaphore_mem>>)
      %dma_wait3A_169 = arith.constant 0 : i32
      %dma_wait3A_170 = tpu.memref_slice %arg7[%mul3A_0, %dma_wait3A_169] : memref<10240x16xf32, #tpu.memory_space<vmem_shared>> -> memref<640x16xf32, #tpu.memory_space<vmem_shared>>
      %dma_wait3A_171 = arith.constant 0 : i32
      %dma_wait3A_172 = tpu.memref_slice %arg7[%mul3A_0, %dma_wait3A_171] : memref<10240x16xf32, #tpu.memory_space<vmem_shared>> -> memref<640x16xf32, #tpu.memory_space<vmem_shared>>
      tpu.wait_dma2 semaphore(%run_scoped3A : memref<!tpu.dma_semaphore, #tpu.memory_space<semaphore_mem>>) src(%dma_wait3A_172 : memref<640x16xf32, #tpu.memory_space<vmem_shared>>) dst(%arg12 : memref<640x16xf32, #tpu.memory_space<vmem>>)
      tpu.yield
    }) : () -> ()
    %scan3A_155 = arith.constant 0 : i32
    %scan3A_156 = arith.constant 160 : i32
    %scan3A_157 = arith.addi %scan3A_155, %scan3A_156 : i32
    %scan3A_158 = arith.constant 1 : i32
    scf.for %scan3A_165 = %scan3A_155 to %scan3A_157 step %scan3A_158  : i32 {
      %mul3A_166 = arith.constant 4 : i32
      %mul3A_167 = arith.muli %scan3A_165, %mul3A_166 : i32
      %add3A_168 = arith.constant 0 : i32
      %add3A_169 = arith.addi %mul3A_167, %add3A_168 : i32
      %get3A = arith.index_cast %add3A_169 : i32 to index
      %get3A_170 = arith.constant 0 : index
      %get3A_171 = tpu.vector_load %arg12[%get3A, %get3A_170] {strides = array<i32>} : memref<640x16xf32, #tpu.memory_space<vmem>>, vector<16xf32>,
      %add3A_172 = arith.constant 1.000000e+00 : f32
      %add3A_173 = vector.broadcast %add3A_172 : f32 to vector<16xf32>
      %add3A_174 = arith.addf %get3A_171, %add3A_173 : vector<16xf32>
      %bitcast3A = vector.bitcast %add3A_174 : vector<16xf32> to vector<16xi32>
      %shift_right_arithmetic3A = arith.constant 1 : i32
      %shift_right_arithmetic3A_175 = vector.broadcast %shift_right_arithmetic3A : i32 to vector<16xi32>
      %shift_right_arithmetic3A_176 = arith.shrsi %bitcast3A, %shift_right_arithmetic3A_175 : vector<16xi32>
      %sub3A = arith.constant 1597463007 : i32
      %sub3A_177 = vector.broadcast %sub3A : i32 to vector<16xi32>
      %sub3A_178 = arith.subi %sub3A_177, %shift_right_arithmetic3A_176 : vector<16xi32>
      %bitcast3A_179 = vector.bitcast %sub3A_178 : vector<16xi32> to vector<16xf32>
      %mul3A_180 = arith.constant 5.000000e-01 : f32
      %mul3A_181 = vector.broadcast %mul3A_180 : f32 to vector<16xf32>
      %mul3A_182 = arith.mulf %mul3A_181, %add3A_174 : vector<16xf32>
      %mul3A_183 = arith.mulf %mul3A_182, %bitcast3A_179 : vector<16xf32>
      %mul3A_184 = arith.mulf %mul3A_183, %bitcast3A_179 : vector<16xf32>
      %sub3A_185 = arith.constant 1.500000e+00 : f32
      %sub3A_186 = vector.broadcast %sub3A_185 : f32 to vector<16xf32>
      %sub3A_187 = arith.subf %sub3A_186, %mul3A_184 : vector<16xf32>
      %mul3A_188 = arith.mulf %bitcast3A_179, %sub3A_187 : vector<16xf32>
      %mul3A_189 = arith.constant 5.000000e-01 : f32
      %mul3A_190 = vector.broadcast %mul3A_189 : f32 to vector<16xf32>
      %mul3A_191 = arith.mulf %mul3A_190, %add3A_174 : vector<16xf32>
      %mul3A_192 = arith.mulf %mul3A_191, %mul3A_188 : vector<16xf32>
      %mul3A_193 = arith.mulf %mul3A_192, %mul3A_188 : vector<16xf32>
      %sub3A_194 = arith.constant 1.500000e+00 : f32
      %sub3A_195 = vector.broadcast %sub3A_194 : f32 to vector<16xf32>
      %sub3A_196 = arith.subf %sub3A_195, %mul3A_193 : vector<16xf32>
      %mul3A_197 = arith.mulf %mul3A_188, %sub3A_196 : vector<16xf32>
      %mul3A_198 = arith.constant 5.000000e-01 : f32
      %mul3A_199 = vector.broadcast %mul3A_198 : f32 to vector<16xf32>
      %mul3A_200 = arith.mulf %mul3A_199, %add3A_174 : vector<16xf32>
      %mul3A_201 = arith.mulf %mul3A_200, %mul3A_197 : vector<16xf32>
      %mul3A_202 = arith.mulf %mul3A_201, %mul3A_197 : vector<16xf32>
      %sub3A_203 = arith.constant 1.500000e+00 : f32
      %sub3A_204 = vector.broadcast %sub3A_203 : f32 to vector<16xf32>
      %sub3A_205 = arith.subf %sub3A_204, %mul3A_202 : vector<16xf32>
      %mul3A_206 = arith.mulf %mul3A_197, %sub3A_205 : vector<16xf32>
      %swap3A = arith.index_cast %add3A_169 : i32 to index
      %swap3A_207 = arith.constant 0 : index
      %swap3A_208 = tpu.vector_load %arg11[%swap3A, %swap3A_207] {strides = array<i32>} : memref<640x16xf32, #tpu.memory_space<vmem>>, vector<16xf32>,
      tpu.vector_store %arg11[%swap3A, %swap3A_207], %mul3A_206 {strides = array<i32>} : memref<640x16xf32, #tpu.memory_space<vmem>>, vector<16xf32>,
      %add3A_209 = arith.addi %mul3A_0, %add3A_169 : i32
      %lt3A = arith.constant 10000 : i32
      %lt3A_210 = arith.cmpi slt, %add3A_209, %lt3A : i32
      %broadcast_in_dim3A = vector.broadcast %lt3A_210 : i1 to vector<16xi1>
      %get3A_211 = arith.index_cast %add3A_169 : i32 to index
      %get3A_212 = arith.constant 0 : index
      %get3A_213 = tpu.vector_load %arg9[%get3A_211, %get3A_212] {strides = array<i32>} : memref<640x16xf32, #tpu.memory_space<vmem>>, vector<16xf32>,
      %jit3A = arith.constant 0.000000e+00 : f32
      %broadcast_in_dim3A_214 = vector.broadcast %jit3A : f32 to vector<16xf32>
      %select_n3A = arith.select %broadcast_in_dim3A, %get3A_213, %broadcast_in_dim3A_214 : vector<16xi1>, vector<16xf32>
      %swap3A_215 = arith.index_cast %add3A_169 : i32 to index
      %swap3A_216 = arith.constant 0 : index
      %swap3A_217 = tpu.vector_load %arg9[%swap3A_215, %swap3A_216] {strides = array<i32>} : memref<640x16xf32, #tpu.memory_space<vmem>>, vector<16xf32>,
      tpu.vector_store %arg9[%swap3A_215, %swap3A_216], %select_n3A {strides = array<i32>} : memref<640x16xf32, #tpu.memory_space<vmem>>, vector<16xf32>,
      %swap3A_218 = arith.index_cast %add3A_169 : i32 to index
      %swap3A_219 = arith.constant 0 : index
      %swap3A_220 = tpu.vector_load %arg10[%swap3A_218, %swap3A_219] {strides = array<i32>} : memref<640x16xf32, #tpu.memory_space<vmem>>, vector<16xf32>,
      tpu.vector_store %arg10[%swap3A_218, %swap3A_219], %select_n3A {strides = array<i32>} : memref<640x16xf32, #tpu.memory_space<vmem>>, vector<16xf32>,
      %mul3A_221 = arith.mulf %select_n3A, %mul3A_206 : vector<16xf32>
      %swap3A_222 = arith.index_cast %add3A_169 : i32 to index
      %swap3A_223 = arith.constant 0 : index
      %swap3A_224 = tpu.vector_load %arg12[%swap3A_222, %swap3A_223] {strides = array<i32>} : memref<640x16xf32, #tpu.memory_space<vmem>>, vector<16xf32>,
      tpu.vector_store %arg12[%swap3A_222, %swap3A_223], %mul3A_221 {strides = array<i32>} : memref<640x16xf32, #tpu.memory_space<vmem>>, vector<16xf32>,
      %mul3A_225 = arith.constant 4 : i32
      %mul3A_226 = arith.muli %scan3A_165, %mul3A_225 : i32
      %add3A_227 = arith.constant 1 : i32
      %add3A_228 = arith.addi %mul3A_226, %add3A_227 : i32
      %get3A_229 = arith.index_cast %add3A_228 : i32 to index
      %get3A_230 = arith.constant 0 : index
      %get3A_231 = tpu.vector_load %arg12[%get3A_229, %get3A_230] {strides = array<i32>} : memref<640x16xf32, #tpu.memory_space<vmem>>, vector<16xf32>,
      %add3A_232 = arith.constant 1.000000e+00 : f32
      %add3A_233 = vector.broadcast %add3A_232 : f32 to vector<16xf32>
      %add3A_234 = arith.addf %get3A_231, %add3A_233 : vector<16xf32>
      %bitcast3A_235 = vector.bitcast %add3A_234 : vector<16xf32> to vector<16xi32>
      %shift_right_arithmetic3A_236 = arith.constant 1 : i32
      %shift_right_arithmetic3A_237 = vector.broadcast %shift_right_arithmetic3A_236 : i32 to vector<16xi32>
      %shift_right_arithmetic3A_238 = arith.shrsi %bitcast3A_235, %shift_right_arithmetic3A_237 : vector<16xi32>
      %sub3A_239 = arith.constant 1597463007 : i32
      %sub3A_240 = vector.broadcast %sub3A_239 : i32 to vector<16xi32>
      %sub3A_241 = arith.subi %sub3A_240, %shift_right_arithmetic3A_238 : vector<16xi32>
      %bitcast3A_242 = vector.bitcast %sub3A_241 : vector<16xi32> to vector<16xf32>
      %mul3A_243 = arith.constant 5.000000e-01 : f32
      %mul3A_244 = vector.broadcast %mul3A_243 : f32 to vector<16xf32>
      %mul3A_245 = arith.mulf %mul3A_244, %add3A_234 : vector<16xf32>
      %mul3A_246 = arith.mulf %mul3A_245, %bitcast3A_242 : vector<16xf32>
      %mul3A_247 = arith.mulf %mul3A_246, %bitcast3A_242 : vector<16xf32>
      %sub3A_248 = arith.constant 1.500000e+00 : f32
      %sub3A_249 = vector.broadcast %sub3A_248 : f32 to vector<16xf32>
      %sub3A_250 = arith.subf %sub3A_249, %mul3A_247 : vector<16xf32>
      %mul3A_251 = arith.mulf %bitcast3A_242, %sub3A_250 : vector<16xf32>
      %mul3A_252 = arith.constant 5.000000e-01 : f32
      %mul3A_253 = vector.broadcast %mul3A_252 : f32 to vector<16xf32>
      %mul3A_254 = arith.mulf %mul3A_253, %add3A_234 : vector<16xf32>
      %mul3A_255 = arith.mulf %mul3A_254, %mul3A_251 : vector<16xf32>
      %mul3A_256 = arith.mulf %mul3A_255, %mul3A_251 : vector<16xf32>
      %sub3A_257 = arith.constant 1.500000e+00 : f32
      %sub3A_258 = vector.broadcast %sub3A_257 : f32 to vector<16xf32>
      %sub3A_259 = arith.subf %sub3A_258, %mul3A_256 : vector<16xf32>
      %mul3A_260 = arith.mulf %mul3A_251, %sub3A_259 : vector<16xf32>
      %mul3A_261 = arith.constant 5.000000e-01 : f32
      %mul3A_262 = vector.broadcast %mul3A_261 : f32 to vector<16xf32>
      %mul3A_263 = arith.mulf %mul3A_262, %add3A_234 : vector<16xf32>
      %mul3A_264 = arith.mulf %mul3A_263, %mul3A_260 : vector<16xf32>
      %mul3A_265 = arith.mulf %mul3A_264, %mul3A_260 : vector<16xf32>
      %sub3A_266 = arith.constant 1.500000e+00 : f32
      %sub3A_267 = vector.broadcast %sub3A_266 : f32 to vector<16xf32>
      %sub3A_268 = arith.subf %sub3A_267, %mul3A_265 : vector<16xf32>
      %mul3A_269 = arith.mulf %mul3A_260, %sub3A_268 : vector<16xf32>
      %swap3A_270 = arith.index_cast %add3A_228 : i32 to index
      %swap3A_271 = arith.constant 0 : index
      %swap3A_272 = tpu.vector_load %arg11[%swap3A_270, %swap3A_271] {strides = array<i32>} : memref<640x16xf32, #tpu.memory_space<vmem>>, vector<16xf32>,
      tpu.vector_store %arg11[%swap3A_270, %swap3A_271], %mul3A_269 {strides = array<i32>} : memref<640x16xf32, #tpu.memory_space<vmem>>, vector<16xf32>,
      %add3A_273 = arith.addi %mul3A_0, %add3A_228 : i32
      %lt3A_274 = arith.constant 10000 : i32
      %lt3A_275 = arith.cmpi slt, %add3A_273, %lt3A_274 : i32
      %broadcast_in_dim3A_276 = vector.broadcast %lt3A_275 : i1 to vector<16xi1>
      %get3A_277 = arith.index_cast %add3A_228 : i32 to index
      %get3A_278 = arith.constant 0 : index
      %get3A_279 = tpu.vector_load %arg9[%get3A_277, %get3A_278] {strides = array<i32>} : memref<640x16xf32, #tpu.memory_space<vmem>>, vector<16xf32>,
      %jit3A_280 = arith.constant 0.000000e+00 : f32
      %broadcast_in_dim3A_281 = vector.broadcast %jit3A_280 : f32 to vector<16xf32>
      %select_n3A_282 = arith.select %broadcast_in_dim3A_276, %get3A_279, %broadcast_in_dim3A_281 : vector<16xi1>, vector<16xf32>
      %swap3A_283 = arith.index_cast %add3A_228 : i32 to index
      %swap3A_284 = arith.constant 0 : index
      %swap3A_285 = tpu.vector_load %arg9[%swap3A_283, %swap3A_284] {strides = array<i32>} : memref<640x16xf32, #tpu.memory_space<vmem>>, vector<16xf32>,
      tpu.vector_store %arg9[%swap3A_283, %swap3A_284], %select_n3A_282 {strides = array<i32>} : memref<640x16xf32, #tpu.memory_space<vmem>>, vector<16xf32>,
      %swap3A_286 = arith.index_cast %add3A_228 : i32 to index
      %swap3A_287 = arith.constant 0 : index
      %swap3A_288 = tpu.vector_load %arg10[%swap3A_286, %swap3A_287] {strides = array<i32>} : memref<640x16xf32, #tpu.memory_space<vmem>>, vector<16xf32>,
      tpu.vector_store %arg10[%swap3A_286, %swap3A_287], %select_n3A_282 {strides = array<i32>} : memref<640x16xf32, #tpu.memory_space<vmem>>, vector<16xf32>,
      %mul3A_289 = arith.mulf %select_n3A_282, %mul3A_269 : vector<16xf32>
      %swap3A_290 = arith.index_cast %add3A_228 : i32 to index
      %swap3A_291 = arith.constant 0 : index
      %swap3A_292 = tpu.vector_load %arg12[%swap3A_290, %swap3A_291] {strides = array<i32>} : memref<640x16xf32, #tpu.memory_space<vmem>>, vector<16xf32>,
      tpu.vector_store %arg12[%swap3A_290, %swap3A_291], %mul3A_289 {strides = array<i32>} : memref<640x16xf32, #tpu.memory_space<vmem>>, vector<16xf32>,
      %mul3A_293 = arith.constant 4 : i32
      %mul3A_294 = arith.muli %scan3A_165, %mul3A_293 : i32
      %add3A_295 = arith.constant 2 : i32
      %add3A_296 = arith.addi %mul3A_294, %add3A_295 : i32
      %get3A_297 = arith.index_cast %add3A_296 : i32 to index
      %get3A_298 = arith.constant 0 : index
      %get3A_299 = tpu.vector_load %arg12[%get3A_297, %get3A_298] {strides = array<i32>} : memref<640x16xf32, #tpu.memory_space<vmem>>, vector<16xf32>,
      %add3A_300 = arith.constant 1.000000e+00 : f32
      %add3A_301 = vector.broadcast %add3A_300 : f32 to vector<16xf32>
      %add3A_302 = arith.addf %get3A_299, %add3A_301 : vector<16xf32>
      %bitcast3A_303 = vector.bitcast %add3A_302 : vector<16xf32> to vector<16xi32>
      %shift_right_arithmetic3A_304 = arith.constant 1 : i32
      %shift_right_arithmetic3A_305 = vector.broadcast %shift_right_arithmetic3A_304 : i32 to vector<16xi32>
      %shift_right_arithmetic3A_306 = arith.shrsi %bitcast3A_303, %shift_right_arithmetic3A_305 : vector<16xi32>
      %sub3A_307 = arith.constant 1597463007 : i32
      %sub3A_308 = vector.broadcast %sub3A_307 : i32 to vector<16xi32>
      %sub3A_309 = arith.subi %sub3A_308, %shift_right_arithmetic3A_306 : vector<16xi32>
      %bitcast3A_310 = vector.bitcast %sub3A_309 : vector<16xi32> to vector<16xf32>
      %mul3A_311 = arith.constant 5.000000e-01 : f32
      %mul3A_312 = vector.broadcast %mul3A_311 : f32 to vector<16xf32>
      %mul3A_313 = arith.mulf %mul3A_312, %add3A_302 : vector<16xf32>
      %mul3A_314 = arith.mulf %mul3A_313, %bitcast3A_310 : vector<16xf32>
      %mul3A_315 = arith.mulf %mul3A_314, %bitcast3A_310 : vector<16xf32>
      %sub3A_316 = arith.constant 1.500000e+00 : f32
      %sub3A_317 = vector.broadcast %sub3A_316 : f32 to vector<16xf32>
      %sub3A_318 = arith.subf %sub3A_317, %mul3A_315 : vector<16xf32>
      %mul3A_319 = arith.mulf %bitcast3A_310, %sub3A_318 : vector<16xf32>
      %mul3A_320 = arith.constant 5.000000e-01 : f32
      %mul3A_321 = vector.broadcast %mul3A_320 : f32 to vector<16xf32>
      %mul3A_322 = arith.mulf %mul3A_321, %add3A_302 : vector<16xf32>
      %mul3A_323 = arith.mulf %mul3A_322, %mul3A_319 : vector<16xf32>
      %mul3A_324 = arith.mulf %mul3A_323, %mul3A_319 : vector<16xf32>
      %sub3A_325 = arith.constant 1.500000e+00 : f32
      %sub3A_326 = vector.broadcast %sub3A_325 : f32 to vector<16xf32>
      %sub3A_327 = arith.subf %sub3A_326, %mul3A_324 : vector<16xf32>
      %mul3A_328 = arith.mulf %mul3A_319, %sub3A_327 : vector<16xf32>
      %mul3A_329 = arith.constant 5.000000e-01 : f32
      %mul3A_330 = vector.broadcast %mul3A_329 : f32 to vector<16xf32>
      %mul3A_331 = arith.mulf %mul3A_330, %add3A_302 : vector<16xf32>
      %mul3A_332 = arith.mulf %mul3A_331, %mul3A_328 : vector<16xf32>
      %mul3A_333 = arith.mulf %mul3A_332, %mul3A_328 : vector<16xf32>
      %sub3A_334 = arith.constant 1.500000e+00 : f32
      %sub3A_335 = vector.broadcast %sub3A_334 : f32 to vector<16xf32>
      %sub3A_336 = arith.subf %sub3A_335, %mul3A_333 : vector<16xf32>
      %mul3A_337 = arith.mulf %mul3A_328, %sub3A_336 : vector<16xf32>
      %swap3A_338 = arith.index_cast %add3A_296 : i32 to index
      %swap3A_339 = arith.constant 0 : index
      %swap3A_340 = tpu.vector_load %arg11[%swap3A_338, %swap3A_339] {strides = array<i32>} : memref<640x16xf32, #tpu.memory_space<vmem>>, vector<16xf32>,
      tpu.vector_store %arg11[%swap3A_338, %swap3A_339], %mul3A_337 {strides = array<i32>} : memref<640x16xf32, #tpu.memory_space<vmem>>, vector<16xf32>,
      %add3A_341 = arith.addi %mul3A_0, %add3A_296 : i32
      %lt3A_342 = arith.constant 10000 : i32
      %lt3A_343 = arith.cmpi slt, %add3A_341, %lt3A_342 : i32
      %broadcast_in_dim3A_344 = vector.broadcast %lt3A_343 : i1 to vector<16xi1>
      %get3A_345 = arith.index_cast %add3A_296 : i32 to index
      %get3A_346 = arith.constant 0 : index
      %get3A_347 = tpu.vector_load %arg9[%get3A_345, %get3A_346] {strides = array<i32>} : memref<640x16xf32, #tpu.memory_space<vmem>>, vector<16xf32>,
      %jit3A_348 = arith.constant 0.000000e+00 : f32
      %broadcast_in_dim3A_349 = vector.broadcast %jit3A_348 : f32 to vector<16xf32>
      %select_n3A_350 = arith.select %broadcast_in_dim3A_344, %get3A_347, %broadcast_in_dim3A_349 : vector<16xi1>, vector<16xf32>
      %swap3A_351 = arith.index_cast %add3A_296 : i32 to index
      %swap3A_352 = arith.constant 0 : index
      %swap3A_353 = tpu.vector_load %arg9[%swap3A_351, %swap3A_352] {strides = array<i32>} : memref<640x16xf32, #tpu.memory_space<vmem>>, vector<16xf32>,
      tpu.vector_store %arg9[%swap3A_351, %swap3A_352], %select_n3A_350 {strides = array<i32>} : memref<640x16xf32, #tpu.memory_space<vmem>>, vector<16xf32>,
      %swap3A_354 = arith.index_cast %add3A_296 : i32 to index
      %swap3A_355 = arith.constant 0 : index
      %swap3A_356 = tpu.vector_load %arg10[%swap3A_354, %swap3A_355] {strides = array<i32>} : memref<640x16xf32, #tpu.memory_space<vmem>>, vector<16xf32>,
      tpu.vector_store %arg10[%swap3A_354, %swap3A_355], %select_n3A_350 {strides = array<i32>} : memref<640x16xf32, #tpu.memory_space<vmem>>, vector<16xf32>,
      %mul3A_357 = arith.mulf %select_n3A_350, %mul3A_337 : vector<16xf32>
      %swap3A_358 = arith.index_cast %add3A_296 : i32 to index
      %swap3A_359 = arith.constant 0 : index
      %swap3A_360 = tpu.vector_load %arg12[%swap3A_358, %swap3A_359] {strides = array<i32>} : memref<640x16xf32, #tpu.memory_space<vmem>>, vector<16xf32>,
      tpu.vector_store %arg12[%swap3A_358, %swap3A_359], %mul3A_357 {strides = array<i32>} : memref<640x16xf32, #tpu.memory_space<vmem>>, vector<16xf32>,
      %mul3A_361 = arith.constant 4 : i32
      %mul3A_362 = arith.muli %scan3A_165, %mul3A_361 : i32
      %add3A_363 = arith.constant 3 : i32
      %add3A_364 = arith.addi %mul3A_362, %add3A_363 : i32
      %get3A_365 = arith.index_cast %add3A_364 : i32 to index
      %get3A_366 = arith.constant 0 : index
      %get3A_367 = tpu.vector_load %arg12[%get3A_365, %get3A_366] {strides = array<i32>} : memref<640x16xf32, #tpu.memory_space<vmem>>, vector<16xf32>,
      %add3A_368 = arith.constant 1.000000e+00 : f32
      %add3A_369 = vector.broadcast %add3A_368 : f32 to vector<16xf32>
      %add3A_370 = arith.addf %get3A_367, %add3A_369 : vector<16xf32>
      %bitcast3A_371 = vector.bitcast %add3A_370 : vector<16xf32> to vector<16xi32>
      %shift_right_arithmetic3A_372 = arith.constant 1 : i32
      %shift_right_arithmetic3A_373 = vector.broadcast %shift_right_arithmetic3A_372 : i32 to vector<16xi32>
      %shift_right_arithmetic3A_374 = arith.shrsi %bitcast3A_371, %shift_right_arithmetic3A_373 : vector<16xi32>
      %sub3A_375 = arith.constant 1597463007 : i32
      %sub3A_376 = vector.broadcast %sub3A_375 : i32 to vector<16xi32>
      %sub3A_377 = arith.subi %sub3A_376, %shift_right_arithmetic3A_374 : vector<16xi32>
      %bitcast3A_378 = vector.bitcast %sub3A_377 : vector<16xi32> to vector<16xf32>
      %mul3A_379 = arith.constant 5.000000e-01 : f32
      %mul3A_380 = vector.broadcast %mul3A_379 : f32 to vector<16xf32>
      %mul3A_381 = arith.mulf %mul3A_380, %add3A_370 : vector<16xf32>
      %mul3A_382 = arith.mulf %mul3A_381, %bitcast3A_378 : vector<16xf32>
      %mul3A_383 = arith.mulf %mul3A_382, %bitcast3A_378 : vector<16xf32>
      %sub3A_384 = arith.constant 1.500000e+00 : f32
      %sub3A_385 = vector.broadcast %sub3A_384 : f32 to vector<16xf32>
      %sub3A_386 = arith.subf %sub3A_385, %mul3A_383 : vector<16xf32>
      %mul3A_387 = arith.mulf %bitcast3A_378, %sub3A_386 : vector<16xf32>
      %mul3A_388 = arith.constant 5.000000e-01 : f32
      %mul3A_389 = vector.broadcast %mul3A_388 : f32 to vector<16xf32>
      %mul3A_390 = arith.mulf %mul3A_389, %add3A_370 : vector<16xf32>
      %mul3A_391 = arith.mulf %mul3A_390, %mul3A_387 : vector<16xf32>
      %mul3A_392 = arith.mulf %mul3A_391, %mul3A_387 : vector<16xf32>
      %sub3A_393 = arith.constant 1.500000e+00 : f32
      %sub3A_394 = vector.broadcast %sub3A_393 : f32 to vector<16xf32>
      %sub3A_395 = arith.subf %sub3A_394, %mul3A_392 : vector<16xf32>
      %mul3A_396 = arith.mulf %mul3A_387, %sub3A_395 : vector<16xf32>
      %mul3A_397 = arith.constant 5.000000e-01 : f32
      %mul3A_398 = vector.broadcast %mul3A_397 : f32 to vector<16xf32>
      %mul3A_399 = arith.mulf %mul3A_398, %add3A_370 : vector<16xf32>
      %mul3A_400 = arith.mulf %mul3A_399, %mul3A_396 : vector<16xf32>
      %mul3A_401 = arith.mulf %mul3A_400, %mul3A_396 : vector<16xf32>
      %sub3A_402 = arith.constant 1.500000e+00 : f32
      %sub3A_403 = vector.broadcast %sub3A_402 : f32 to vector<16xf32>
      %sub3A_404 = arith.subf %sub3A_403, %mul3A_401 : vector<16xf32>
      %mul3A_405 = arith.mulf %mul3A_396, %sub3A_404 : vector<16xf32>
      %swap3A_406 = arith.index_cast %add3A_364 : i32 to index
      %swap3A_407 = arith.constant 0 : index
      %swap3A_408 = tpu.vector_load %arg11[%swap3A_406, %swap3A_407] {strides = array<i32>} : memref<640x16xf32, #tpu.memory_space<vmem>>, vector<16xf32>,
      tpu.vector_store %arg11[%swap3A_406, %swap3A_407], %mul3A_405 {strides = array<i32>} : memref<640x16xf32, #tpu.memory_space<vmem>>, vector<16xf32>,
      %add3A_409 = arith.addi %mul3A_0, %add3A_364 : i32
      %lt3A_410 = arith.constant 10000 : i32
      %lt3A_411 = arith.cmpi slt, %add3A_409, %lt3A_410 : i32
      %broadcast_in_dim3A_412 = vector.broadcast %lt3A_411 : i1 to vector<16xi1>
      %get3A_413 = arith.index_cast %add3A_364 : i32 to index
      %get3A_414 = arith.constant 0 : index
      %get3A_415 = tpu.vector_load %arg9[%get3A_413, %get3A_414] {strides = array<i32>} : memref<640x16xf32, #tpu.memory_space<vmem>>, vector<16xf32>,
      %jit3A_416 = arith.constant 0.000000e+00 : f32
      %broadcast_in_dim3A_417 = vector.broadcast %jit3A_416 : f32 to vector<16xf32>
      %select_n3A_418 = arith.select %broadcast_in_dim3A_412, %get3A_415, %broadcast_in_dim3A_417 : vector<16xi1>, vector<16xf32>
      %swap3A_419 = arith.index_cast %add3A_364 : i32 to index
      %swap3A_420 = arith.constant 0 : index
      %swap3A_421 = tpu.vector_load %arg9[%swap3A_419, %swap3A_420] {strides = array<i32>} : memref<640x16xf32, #tpu.memory_space<vmem>>, vector<16xf32>,
      tpu.vector_store %arg9[%swap3A_419, %swap3A_420], %select_n3A_418 {strides = array<i32>} : memref<640x16xf32, #tpu.memory_space<vmem>>, vector<16xf32>,
      %swap3A_422 = arith.index_cast %add3A_364 : i32 to index
      %swap3A_423 = arith.constant 0 : index
      %swap3A_424 = tpu.vector_load %arg10[%swap3A_422, %swap3A_423] {strides = array<i32>} : memref<640x16xf32, #tpu.memory_space<vmem>>, vector<16xf32>,
      tpu.vector_store %arg10[%swap3A_422, %swap3A_423], %select_n3A_418 {strides = array<i32>} : memref<640x16xf32, #tpu.memory_space<vmem>>, vector<16xf32>,
      %mul3A_425 = arith.mulf %select_n3A_418, %mul3A_405 : vector<16xf32>
      %swap3A_426 = arith.index_cast %add3A_364 : i32 to index
      %swap3A_427 = arith.constant 0 : index
      %swap3A_428 = tpu.vector_load %arg12[%swap3A_426, %swap3A_427] {strides = array<i32>} : memref<640x16xf32, #tpu.memory_space<vmem>>, vector<16xf32>,
      tpu.vector_store %arg12[%swap3A_426, %swap3A_427], %mul3A_425 {strides = array<i32>} : memref<640x16xf32, #tpu.memory_space<vmem>>, vector<16xf32>,
    }
    %scan3A_159 = arith.constant 160 : i32
    "tpu.region"() ({
      %run_scoped3A = tpu.sem_alloc : memref<!tpu.dma_semaphore, #tpu.memory_space<semaphore_mem>>
      %dma_start3A_165 = arith.constant 0 : i32
      %dma_start3A_166 = tpu.memref_slice %arg8[%mul3A_0, %dma_start3A_165] : memref<10240x16xf32, #tpu.memory_space<vmem_shared>> -> memref<640x16xf32, #tpu.memory_space<vmem_shared>>
      %dma_start3A_167 = arith.constant 0 : i32
      %dma_start3A_168 = tpu.memref_slice %arg8[%mul3A_0, %dma_start3A_167] : memref<10240x16xf32, #tpu.memory_space<vmem_shared>> -> memref<640x16xf32, #tpu.memory_space<vmem_shared>>
      tpu.enqueue_dma source(%arg12 : memref<640x16xf32, #tpu.memory_space<vmem>>) target(%dma_start3A_168 : memref<640x16xf32, #tpu.memory_space<vmem_shared>>) target_semaphore(%run_scoped3A : memref<!tpu.dma_semaphore, #tpu.memory_space<semaphore_mem>>)
      %dma_wait3A_169 = arith.constant 0 : i32
      %dma_wait3A_170 = tpu.memref_slice %arg8[%mul3A_0, %dma_wait3A_169] : memref<10240x16xf32, #tpu.memory_space<vmem_shared>> -> memref<640x16xf32, #tpu.memory_space<vmem_shared>>
      %dma_wait3A_171 = arith.constant 0 : i32
      %dma_wait3A_172 = tpu.memref_slice %arg8[%mul3A_0, %dma_wait3A_171] : memref<10240x16xf32, #tpu.memory_space<vmem_shared>> -> memref<640x16xf32, #tpu.memory_space<vmem_shared>>
      tpu.wait_dma2 semaphore(%run_scoped3A : memref<!tpu.dma_semaphore, #tpu.memory_space<semaphore_mem>>) src(%arg12 : memref<640x16xf32, #tpu.memory_space<vmem>>) dst(%dma_wait3A_172 : memref<640x16xf32, #tpu.memory_space<vmem_shared>>)
      tpu.yield
    }) : () -> ()
    "tpu.region"() ({
      %run_scoped3A = tpu.sem_alloc : memref<!tpu.dma_semaphore, #tpu.memory_space<semaphore_mem>>
      %dma_start3A_165 = arith.constant 0 : i32
      %dma_start3A_166 = tpu.memref_slice %arg7[%mul3A_0, %dma_start3A_165] : memref<10240x16xf32, #tpu.memory_space<vmem_shared>> -> memref<640x16xf32, #tpu.memory_space<vmem_shared>>
      %dma_start3A_167 = arith.constant 0 : i32
      %dma_start3A_168 = tpu.memref_slice %arg7[%mul3A_0, %dma_start3A_167] : memref<10240x16xf32, #tpu.memory_space<vmem_shared>> -> memref<640x16xf32, #tpu.memory_space<vmem_shared>>
      tpu.enqueue_dma source(%arg13 : memref<640x16xf32, #tpu.memory_space<vmem>>) target(%dma_start3A_168 : memref<640x16xf32, #tpu.memory_space<vmem_shared>>) target_semaphore(%run_scoped3A : memref<!tpu.dma_semaphore, #tpu.memory_space<semaphore_mem>>)
      %dma_wait3A_169 = arith.constant 0 : i32
      %dma_wait3A_170 = tpu.memref_slice %arg7[%mul3A_0, %dma_wait3A_169] : memref<10240x16xf32, #tpu.memory_space<vmem_shared>> -> memref<640x16xf32, #tpu.memory_space<vmem_shared>>
      %dma_wait3A_171 = arith.constant 0 : i32
      %dma_wait3A_172 = tpu.memref_slice %arg7[%mul3A_0, %dma_wait3A_171] : memref<10240x16xf32, #tpu.memory_space<vmem_shared>> -> memref<640x16xf32, #tpu.memory_space<vmem_shared>>
      tpu.wait_dma2 semaphore(%run_scoped3A : memref<!tpu.dma_semaphore, #tpu.memory_space<semaphore_mem>>) src(%arg13 : memref<640x16xf32, #tpu.memory_space<vmem>>) dst(%dma_wait3A_172 : memref<640x16xf32, #tpu.memory_space<vmem_shared>>)
      tpu.yield
    }) : () -> ()
    %scan3A_160 = arith.constant 0 : i32
    %scan3A_161 = arith.constant 10 : i32
    %scan3A_162 = arith.addi %scan3A_160, %scan3A_161 : i32
    %scan3A_163 = arith.constant 1 : i32
    scf.for %scan3A_165 = %scan3A_160 to %scan3A_162 step %scan3A_163  : i32 {
      %barrier3A_166 = arith.constant 0 : index
      tpu.barrier barrier_id(%barrier3A_166)
      %dma_start3A_167 = arith.constant 0 : i32
      %dma_start3A_168 = arith.constant 0 : i32
      %dma_start3A_169 = tpu.memref_slice %arg14[%dma_start3A_167, %dma_start3A_168] : memref<160x128xi32, #tpu.memory_space<vmem>> -> memref<1x128xi32, #tpu.memory_space<vmem>>
      %dma_start3A_170 = tpu.memref_squeeze %dma_start3A_169 : memref<1x128xi32, #tpu.memory_space<vmem>> -> memref<128xi32, #tpu.memory_space<vmem>>
      %dma_start3A_171 = arith.constant 0 : i32
      %dma_start3A_172 = arith.constant 0 : i32
      %dma_start3A_173 = tpu.memref_slice %arg8[%dma_start3A_171, %dma_start3A_172] : memref<10240x16xf32, #tpu.memory_space<vmem_shared>> -> memref<10240x16xf32, #tpu.memory_space<vmem_shared>>
      tpu.enqueue_indirect_dma source(%dma_start3A_173 : memref<10240x16xf32, #tpu.memory_space<vmem_shared>>) target(%arg16 : memref<128x16xf32, #tpu.memory_space<vmem>>) offsets(%dma_start3A_170 : memref<128xi32, #tpu.memory_space<vmem>>) semaphore(%arg40 : memref<!tpu.dma_semaphore, #tpu.memory_space<semaphore_mem>>)
      %dma_start3A_174 = arith.constant 1 : i32
      %dma_start3A_175 = arith.constant 0 : i32
      %dma_start3A_176 = tpu.memref_slice %arg14[%dma_start3A_174, %dma_start3A_175] : memref<160x128xi32, #tpu.memory_space<vmem>> -> memref<1x128xi32, #tpu.memory_space<vmem>>
      %dma_start3A_177 = tpu.memref_squeeze %dma_start3A_176 : memref<1x128xi32, #tpu.memory_space<vmem>> -> memref<128xi32, #tpu.memory_space<vmem>>
      %dma_start3A_178 = arith.constant 0 : i32
      %dma_start3A_179 = arith.constant 0 : i32
      %dma_start3A_180 = tpu.memref_slice %arg8[%dma_start3A_178, %dma_start3A_179] : memref<10240x16xf32, #tpu.memory_space<vmem_shared>> -> memref<10240x16xf32, #tpu.memory_space<vmem_shared>>
      tpu.enqueue_indirect_dma source(%dma_start3A_180 : memref<10240x16xf32, #tpu.memory_space<vmem_shared>>) target(%arg17 : memref<128x16xf32, #tpu.memory_space<vmem>>) offsets(%dma_start3A_177 : memref<128xi32, #tpu.memory_space<vmem>>) semaphore(%arg41 : memref<!tpu.dma_semaphore, #tpu.memory_space<semaphore_mem>>)
      %dma_start3A_181 = arith.constant 2 : i32
      %dma_start3A_182 = arith.constant 0 : i32
      %dma_start3A_183 = tpu.memref_slice %arg14[%dma_start3A_181, %dma_start3A_182] : memref<160x128xi32, #tpu.memory_space<vmem>> -> memref<1x128xi32, #tpu.memory_space<vmem>>
      %dma_start3A_184 = tpu.memref_squeeze %dma_start3A_183 : memref<1x128xi32, #tpu.memory_space<vmem>> -> memref<128xi32, #tpu.memory_space<vmem>>
      %dma_start3A_185 = arith.constant 0 : i32
      %dma_start3A_186 = arith.constant 0 : i32
      %dma_start3A_187 = tpu.memref_slice %arg8[%dma_start3A_185, %dma_start3A_186] : memref<10240x16xf32, #tpu.memory_space<vmem_shared>> -> memref<10240x16xf32, #tpu.memory_space<vmem_shared>>
      tpu.enqueue_indirect_dma source(%dma_start3A_187 : memref<10240x16xf32, #tpu.memory_space<vmem_shared>>) target(%arg18 : memref<128x16xf32, #tpu.memory_space<vmem>>) offsets(%dma_start3A_184 : memref<128xi32, #tpu.memory_space<vmem>>) semaphore(%arg42 : memref<!tpu.dma_semaphore, #tpu.memory_space<semaphore_mem>>)
      %dma_start3A_188 = arith.constant 3 : i32
      %dma_start3A_189 = arith.constant 0 : i32
      %dma_start3A_190 = tpu.memref_slice %arg14[%dma_start3A_188, %dma_start3A_189] : memref<160x128xi32, #tpu.memory_space<vmem>> -> memref<1x128xi32, #tpu.memory_space<vmem>>
      %dma_start3A_191 = tpu.memref_squeeze %dma_start3A_190 : memref<1x128xi32, #tpu.memory_space<vmem>> -> memref<128xi32, #tpu.memory_space<vmem>>
      %dma_start3A_192 = arith.constant 0 : i32
      %dma_start3A_193 = arith.constant 0 : i32
      %dma_start3A_194 = tpu.memref_slice %arg8[%dma_start3A_192, %dma_start3A_193] : memref<10240x16xf32, #tpu.memory_space<vmem_shared>> -> memref<10240x16xf32, #tpu.memory_space<vmem_shared>>
      tpu.enqueue_indirect_dma source(%dma_start3A_194 : memref<10240x16xf32, #tpu.memory_space<vmem_shared>>) target(%arg19 : memref<128x16xf32, #tpu.memory_space<vmem>>) offsets(%dma_start3A_191 : memref<128xi32, #tpu.memory_space<vmem>>) semaphore(%arg43 : memref<!tpu.dma_semaphore, #tpu.memory_space<semaphore_mem>>)
      %dma_wait3A_195 = arith.constant 0 : i32
      %dma_wait3A_196 = arith.constant 0 : i32
      %dma_wait3A_197 = tpu.memref_slice %arg14[%dma_wait3A_195, %dma_wait3A_196] : memref<160x128xi32, #tpu.memory_space<vmem>> -> memref<1x128xi32, #tpu.memory_space<vmem>>
      %dma_wait3A_198 = tpu.memref_squeeze %dma_wait3A_197 : memref<1x128xi32, #tpu.memory_space<vmem>> -> memref<128xi32, #tpu.memory_space<vmem>>
      %dma_wait3A_199 = arith.constant 0 : i32
      %dma_wait3A_200 = arith.constant 0 : i32
      %dma_wait3A_201 = tpu.memref_slice %arg8[%dma_wait3A_199, %dma_wait3A_200] : memref<10240x16xf32, #tpu.memory_space<vmem_shared>> -> memref<10240x16xf32, #tpu.memory_space<vmem_shared>>
      tpu.wait_indirect_dma semaphore(%arg40 : memref<!tpu.dma_semaphore, #tpu.memory_space<semaphore_mem>>) src(%dma_wait3A_201 : memref<10240x16xf32, #tpu.memory_space<vmem_shared>>) dst(%arg16 : memref<128x16xf32, #tpu.memory_space<vmem>>)
      %dma_start3A_202 = arith.constant 0 : i32
      %dma_start3A_203 = arith.constant 0 : i32
      %dma_start3A_204 = arith.constant 0 : i32
      %dma_start3A_205 = tpu.memref_slice %arg15[%dma_start3A_202, %dma_start3A_203, %dma_start3A_204] : memref<160x1x128xi32, #tpu.memory_space<vmem>> -> memref<1x1x128xi32, #tpu.memory_space<vmem>>
      %dma_start3A_206 = tpu.memref_squeeze %dma_start3A_205 : memref<1x1x128xi32, #tpu.memory_space<vmem>> -> memref<128xi32, #tpu.memory_space<vmem>>
      %dma_start3A_207 = arith.constant 0 : i32
      %dma_start3A_208 = arith.constant 0 : i32
      %dma_start3A_209 = tpu.memref_slice %arg7[%dma_start3A_207, %dma_start3A_208] : memref<10240x16xf32, #tpu.memory_space<vmem_shared>> -> memref<10240x16xf32, #tpu.memory_space<vmem_shared>>
      tpu.enqueue_indirect_dma source(%arg16 : memref<128x16xf32, #tpu.memory_space<vmem>>) target(%dma_start3A_209 : memref<10240x16xf32, #tpu.memory_space<vmem_shared>>) offsets(%dma_start3A_206 : memref<128xi32, #tpu.memory_space<vmem>>) semaphore(%arg48 : memref<!tpu.dma_semaphore, #tpu.memory_space<semaphore_mem>>) {add = true}
      %dma_start3A_210 = arith.constant 4 : i32
      %dma_start3A_211 = arith.constant 0 : i32
      %dma_start3A_212 = tpu.memref_slice %arg14[%dma_start3A_210, %dma_start3A_211] : memref<160x128xi32, #tpu.memory_space<vmem>> -> memref<1x128xi32, #tpu.memory_space<vmem>>
      %dma_start3A_213 = tpu.memref_squeeze %dma_start3A_212 : memref<1x128xi32, #tpu.memory_space<vmem>> -> memref<128xi32, #tpu.memory_space<vmem>>
      %dma_start3A_214 = arith.constant 0 : i32
      %dma_start3A_215 = arith.constant 0 : i32
      %dma_start3A_216 = tpu.memref_slice %arg8[%dma_start3A_214, %dma_start3A_215] : memref<10240x16xf32, #tpu.memory_space<vmem_shared>> -> memref<10240x16xf32, #tpu.memory_space<vmem_shared>>
      tpu.enqueue_indirect_dma source(%dma_start3A_216 : memref<10240x16xf32, #tpu.memory_space<vmem_shared>>) target(%arg20 : memref<128x16xf32, #tpu.memory_space<vmem>>) offsets(%dma_start3A_213 : memref<128xi32, #tpu.memory_space<vmem>>) semaphore(%arg44 : memref<!tpu.dma_semaphore, #tpu.memory_space<semaphore_mem>>)
      %dma_wait3A_217 = arith.constant 0 : i32
      %dma_wait3A_218 = arith.constant 0 : i32
      %dma_wait3A_219 = tpu.memref_slice %arg14[%dma_wait3A_217, %dma_wait3A_218] : memref<160x128xi32, #tpu.memory_space<vmem>> -> memref<1x128xi32, #tpu.memory_space<vmem>>
      %dma_wait3A_220 = tpu.memref_squeeze %dma_wait3A_219 : memref<1x128xi32, #tpu.memory_space<vmem>> -> memref<128xi32, #tpu.memory_space<vmem>>
      %dma_wait3A_221 = arith.constant 0 : i32
      %dma_wait3A_222 = arith.constant 0 : i32
      %dma_wait3A_223 = tpu.memref_slice %arg8[%dma_wait3A_221, %dma_wait3A_222] : memref<10240x16xf32, #tpu.memory_space<vmem_shared>> -> memref<10240x16xf32, #tpu.memory_space<vmem_shared>>
      tpu.wait_indirect_dma semaphore(%arg41 : memref<!tpu.dma_semaphore, #tpu.memory_space<semaphore_mem>>) src(%dma_wait3A_223 : memref<10240x16xf32, #tpu.memory_space<vmem_shared>>) dst(%arg17 : memref<128x16xf32, #tpu.memory_space<vmem>>)
      %dma_start3A_224 = arith.constant 1 : i32
      %dma_start3A_225 = arith.constant 0 : i32
      %dma_start3A_226 = arith.constant 0 : i32
      %dma_start3A_227 = tpu.memref_slice %arg15[%dma_start3A_224, %dma_start3A_225, %dma_start3A_226] : memref<160x1x128xi32, #tpu.memory_space<vmem>> -> memref<1x1x128xi32, #tpu.memory_space<vmem>>
      %dma_start3A_228 = tpu.memref_squeeze %dma_start3A_227 : memref<1x1x128xi32, #tpu.memory_space<vmem>> -> memref<128xi32, #tpu.memory_space<vmem>>
      %dma_start3A_229 = arith.constant 0 : i32
      %dma_start3A_230 = arith.constant 0 : i32
      %dma_start3A_231 = tpu.memref_slice %arg7[%dma_start3A_229, %dma_start3A_230] : memref<10240x16xf32, #tpu.memory_space<vmem_shared>> -> memref<10240x16xf32, #tpu.memory_space<vmem_shared>>
      tpu.enqueue_indirect_dma source(%arg17 : memref<128x16xf32, #tpu.memory_space<vmem>>) target(%dma_start3A_231 : memref<10240x16xf32, #tpu.memory_space<vmem_shared>>) offsets(%dma_start3A_228 : memref<128xi32, #tpu.memory_space<vmem>>) semaphore(%arg49 : memref<!tpu.dma_semaphore, #tpu.memory_space<semaphore_mem>>) {add = true}
      %dma_start3A_232 = arith.constant 5 : i32
      %dma_start3A_233 = arith.constant 0 : i32
      %dma_start3A_234 = tpu.memref_slice %arg14[%dma_start3A_232, %dma_start3A_233] : memref<160x128xi32, #tpu.memory_space<vmem>> -> memref<1x128xi32, #tpu.memory_space<vmem>>
      %dma_start3A_235 = tpu.memref_squeeze %dma_start3A_234 : memref<1x128xi32, #tpu.memory_space<vmem>> -> memref<128xi32, #tpu.memory_space<vmem>>
      %dma_start3A_236 = arith.constant 0 : i32
      %dma_start3A_237 = arith.constant 0 : i32
      %dma_start3A_238 = tpu.memref_slice %arg8[%dma_start3A_236, %dma_start3A_237] : memref<10240x16xf32, #tpu.memory_space<vmem_shared>> -> memref<10240x16xf32, #tpu.memory_space<vmem_shared>>
      tpu.enqueue_indirect_dma source(%dma_start3A_238 : memref<10240x16xf32, #tpu.memory_space<vmem_shared>>) target(%arg21 : memref<128x16xf32, #tpu.memory_space<vmem>>) offsets(%dma_start3A_235 : memref<128xi32, #tpu.memory_space<vmem>>) semaphore(%arg45 : memref<!tpu.dma_semaphore, #tpu.memory_space<semaphore_mem>>)
      %dma_wait3A_239 = arith.constant 0 : i32
      %dma_wait3A_240 = arith.constant 0 : i32
      %dma_wait3A_241 = tpu.memref_slice %arg14[%dma_wait3A_239, %dma_wait3A_240] : memref<160x128xi32, #tpu.memory_space<vmem>> -> memref<1x128xi32, #tpu.memory_space<vmem>>
      %dma_wait3A_242 = tpu.memref_squeeze %dma_wait3A_241 : memref<1x128xi32, #tpu.memory_space<vmem>> -> memref<128xi32, #tpu.memory_space<vmem>>
      %dma_wait3A_243 = arith.constant 0 : i32
      %dma_wait3A_244 = arith.constant 0 : i32
      %dma_wait3A_245 = tpu.memref_slice %arg8[%dma_wait3A_243, %dma_wait3A_244] : memref<10240x16xf32, #tpu.memory_space<vmem_shared>> -> memref<10240x16xf32, #tpu.memory_space<vmem_shared>>
      tpu.wait_indirect_dma semaphore(%arg42 : memref<!tpu.dma_semaphore, #tpu.memory_space<semaphore_mem>>) src(%dma_wait3A_245 : memref<10240x16xf32, #tpu.memory_space<vmem_shared>>) dst(%arg18 : memref<128x16xf32, #tpu.memory_space<vmem>>)
      %dma_start3A_246 = arith.constant 2 : i32
      %dma_start3A_247 = arith.constant 0 : i32
      %dma_start3A_248 = arith.constant 0 : i32
      %dma_start3A_249 = tpu.memref_slice %arg15[%dma_start3A_246, %dma_start3A_247, %dma_start3A_248] : memref<160x1x128xi32, #tpu.memory_space<vmem>> -> memref<1x1x128xi32, #tpu.memory_space<vmem>>
      %dma_start3A_250 = tpu.memref_squeeze %dma_start3A_249 : memref<1x1x128xi32, #tpu.memory_space<vmem>> -> memref<128xi32, #tpu.memory_space<vmem>>
      %dma_start3A_251 = arith.constant 0 : i32
      %dma_start3A_252 = arith.constant 0 : i32
      %dma_start3A_253 = tpu.memref_slice %arg7[%dma_start3A_251, %dma_start3A_252] : memref<10240x16xf32, #tpu.memory_space<vmem_shared>> -> memref<10240x16xf32, #tpu.memory_space<vmem_shared>>
      tpu.enqueue_indirect_dma source(%arg18 : memref<128x16xf32, #tpu.memory_space<vmem>>) target(%dma_start3A_253 : memref<10240x16xf32, #tpu.memory_space<vmem_shared>>) offsets(%dma_start3A_250 : memref<128xi32, #tpu.memory_space<vmem>>) semaphore(%arg50 : memref<!tpu.dma_semaphore, #tpu.memory_space<semaphore_mem>>) {add = true}
      %dma_start3A_254 = arith.constant 6 : i32
      %dma_start3A_255 = arith.constant 0 : i32
      %dma_start3A_256 = tpu.memref_slice %arg14[%dma_start3A_254, %dma_start3A_255] : memref<160x128xi32, #tpu.memory_space<vmem>> -> memref<1x128xi32, #tpu.memory_space<vmem>>
      %dma_start3A_257 = tpu.memref_squeeze %dma_start3A_256 : memref<1x128xi32, #tpu.memory_space<vmem>> -> memref<128xi32, #tpu.memory_space<vmem>>
      %dma_start3A_258 = arith.constant 0 : i32
      %dma_start3A_259 = arith.constant 0 : i32
      %dma_start3A_260 = tpu.memref_slice %arg8[%dma_start3A_258, %dma_start3A_259] : memref<10240x16xf32, #tpu.memory_space<vmem_shared>> -> memref<10240x16xf32, #tpu.memory_space<vmem_shared>>
      tpu.enqueue_indirect_dma source(%dma_start3A_260 : memref<10240x16xf32, #tpu.memory_space<vmem_shared>>) target(%arg22 : memref<128x16xf32, #tpu.memory_space<vmem>>) offsets(%dma_start3A_257 : memref<128xi32, #tpu.memory_space<vmem>>) semaphore(%arg46 : memref<!tpu.dma_semaphore, #tpu.memory_space<semaphore_mem>>)
      %dma_wait3A_261 = arith.constant 0 : i32
      %dma_wait3A_262 = arith.constant 0 : i32
      %dma_wait3A_263 = tpu.memref_slice %arg14[%dma_wait3A_261, %dma_wait3A_262] : memref<160x128xi32, #tpu.memory_space<vmem>> -> memref<1x128xi32, #tpu.memory_space<vmem>>
      %dma_wait3A_264 = tpu.memref_squeeze %dma_wait3A_263 : memref<1x128xi32, #tpu.memory_space<vmem>> -> memref<128xi32, #tpu.memory_space<vmem>>
      %dma_wait3A_265 = arith.constant 0 : i32
      %dma_wait3A_266 = arith.constant 0 : i32
      %dma_wait3A_267 = tpu.memref_slice %arg8[%dma_wait3A_265, %dma_wait3A_266] : memref<10240x16xf32, #tpu.memory_space<vmem_shared>> -> memref<10240x16xf32, #tpu.memory_space<vmem_shared>>
      tpu.wait_indirect_dma semaphore(%arg43 : memref<!tpu.dma_semaphore, #tpu.memory_space<semaphore_mem>>) src(%dma_wait3A_267 : memref<10240x16xf32, #tpu.memory_space<vmem_shared>>) dst(%arg19 : memref<128x16xf32, #tpu.memory_space<vmem>>)
      %dma_start3A_268 = arith.constant 3 : i32
      %dma_start3A_269 = arith.constant 0 : i32
      %dma_start3A_270 = arith.constant 0 : i32
      %dma_start3A_271 = tpu.memref_slice %arg15[%dma_start3A_268, %dma_start3A_269, %dma_start3A_270] : memref<160x1x128xi32, #tpu.memory_space<vmem>> -> memref<1x1x128xi32, #tpu.memory_space<vmem>>
      %dma_start3A_272 = tpu.memref_squeeze %dma_start3A_271 : memref<1x1x128xi32, #tpu.memory_space<vmem>> -> memref<128xi32, #tpu.memory_space<vmem>>
      %dma_start3A_273 = arith.constant 0 : i32
      %dma_start3A_274 = arith.constant 0 : i32
      %dma_start3A_275 = tpu.memref_slice %arg7[%dma_start3A_273, %dma_start3A_274] : memref<10240x16xf32, #tpu.memory_space<vmem_shared>> -> memref<10240x16xf32, #tpu.memory_space<vmem_shared>>
      tpu.enqueue_indirect_dma source(%arg19 : memref<128x16xf32, #tpu.memory_space<vmem>>) target(%dma_start3A_275 : memref<10240x16xf32, #tpu.memory_space<vmem_shared>>) offsets(%dma_start3A_272 : memref<128xi32, #tpu.memory_space<vmem>>) semaphore(%arg51 : memref<!tpu.dma_semaphore, #tpu.memory_space<semaphore_mem>>) {add = true}
      %dma_start3A_276 = arith.constant 7 : i32
      %dma_start3A_277 = arith.constant 0 : i32
      %dma_start3A_278 = tpu.memref_slice %arg14[%dma_start3A_276, %dma_start3A_277] : memref<160x128xi32, #tpu.memory_space<vmem>> -> memref<1x128xi32, #tpu.memory_space<vmem>>
      %dma_start3A_279 = tpu.memref_squeeze %dma_start3A_278 : memref<1x128xi32, #tpu.memory_space<vmem>> -> memref<128xi32, #tpu.memory_space<vmem>>
      %dma_start3A_280 = arith.constant 0 : i32
      %dma_start3A_281 = arith.constant 0 : i32
      %dma_start3A_282 = tpu.memref_slice %arg8[%dma_start3A_280, %dma_start3A_281] : memref<10240x16xf32, #tpu.memory_space<vmem_shared>> -> memref<10240x16xf32, #tpu.memory_space<vmem_shared>>
      tpu.enqueue_indirect_dma source(%dma_start3A_282 : memref<10240x16xf32, #tpu.memory_space<vmem_shared>>) target(%arg23 : memref<128x16xf32, #tpu.memory_space<vmem>>) offsets(%dma_start3A_279 : memref<128xi32, #tpu.memory_space<vmem>>) semaphore(%arg47 : memref<!tpu.dma_semaphore, #tpu.memory_space<semaphore_mem>>)
      %dma_wait3A_283 = arith.constant 0 : i32
      %dma_wait3A_284 = arith.constant 0 : i32
      %dma_wait3A_285 = tpu.memref_slice %arg14[%dma_wait3A_283, %dma_wait3A_284] : memref<160x128xi32, #tpu.memory_space<vmem>> -> memref<1x128xi32, #tpu.memory_space<vmem>>
      %dma_wait3A_286 = tpu.memref_squeeze %dma_wait3A_285 : memref<1x128xi32, #tpu.memory_space<vmem>> -> memref<128xi32, #tpu.memory_space<vmem>>
      %dma_wait3A_287 = arith.constant 0 : i32
      %dma_wait3A_288 = arith.constant 0 : i32
      %dma_wait3A_289 = tpu.memref_slice %arg8[%dma_wait3A_287, %dma_wait3A_288] : memref<10240x16xf32, #tpu.memory_space<vmem_shared>> -> memref<10240x16xf32, #tpu.memory_space<vmem_shared>>
      tpu.wait_indirect_dma semaphore(%arg44 : memref<!tpu.dma_semaphore, #tpu.memory_space<semaphore_mem>>) src(%dma_wait3A_289 : memref<10240x16xf32, #tpu.memory_space<vmem_shared>>) dst(%arg20 : memref<128x16xf32, #tpu.memory_space<vmem>>)
      %dma_start3A_290 = arith.constant 4 : i32
      %dma_start3A_291 = arith.constant 0 : i32
      %dma_start3A_292 = arith.constant 0 : i32
      %dma_start3A_293 = tpu.memref_slice %arg15[%dma_start3A_290, %dma_start3A_291, %dma_start3A_292] : memref<160x1x128xi32, #tpu.memory_space<vmem>> -> memref<1x1x128xi32, #tpu.memory_space<vmem>>
      %dma_start3A_294 = tpu.memref_squeeze %dma_start3A_293 : memref<1x1x128xi32, #tpu.memory_space<vmem>> -> memref<128xi32, #tpu.memory_space<vmem>>
      %dma_start3A_295 = arith.constant 0 : i32
      %dma_start3A_296 = arith.constant 0 : i32
      %dma_start3A_297 = tpu.memref_slice %arg7[%dma_start3A_295, %dma_start3A_296] : memref<10240x16xf32, #tpu.memory_space<vmem_shared>> -> memref<10240x16xf32, #tpu.memory_space<vmem_shared>>
      tpu.enqueue_indirect_dma source(%arg20 : memref<128x16xf32, #tpu.memory_space<vmem>>) target(%dma_start3A_297 : memref<10240x16xf32, #tpu.memory_space<vmem_shared>>) offsets(%dma_start3A_294 : memref<128xi32, #tpu.memory_space<vmem>>) semaphore(%arg52 : memref<!tpu.dma_semaphore, #tpu.memory_space<semaphore_mem>>) {add = true}
      %dma_wait3A_298 = arith.constant 0 : i32
      %dma_wait3A_299 = arith.constant 0 : i32
      %dma_wait3A_300 = arith.constant 0 : i32
      %dma_wait3A_301 = tpu.memref_slice %arg15[%dma_wait3A_298, %dma_wait3A_299, %dma_wait3A_300] : memref<160x1x128xi32, #tpu.memory_space<vmem>> -> memref<1x1x128xi32, #tpu.memory_space<vmem>>
      %dma_wait3A_302 = tpu.memref_squeeze %dma_wait3A_301 : memref<1x1x128xi32, #tpu.memory_space<vmem>> -> memref<128xi32, #tpu.memory_space<vmem>>
      %dma_wait3A_303 = arith.constant 0 : i32
      %dma_wait3A_304 = arith.constant 0 : i32
      %dma_wait3A_305 = tpu.memref_slice %arg7[%dma_wait3A_303, %dma_wait3A_304] : memref<10240x16xf32, #tpu.memory_space<vmem_shared>> -> memref<10240x16xf32, #tpu.memory_space<vmem_shared>>
      tpu.wait_indirect_dma semaphore(%arg48 : memref<!tpu.dma_semaphore, #tpu.memory_space<semaphore_mem>>) src(%arg16 : memref<128x16xf32, #tpu.memory_space<vmem>>) dst(%dma_wait3A_305 : memref<10240x16xf32, #tpu.memory_space<vmem_shared>>)
      %dma_start3A_306 = arith.constant 8 : i32
      %dma_start3A_307 = arith.constant 0 : i32
      %dma_start3A_308 = tpu.memref_slice %arg14[%dma_start3A_306, %dma_start3A_307] : memref<160x128xi32, #tpu.memory_space<vmem>> -> memref<1x128xi32, #tpu.memory_space<vmem>>
      %dma_start3A_309 = tpu.memref_squeeze %dma_start3A_308 : memref<1x128xi32, #tpu.memory_space<vmem>> -> memref<128xi32, #tpu.memory_space<vmem>>
      %dma_start3A_310 = arith.constant 0 : i32
      %dma_start3A_311 = arith.constant 0 : i32
      %dma_start3A_312 = tpu.memref_slice %arg8[%dma_start3A_310, %dma_start3A_311] : memref<10240x16xf32, #tpu.memory_space<vmem_shared>> -> memref<10240x16xf32, #tpu.memory_space<vmem_shared>>
      tpu.enqueue_indirect_dma source(%dma_start3A_312 : memref<10240x16xf32, #tpu.memory_space<vmem_shared>>) target(%arg16 : memref<128x16xf32, #tpu.memory_space<vmem>>) offsets(%dma_start3A_309 : memref<128xi32, #tpu.memory_space<vmem>>) semaphore(%arg40 : memref<!tpu.dma_semaphore, #tpu.memory_space<semaphore_mem>>)
      %dma_wait3A_313 = arith.constant 0 : i32
      %dma_wait3A_314 = arith.constant 0 : i32
      %dma_wait3A_315 = tpu.memref_slice %arg14[%dma_wait3A_313, %dma_wait3A_314] : memref<160x128xi32, #tpu.memory_space<vmem>> -> memref<1x128xi32, #tpu.memory_space<vmem>>
      %dma_wait3A_316 = tpu.memref_squeeze %dma_wait3A_315 : memref<1x128xi32, #tpu.memory_space<vmem>> -> memref<128xi32, #tpu.memory_space<vmem>>
      %dma_wait3A_317 = arith.constant 0 : i32
      %dma_wait3A_318 = arith.constant 0 : i32
      %dma_wait3A_319 = tpu.memref_slice %arg8[%dma_wait3A_317, %dma_wait3A_318] : memref<10240x16xf32, #tpu.memory_space<vmem_shared>> -> memref<10240x16xf32, #tpu.memory_space<vmem_shared>>
      tpu.wait_indirect_dma semaphore(%arg45 : memref<!tpu.dma_semaphore, #tpu.memory_space<semaphore_mem>>) src(%dma_wait3A_319 : memref<10240x16xf32, #tpu.memory_space<vmem_shared>>) dst(%arg21 : memref<128x16xf32, #tpu.memory_space<vmem>>)
      %dma_start3A_320 = arith.constant 5 : i32
      %dma_start3A_321 = arith.constant 0 : i32
      %dma_start3A_322 = arith.constant 0 : i32
      %dma_start3A_323 = tpu.memref_slice %arg15[%dma_start3A_320, %dma_start3A_321, %dma_start3A_322] : memref<160x1x128xi32, #tpu.memory_space<vmem>> -> memref<1x1x128xi32, #tpu.memory_space<vmem>>
      %dma_start3A_324 = tpu.memref_squeeze %dma_start3A_323 : memref<1x1x128xi32, #tpu.memory_space<vmem>> -> memref<128xi32, #tpu.memory_space<vmem>>
      %dma_start3A_325 = arith.constant 0 : i32
      %dma_start3A_326 = arith.constant 0 : i32
      %dma_start3A_327 = tpu.memref_slice %arg7[%dma_start3A_325, %dma_start3A_326] : memref<10240x16xf32, #tpu.memory_space<vmem_shared>> -> memref<10240x16xf32, #tpu.memory_space<vmem_shared>>
      tpu.enqueue_indirect_dma source(%arg21 : memref<128x16xf32, #tpu.memory_space<vmem>>) target(%dma_start3A_327 : memref<10240x16xf32, #tpu.memory_space<vmem_shared>>) offsets(%dma_start3A_324 : memref<128xi32, #tpu.memory_space<vmem>>) semaphore(%arg53 : memref<!tpu.dma_semaphore, #tpu.memory_space<semaphore_mem>>) {add = true}
      %dma_wait3A_328 = arith.constant 0 : i32
      %dma_wait3A_329 = arith.constant 0 : i32
      %dma_wait3A_330 = arith.constant 0 : i32
      %dma_wait3A_331 = tpu.memref_slice %arg15[%dma_wait3A_328, %dma_wait3A_329, %dma_wait3A_330] : memref<160x1x128xi32, #tpu.memory_space<vmem>> -> memref<1x1x128xi32, #tpu.memory_space<vmem>>
      %dma_wait3A_332 = tpu.memref_squeeze %dma_wait3A_331 : memref<1x1x128xi32, #tpu.memory_space<vmem>> -> memref<128xi32, #tpu.memory_space<vmem>>
      %dma_wait3A_333 = arith.constant 0 : i32
      %dma_wait3A_334 = arith.constant 0 : i32
      %dma_wait3A_335 = tpu.memref_slice %arg7[%dma_wait3A_333, %dma_wait3A_334] : memref<10240x16xf32, #tpu.memory_space<vmem_shared>> -> memref<10240x16xf32, #tpu.memory_space<vmem_shared>>
      tpu.wait_indirect_dma semaphore(%arg49 : memref<!tpu.dma_semaphore, #tpu.memory_space<semaphore_mem>>) src(%arg17 : memref<128x16xf32, #tpu.memory_space<vmem>>) dst(%dma_wait3A_335 : memref<10240x16xf32, #tpu.memory_space<vmem_shared>>)
      %dma_start3A_336 = arith.constant 9 : i32
      %dma_start3A_337 = arith.constant 0 : i32
      %dma_start3A_338 = tpu.memref_slice %arg14[%dma_start3A_336, %dma_start3A_337] : memref<160x128xi32, #tpu.memory_space<vmem>> -> memref<1x128xi32, #tpu.memory_space<vmem>>
      %dma_start3A_339 = tpu.memref_squeeze %dma_start3A_338 : memref<1x128xi32, #tpu.memory_space<vmem>> -> memref<128xi32, #tpu.memory_space<vmem>>
      %dma_start3A_340 = arith.constant 0 : i32
      %dma_start3A_341 = arith.constant 0 : i32
      %dma_start3A_342 = tpu.memref_slice %arg8[%dma_start3A_340, %dma_start3A_341] : memref<10240x16xf32, #tpu.memory_space<vmem_shared>> -> memref<10240x16xf32, #tpu.memory_space<vmem_shared>>
      tpu.enqueue_indirect_dma source(%dma_start3A_342 : memref<10240x16xf32, #tpu.memory_space<vmem_shared>>) target(%arg17 : memref<128x16xf32, #tpu.memory_space<vmem>>) offsets(%dma_start3A_339 : memref<128xi32, #tpu.memory_space<vmem>>) semaphore(%arg41 : memref<!tpu.dma_semaphore, #tpu.memory_space<semaphore_mem>>)
      %dma_wait3A_343 = arith.constant 0 : i32
      %dma_wait3A_344 = arith.constant 0 : i32
      %dma_wait3A_345 = tpu.memref_slice %arg14[%dma_wait3A_343, %dma_wait3A_344] : memref<160x128xi32, #tpu.memory_space<vmem>> -> memref<1x128xi32, #tpu.memory_space<vmem>>
      %dma_wait3A_346 = tpu.memref_squeeze %dma_wait3A_345 : memref<1x128xi32, #tpu.memory_space<vmem>> -> memref<128xi32, #tpu.memory_space<vmem>>
      %dma_wait3A_347 = arith.constant 0 : i32
      %dma_wait3A_348 = arith.constant 0 : i32
      %dma_wait3A_349 = tpu.memref_slice %arg8[%dma_wait3A_347, %dma_wait3A_348] : memref<10240x16xf32, #tpu.memory_space<vmem_shared>> -> memref<10240x16xf32, #tpu.memory_space<vmem_shared>>
      tpu.wait_indirect_dma semaphore(%arg46 : memref<!tpu.dma_semaphore, #tpu.memory_space<semaphore_mem>>) src(%dma_wait3A_349 : memref<10240x16xf32, #tpu.memory_space<vmem_shared>>) dst(%arg22 : memref<128x16xf32, #tpu.memory_space<vmem>>)
      %dma_start3A_350 = arith.constant 6 : i32
      %dma_start3A_351 = arith.constant 0 : i32
      %dma_start3A_352 = arith.constant 0 : i32
      %dma_start3A_353 = tpu.memref_slice %arg15[%dma_start3A_350, %dma_start3A_351, %dma_start3A_352] : memref<160x1x128xi32, #tpu.memory_space<vmem>> -> memref<1x1x128xi32, #tpu.memory_space<vmem>>
      %dma_start3A_354 = tpu.memref_squeeze %dma_start3A_353 : memref<1x1x128xi32, #tpu.memory_space<vmem>> -> memref<128xi32, #tpu.memory_space<vmem>>
      %dma_start3A_355 = arith.constant 0 : i32
      %dma_start3A_356 = arith.constant 0 : i32
      %dma_start3A_357 = tpu.memref_slice %arg7[%dma_start3A_355, %dma_start3A_356] : memref<10240x16xf32, #tpu.memory_space<vmem_shared>> -> memref<10240x16xf32, #tpu.memory_space<vmem_shared>>
      tpu.enqueue_indirect_dma source(%arg22 : memref<128x16xf32, #tpu.memory_space<vmem>>) target(%dma_start3A_357 : memref<10240x16xf32, #tpu.memory_space<vmem_shared>>) offsets(%dma_start3A_354 : memref<128xi32, #tpu.memory_space<vmem>>) semaphore(%arg54 : memref<!tpu.dma_semaphore, #tpu.memory_space<semaphore_mem>>) {add = true}
      %dma_wait3A_358 = arith.constant 0 : i32
      %dma_wait3A_359 = arith.constant 0 : i32
      %dma_wait3A_360 = arith.constant 0 : i32
      %dma_wait3A_361 = tpu.memref_slice %arg15[%dma_wait3A_358, %dma_wait3A_359, %dma_wait3A_360] : memref<160x1x128xi32, #tpu.memory_space<vmem>> -> memref<1x1x128xi32, #tpu.memory_space<vmem>>
      %dma_wait3A_362 = tpu.memref_squeeze %dma_wait3A_361 : memref<1x1x128xi32, #tpu.memory_space<vmem>> -> memref<128xi32, #tpu.memory_space<vmem>>
      %dma_wait3A_363 = arith.constant 0 : i32
      %dma_wait3A_364 = arith.constant 0 : i32
      %dma_wait3A_365 = tpu.memref_slice %arg7[%dma_wait3A_363, %dma_wait3A_364] : memref<10240x16xf32, #tpu.memory_space<vmem_shared>> -> memref<10240x16xf32, #tpu.memory_space<vmem_shared>>
      tpu.wait_indirect_dma semaphore(%arg50 : memref<!tpu.dma_semaphore, #tpu.memory_space<semaphore_mem>>) src(%arg18 : memref<128x16xf32, #tpu.memory_space<vmem>>) dst(%dma_wait3A_365 : memref<10240x16xf32, #tpu.memory_space<vmem_shared>>)
      %dma_start3A_366 = arith.constant 10 : i32
      %dma_start3A_367 = arith.constant 0 : i32
      %dma_start3A_368 = tpu.memref_slice %arg14[%dma_start3A_366, %dma_start3A_367] : memref<160x128xi32, #tpu.memory_space<vmem>> -> memref<1x128xi32, #tpu.memory_space<vmem>>
      %dma_start3A_369 = tpu.memref_squeeze %dma_start3A_368 : memref<1x128xi32, #tpu.memory_space<vmem>> -> memref<128xi32, #tpu.memory_space<vmem>>
      %dma_start3A_370 = arith.constant 0 : i32
      %dma_start3A_371 = arith.constant 0 : i32
      %dma_start3A_372 = tpu.memref_slice %arg8[%dma_start3A_370, %dma_start3A_371] : memref<10240x16xf32, #tpu.memory_space<vmem_shared>> -> memref<10240x16xf32, #tpu.memory_space<vmem_shared>>
      tpu.enqueue_indirect_dma source(%dma_start3A_372 : memref<10240x16xf32, #tpu.memory_space<vmem_shared>>) target(%arg18 : memref<128x16xf32, #tpu.memory_space<vmem>>) offsets(%dma_start3A_369 : memref<128xi32, #tpu.memory_space<vmem>>) semaphore(%arg42 : memref<!tpu.dma_semaphore, #tpu.memory_space<semaphore_mem>>)
      %dma_wait3A_373 = arith.constant 0 : i32
      %dma_wait3A_374 = arith.constant 0 : i32
      %dma_wait3A_375 = tpu.memref_slice %arg14[%dma_wait3A_373, %dma_wait3A_374] : memref<160x128xi32, #tpu.memory_space<vmem>> -> memref<1x128xi32, #tpu.memory_space<vmem>>
      %dma_wait3A_376 = tpu.memref_squeeze %dma_wait3A_375 : memref<1x128xi32, #tpu.memory_space<vmem>> -> memref<128xi32, #tpu.memory_space<vmem>>
      %dma_wait3A_377 = arith.constant 0 : i32
      %dma_wait3A_378 = arith.constant 0 : i32
      %dma_wait3A_379 = tpu.memref_slice %arg8[%dma_wait3A_377, %dma_wait3A_378] : memref<10240x16xf32, #tpu.memory_space<vmem_shared>> -> memref<10240x16xf32, #tpu.memory_space<vmem_shared>>
      tpu.wait_indirect_dma semaphore(%arg47 : memref<!tpu.dma_semaphore, #tpu.memory_space<semaphore_mem>>) src(%dma_wait3A_379 : memref<10240x16xf32, #tpu.memory_space<vmem_shared>>) dst(%arg23 : memref<128x16xf32, #tpu.memory_space<vmem>>)
      %dma_start3A_380 = arith.constant 7 : i32
      %dma_start3A_381 = arith.constant 0 : i32
      %dma_start3A_382 = arith.constant 0 : i32
      %dma_start3A_383 = tpu.memref_slice %arg15[%dma_start3A_380, %dma_start3A_381, %dma_start3A_382] : memref<160x1x128xi32, #tpu.memory_space<vmem>> -> memref<1x1x128xi32, #tpu.memory_space<vmem>>
      %dma_start3A_384 = tpu.memref_squeeze %dma_start3A_383 : memref<1x1x128xi32, #tpu.memory_space<vmem>> -> memref<128xi32, #tpu.memory_space<vmem>>
      %dma_start3A_385 = arith.constant 0 : i32
      %dma_start3A_386 = arith.constant 0 : i32
      %dma_start3A_387 = tpu.memref_slice %arg7[%dma_start3A_385, %dma_start3A_386] : memref<10240x16xf32, #tpu.memory_space<vmem_shared>> -> memref<10240x16xf32, #tpu.memory_space<vmem_shared>>
      tpu.enqueue_indirect_dma source(%arg23 : memref<128x16xf32, #tpu.memory_space<vmem>>) target(%dma_start3A_387 : memref<10240x16xf32, #tpu.memory_space<vmem_shared>>) offsets(%dma_start3A_384 : memref<128xi32, #tpu.memory_space<vmem>>) semaphore(%arg55 : memref<!tpu.dma_semaphore, #tpu.memory_space<semaphore_mem>>) {add = true}
      %dma_wait3A_388 = arith.constant 0 : i32
      %dma_wait3A_389 = arith.constant 0 : i32
      %dma_wait3A_390 = arith.constant 0 : i32
      %dma_wait3A_391 = tpu.memref_slice %arg15[%dma_wait3A_388, %dma_wait3A_389, %dma_wait3A_390] : memref<160x1x128xi32, #tpu.memory_space<vmem>> -> memref<1x1x128xi32, #tpu.memory_space<vmem>>
      %dma_wait3A_392 = tpu.memref_squeeze %dma_wait3A_391 : memref<1x1x128xi32, #tpu.memory_space<vmem>> -> memref<128xi32, #tpu.memory_space<vmem>>
      %dma_wait3A_393 = arith.constant 0 : i32
      %dma_wait3A_394 = arith.constant 0 : i32
      %dma_wait3A_395 = tpu.memref_slice %arg7[%dma_wait3A_393, %dma_wait3A_394] : memref<10240x16xf32, #tpu.memory_space<vmem_shared>> -> memref<10240x16xf32, #tpu.memory_space<vmem_shared>>
      tpu.wait_indirect_dma semaphore(%arg51 : memref<!tpu.dma_semaphore, #tpu.memory_space<semaphore_mem>>) src(%arg19 : memref<128x16xf32, #tpu.memory_space<vmem>>) dst(%dma_wait3A_395 : memref<10240x16xf32, #tpu.memory_space<vmem_shared>>)
      %dma_start3A_396 = arith.constant 11 : i32
      %dma_start3A_397 = arith.constant 0 : i32
      %dma_start3A_398 = tpu.memref_slice %arg14[%dma_start3A_396, %dma_start3A_397] : memref<160x128xi32, #tpu.memory_space<vmem>> -> memref<1x128xi32, #tpu.memory_space<vmem>>
      %dma_start3A_399 = tpu.memref_squeeze %dma_start3A_398 : memref<1x128xi32, #tpu.memory_space<vmem>> -> memref<128xi32, #tpu.memory_space<vmem>>
      %dma_start3A_400 = arith.constant 0 : i32
      %dma_start3A_401 = arith.constant 0 : i32
      %dma_start3A_402 = tpu.memref_slice %arg8[%dma_start3A_400, %dma_start3A_401] : memref<10240x16xf32, #tpu.memory_space<vmem_shared>> -> memref<10240x16xf32, #tpu.memory_space<vmem_shared>>
      tpu.enqueue_indirect_dma source(%dma_start3A_402 : memref<10240x16xf32, #tpu.memory_space<vmem_shared>>) target(%arg19 : memref<128x16xf32, #tpu.memory_space<vmem>>) offsets(%dma_start3A_399 : memref<128xi32, #tpu.memory_space<vmem>>) semaphore(%arg43 : memref<!tpu.dma_semaphore, #tpu.memory_space<semaphore_mem>>)
      %scan3A_403 = arith.constant 1 : i32
      %scan3A_404 = arith.constant 18 : i32
      %scan3A_405 = arith.addi %scan3A_403, %scan3A_404 : i32
      %scan3A_406 = arith.constant 1 : i32
      scf.for %scan3A_658 = %scan3A_403 to %scan3A_405 step %scan3A_406  : i32 {
        %mul3A_659 = arith.constant 8 : i32
        %mul3A_660 = arith.muli %scan3A_658, %mul3A_659 : i32
        %add3A_661 = arith.constant 0 : i32
        %add3A_662 = arith.addi %mul3A_660, %add3A_661 : i32
        %dma_wait3A_663 = arith.constant 0 : i32
        %dma_wait3A_664 = arith.constant 0 : i32
        %dma_wait3A_665 = tpu.memref_slice %arg14[%dma_wait3A_663, %dma_wait3A_664] : memref<160x128xi32, #tpu.memory_space<vmem>> -> memref<1x128xi32, #tpu.memory_space<vmem>>
        %dma_wait3A_666 = tpu.memref_squeeze %dma_wait3A_665 : memref<1x128xi32, #tpu.memory_space<vmem>> -> memref<128xi32, #tpu.memory_space<vmem>>
        %dma_wait3A_667 = arith.constant 0 : i32
        %dma_wait3A_668 = arith.constant 0 : i32
        %dma_wait3A_669 = tpu.memref_slice %arg8[%dma_wait3A_667, %dma_wait3A_668] : memref<10240x16xf32, #tpu.memory_space<vmem_shared>> -> memref<10240x16xf32, #tpu.memory_space<vmem_shared>>
        tpu.wait_indirect_dma semaphore(%arg40 : memref<!tpu.dma_semaphore, #tpu.memory_space<semaphore_mem>>) src(%dma_wait3A_669 : memref<10240x16xf32, #tpu.memory_space<vmem_shared>>) dst(%arg16 : memref<128x16xf32, #tpu.memory_space<vmem>>)
        %dma_start3A_670 = arith.constant 0 : i32
        %dma_start3A_671 = arith.constant 0 : i32
        %dma_start3A_672 = tpu.memref_slice %arg15[%add3A_662, %dma_start3A_670, %dma_start3A_671] : memref<160x1x128xi32, #tpu.memory_space<vmem>> -> memref<1x1x128xi32, #tpu.memory_space<vmem>>
        %dma_start3A_673 = tpu.memref_squeeze %dma_start3A_672 : memref<1x1x128xi32, #tpu.memory_space<vmem>> -> memref<128xi32, #tpu.memory_space<vmem>>
        %dma_start3A_674 = arith.constant 0 : i32
        %dma_start3A_675 = arith.constant 0 : i32
        %dma_start3A_676 = tpu.memref_slice %arg7[%dma_start3A_674, %dma_start3A_675] : memref<10240x16xf32, #tpu.memory_space<vmem_shared>> -> memref<10240x16xf32, #tpu.memory_space<vmem_shared>>
        tpu.enqueue_indirect_dma source(%arg16 : memref<128x16xf32, #tpu.memory_space<vmem>>) target(%dma_start3A_676 : memref<10240x16xf32, #tpu.memory_space<vmem_shared>>) offsets(%dma_start3A_673 : memref<128xi32, #tpu.memory_space<vmem>>) semaphore(%arg48 : memref<!tpu.dma_semaphore, #tpu.memory_space<semaphore_mem>>) {add = true}
        %dma_wait3A_677 = arith.constant 0 : i32
        %dma_wait3A_678 = arith.constant 0 : i32
        %dma_wait3A_679 = arith.constant 0 : i32
        %dma_wait3A_680 = tpu.memref_slice %arg15[%dma_wait3A_677, %dma_wait3A_678, %dma_wait3A_679] : memref<160x1x128xi32, #tpu.memory_space<vmem>> -> memref<1x1x128xi32, #tpu.memory_space<vmem>>
        %dma_wait3A_681 = tpu.memref_squeeze %dma_wait3A_680 : memref<1x1x128xi32, #tpu.memory_space<vmem>> -> memref<128xi32, #tpu.memory_space<vmem>>
        %dma_wait3A_682 = arith.constant 0 : i32
        %dma_wait3A_683 = arith.constant 0 : i32
        %dma_wait3A_684 = tpu.memref_slice %arg7[%dma_wait3A_682, %dma_wait3A_683] : memref<10240x16xf32, #tpu.memory_space<vmem_shared>> -> memref<10240x16xf32, #tpu.memory_space<vmem_shared>>
        tpu.wait_indirect_dma semaphore(%arg52 : memref<!tpu.dma_semaphore, #tpu.memory_space<semaphore_mem>>) src(%arg20 : memref<128x16xf32, #tpu.memory_space<vmem>>) dst(%dma_wait3A_684 : memref<10240x16xf32, #tpu.memory_space<vmem_shared>>)
        %add3A_685 = arith.constant 4 : i32
        %add3A_686 = arith.addi %add3A_662, %add3A_685 : i32
        %dma_start3A_687 = arith.constant 0 : i32
        %dma_start3A_688 = tpu.memref_slice %arg14[%add3A_686, %dma_start3A_687] : memref<160x128xi32, #tpu.memory_space<vmem>> -> memref<1x128xi32, #tpu.memory_space<vmem>>
        %dma_start3A_689 = tpu.memref_squeeze %dma_start3A_688 : memref<1x128xi32, #tpu.memory_space<vmem>> -> memref<128xi32, #tpu.memory_space<vmem>>
        %dma_start3A_690 = arith.constant 0 : i32
        %dma_start3A_691 = arith.constant 0 : i32
        %dma_start3A_692 = tpu.memref_slice %arg8[%dma_start3A_690, %dma_start3A_691] : memref<10240x16xf32, #tpu.memory_space<vmem_shared>> -> memref<10240x16xf32, #tpu.memory_space<vmem_shared>>
        tpu.enqueue_indirect_dma source(%dma_start3A_692 : memref<10240x16xf32, #tpu.memory_space<vmem_shared>>) target(%arg20 : memref<128x16xf32, #tpu.memory_space<vmem>>) offsets(%dma_start3A_689 : memref<128xi32, #tpu.memory_space<vmem>>) semaphore(%arg44 : memref<!tpu.dma_semaphore, #tpu.memory_space<semaphore_mem>>)
        %mul3A_693 = arith.constant 8 : i32
        %mul3A_694 = arith.muli %scan3A_658, %mul3A_693 : i32
        %add3A_695 = arith.constant 1 : i32
        %add3A_696 = arith.addi %mul3A_694, %add3A_695 : i32
        %dma_wait3A_697 = arith.constant 0 : i32
        %dma_wait3A_698 = arith.constant 0 : i32
        %dma_wait3A_699 = tpu.memref_slice %arg14[%dma_wait3A_697, %dma_wait3A_698] : memref<160x128xi32, #tpu.memory_space<vmem>> -> memref<1x128xi32, #tpu.memory_space<vmem>>
        %dma_wait3A_700 = tpu.memref_squeeze %dma_wait3A_699 : memref<1x128xi32, #tpu.memory_space<vmem>> -> memref<128xi32, #tpu.memory_space<vmem>>
        %dma_wait3A_701 = arith.constant 0 : i32
        %dma_wait3A_702 = arith.constant 0 : i32
        %dma_wait3A_703 = tpu.memref_slice %arg8[%dma_wait3A_701, %dma_wait3A_702] : memref<10240x16xf32, #tpu.memory_space<vmem_shared>> -> memref<10240x16xf32, #tpu.memory_space<vmem_shared>>
        tpu.wait_indirect_dma semaphore(%arg41 : memref<!tpu.dma_semaphore, #tpu.memory_space<semaphore_mem>>) src(%dma_wait3A_703 : memref<10240x16xf32, #tpu.memory_space<vmem_shared>>) dst(%arg17 : memref<128x16xf32, #tpu.memory_space<vmem>>)
        %dma_start3A_704 = arith.constant 0 : i32
        %dma_start3A_705 = arith.constant 0 : i32
        %dma_start3A_706 = tpu.memref_slice %arg15[%add3A_696, %dma_start3A_704, %dma_start3A_705] : memref<160x1x128xi32, #tpu.memory_space<vmem>> -> memref<1x1x128xi32, #tpu.memory_space<vmem>>
        %dma_start3A_707 = tpu.memref_squeeze %dma_start3A_706 : memref<1x1x128xi32, #tpu.memory_space<vmem>> -> memref<128xi32, #tpu.memory_space<vmem>>
        %dma_start3A_708 = arith.constant 0 : i32
        %dma_start3A_709 = arith.constant 0 : i32
        %dma_start3A_710 = tpu.memref_slice %arg7[%dma_start3A_708, %dma_start3A_709] : memref<10240x16xf32, #tpu.memory_space<vmem_shared>> -> memref<10240x16xf32, #tpu.memory_space<vmem_shared>>
        tpu.enqueue_indirect_dma source(%arg17 : memref<128x16xf32, #tpu.memory_space<vmem>>) target(%dma_start3A_710 : memref<10240x16xf32, #tpu.memory_space<vmem_shared>>) offsets(%dma_start3A_707 : memref<128xi32, #tpu.memory_space<vmem>>) semaphore(%arg49 : memref<!tpu.dma_semaphore, #tpu.memory_space<semaphore_mem>>) {add = true}
        %dma_wait3A_711 = arith.constant 0 : i32
        %dma_wait3A_712 = arith.constant 0 : i32
        %dma_wait3A_713 = arith.constant 0 : i32
        %dma_wait3A_714 = tpu.memref_slice %arg15[%dma_wait3A_711, %dma_wait3A_712, %dma_wait3A_713] : memref<160x1x128xi32, #tpu.memory_space<vmem>> -> memref<1x1x128xi32, #tpu.memory_space<vmem>>
        %dma_wait3A_715 = tpu.memref_squeeze %dma_wait3A_714 : memref<1x1x128xi32, #tpu.memory_space<vmem>> -> memref<128xi32, #tpu.memory_space<vmem>>
        %dma_wait3A_716 = arith.constant 0 : i32
        %dma_wait3A_717 = arith.constant 0 : i32
        %dma_wait3A_718 = tpu.memref_slice %arg7[%dma_wait3A_716, %dma_wait3A_717] : memref<10240x16xf32, #tpu.memory_space<vmem_shared>> -> memref<10240x16xf32, #tpu.memory_space<vmem_shared>>
        tpu.wait_indirect_dma semaphore(%arg53 : memref<!tpu.dma_semaphore, #tpu.memory_space<semaphore_mem>>) src(%arg21 : memref<128x16xf32, #tpu.memory_space<vmem>>) dst(%dma_wait3A_718 : memref<10240x16xf32, #tpu.memory_space<vmem_shared>>)
        %add3A_719 = arith.constant 4 : i32
        %add3A_720 = arith.addi %add3A_696, %add3A_719 : i32
        %dma_start3A_721 = arith.constant 0 : i32
        %dma_start3A_722 = tpu.memref_slice %arg14[%add3A_720, %dma_start3A_721] : memref<160x128xi32, #tpu.memory_space<vmem>> -> memref<1x128xi32, #tpu.memory_space<vmem>>
        %dma_start3A_723 = tpu.memref_squeeze %dma_start3A_722 : memref<1x128xi32, #tpu.memory_space<vmem>> -> memref<128xi32, #tpu.memory_space<vmem>>
        %dma_start3A_724 = arith.constant 0 : i32
        %dma_start3A_725 = arith.constant 0 : i32
        %dma_start3A_726 = tpu.memref_slice %arg8[%dma_start3A_724, %dma_start3A_725] : memref<10240x16xf32, #tpu.memory_space<vmem_shared>> -> memref<10240x16xf32, #tpu.memory_space<vmem_shared>>
        tpu.enqueue_indirect_dma source(%dma_start3A_726 : memref<10240x16xf32, #tpu.memory_space<vmem_shared>>) target(%arg21 : memref<128x16xf32, #tpu.memory_space<vmem>>) offsets(%dma_start3A_723 : memref<128xi32, #tpu.memory_space<vmem>>) semaphore(%arg45 : memref<!tpu.dma_semaphore, #tpu.memory_space<semaphore_mem>>)
        %mul3A_727 = arith.constant 8 : i32
        %mul3A_728 = arith.muli %scan3A_658, %mul3A_727 : i32
        %add3A_729 = arith.constant 2 : i32
        %add3A_730 = arith.addi %mul3A_728, %add3A_729 : i32
        %dma_wait3A_731 = arith.constant 0 : i32
        %dma_wait3A_732 = arith.constant 0 : i32
        %dma_wait3A_733 = tpu.memref_slice %arg14[%dma_wait3A_731, %dma_wait3A_732] : memref<160x128xi32, #tpu.memory_space<vmem>> -> memref<1x128xi32, #tpu.memory_space<vmem>>
        %dma_wait3A_734 = tpu.memref_squeeze %dma_wait3A_733 : memref<1x128xi32, #tpu.memory_space<vmem>> -> memref<128xi32, #tpu.memory_space<vmem>>
        %dma_wait3A_735 = arith.constant 0 : i32
        %dma_wait3A_736 = arith.constant 0 : i32
        %dma_wait3A_737 = tpu.memref_slice %arg8[%dma_wait3A_735, %dma_wait3A_736] : memref<10240x16xf32, #tpu.memory_space<vmem_shared>> -> memref<10240x16xf32, #tpu.memory_space<vmem_shared>>
        tpu.wait_indirect_dma semaphore(%arg42 : memref<!tpu.dma_semaphore, #tpu.memory_space<semaphore_mem>>) src(%dma_wait3A_737 : memref<10240x16xf32, #tpu.memory_space<vmem_shared>>) dst(%arg18 : memref<128x16xf32, #tpu.memory_space<vmem>>)
        %dma_start3A_738 = arith.constant 0 : i32
        %dma_start3A_739 = arith.constant 0 : i32
        %dma_start3A_740 = tpu.memref_slice %arg15[%add3A_730, %dma_start3A_738, %dma_start3A_739] : memref<160x1x128xi32, #tpu.memory_space<vmem>> -> memref<1x1x128xi32, #tpu.memory_space<vmem>>
        %dma_start3A_741 = tpu.memref_squeeze %dma_start3A_740 : memref<1x1x128xi32, #tpu.memory_space<vmem>> -> memref<128xi32, #tpu.memory_space<vmem>>
        %dma_start3A_742 = arith.constant 0 : i32
        %dma_start3A_743 = arith.constant 0 : i32
        %dma_start3A_744 = tpu.memref_slice %arg7[%dma_start3A_742, %dma_start3A_743] : memref<10240x16xf32, #tpu.memory_space<vmem_shared>> -> memref<10240x16xf32, #tpu.memory_space<vmem_shared>>
        tpu.enqueue_indirect_dma source(%arg18 : memref<128x16xf32, #tpu.memory_space<vmem>>) target(%dma_start3A_744 : memref<10240x16xf32, #tpu.memory_space<vmem_shared>>) offsets(%dma_start3A_741 : memref<128xi32, #tpu.memory_space<vmem>>) semaphore(%arg50 : memref<!tpu.dma_semaphore, #tpu.memory_space<semaphore_mem>>) {add = true}
        %dma_wait3A_745 = arith.constant 0 : i32
        %dma_wait3A_746 = arith.constant 0 : i32
        %dma_wait3A_747 = arith.constant 0 : i32
        %dma_wait3A_748 = tpu.memref_slice %arg15[%dma_wait3A_745, %dma_wait3A_746, %dma_wait3A_747] : memref<160x1x128xi32, #tpu.memory_space<vmem>> -> memref<1x1x128xi32, #tpu.memory_space<vmem>>
        %dma_wait3A_749 = tpu.memref_squeeze %dma_wait3A_748 : memref<1x1x128xi32, #tpu.memory_space<vmem>> -> memref<128xi32, #tpu.memory_space<vmem>>
        %dma_wait3A_750 = arith.constant 0 : i32
        %dma_wait3A_751 = arith.constant 0 : i32
        %dma_wait3A_752 = tpu.memref_slice %arg7[%dma_wait3A_750, %dma_wait3A_751] : memref<10240x16xf32, #tpu.memory_space<vmem_shared>> -> memref<10240x16xf32, #tpu.memory_space<vmem_shared>>
        tpu.wait_indirect_dma semaphore(%arg54 : memref<!tpu.dma_semaphore, #tpu.memory_space<semaphore_mem>>) src(%arg22 : memref<128x16xf32, #tpu.memory_space<vmem>>) dst(%dma_wait3A_752 : memref<10240x16xf32, #tpu.memory_space<vmem_shared>>)
        %add3A_753 = arith.constant 4 : i32
        %add3A_754 = arith.addi %add3A_730, %add3A_753 : i32
        %dma_start3A_755 = arith.constant 0 : i32
        %dma_start3A_756 = tpu.memref_slice %arg14[%add3A_754, %dma_start3A_755] : memref<160x128xi32, #tpu.memory_space<vmem>> -> memref<1x128xi32, #tpu.memory_space<vmem>>
        %dma_start3A_757 = tpu.memref_squeeze %dma_start3A_756 : memref<1x128xi32, #tpu.memory_space<vmem>> -> memref<128xi32, #tpu.memory_space<vmem>>
        %dma_start3A_758 = arith.constant 0 : i32
        %dma_start3A_759 = arith.constant 0 : i32
        %dma_start3A_760 = tpu.memref_slice %arg8[%dma_start3A_758, %dma_start3A_759] : memref<10240x16xf32, #tpu.memory_space<vmem_shared>> -> memref<10240x16xf32, #tpu.memory_space<vmem_shared>>
        tpu.enqueue_indirect_dma source(%dma_start3A_760 : memref<10240x16xf32, #tpu.memory_space<vmem_shared>>) target(%arg22 : memref<128x16xf32, #tpu.memory_space<vmem>>) offsets(%dma_start3A_757 : memref<128xi32, #tpu.memory_space<vmem>>) semaphore(%arg46 : memref<!tpu.dma_semaphore, #tpu.memory_space<semaphore_mem>>)
        %mul3A_761 = arith.constant 8 : i32
        %mul3A_762 = arith.muli %scan3A_658, %mul3A_761 : i32
        %add3A_763 = arith.constant 3 : i32
        %add3A_764 = arith.addi %mul3A_762, %add3A_763 : i32
        %dma_wait3A_765 = arith.constant 0 : i32
        %dma_wait3A_766 = arith.constant 0 : i32
        %dma_wait3A_767 = tpu.memref_slice %arg14[%dma_wait3A_765, %dma_wait3A_766] : memref<160x128xi32, #tpu.memory_space<vmem>> -> memref<1x128xi32, #tpu.memory_space<vmem>>
        %dma_wait3A_768 = tpu.memref_squeeze %dma_wait3A_767 : memref<1x128xi32, #tpu.memory_space<vmem>> -> memref<128xi32, #tpu.memory_space<vmem>>
        %dma_wait3A_769 = arith.constant 0 : i32
        %dma_wait3A_770 = arith.constant 0 : i32
        %dma_wait3A_771 = tpu.memref_slice %arg8[%dma_wait3A_769, %dma_wait3A_770] : memref<10240x16xf32, #tpu.memory_space<vmem_shared>> -> memref<10240x16xf32, #tpu.memory_space<vmem_shared>>
        tpu.wait_indirect_dma semaphore(%arg43 : memref<!tpu.dma_semaphore, #tpu.memory_space<semaphore_mem>>) src(%dma_wait3A_771 : memref<10240x16xf32, #tpu.memory_space<vmem_shared>>) dst(%arg19 : memref<128x16xf32, #tpu.memory_space<vmem>>)
        %dma_start3A_772 = arith.constant 0 : i32
        %dma_start3A_773 = arith.constant 0 : i32
        %dma_start3A_774 = tpu.memref_slice %arg15[%add3A_764, %dma_start3A_772, %dma_start3A_773] : memref<160x1x128xi32, #tpu.memory_space<vmem>> -> memref<1x1x128xi32, #tpu.memory_space<vmem>>
        %dma_start3A_775 = tpu.memref_squeeze %dma_start3A_774 : memref<1x1x128xi32, #tpu.memory_space<vmem>> -> memref<128xi32, #tpu.memory_space<vmem>>
        %dma_start3A_776 = arith.constant 0 : i32
        %dma_start3A_777 = arith.constant 0 : i32
        %dma_start3A_778 = tpu.memref_slice %arg7[%dma_start3A_776, %dma_start3A_777] : memref<10240x16xf32, #tpu.memory_space<vmem_shared>> -> memref<10240x16xf32, #tpu.memory_space<vmem_shared>>
        tpu.enqueue_indirect_dma source(%arg19 : memref<128x16xf32, #tpu.memory_space<vmem>>) target(%dma_start3A_778 : memref<10240x16xf32, #tpu.memory_space<vmem_shared>>) offsets(%dma_start3A_775 : memref<128xi32, #tpu.memory_space<vmem>>) semaphore(%arg51 : memref<!tpu.dma_semaphore, #tpu.memory_space<semaphore_mem>>) {add = true}
        %dma_wait3A_779 = arith.constant 0 : i32
        %dma_wait3A_780 = arith.constant 0 : i32
        %dma_wait3A_781 = arith.constant 0 : i32
        %dma_wait3A_782 = tpu.memref_slice %arg15[%dma_wait3A_779, %dma_wait3A_780, %dma_wait3A_781] : memref<160x1x128xi32, #tpu.memory_space<vmem>> -> memref<1x1x128xi32, #tpu.memory_space<vmem>>
        %dma_wait3A_783 = tpu.memref_squeeze %dma_wait3A_782 : memref<1x1x128xi32, #tpu.memory_space<vmem>> -> memref<128xi32, #tpu.memory_space<vmem>>
        %dma_wait3A_784 = arith.constant 0 : i32
        %dma_wait3A_785 = arith.constant 0 : i32
        %dma_wait3A_786 = tpu.memref_slice %arg7[%dma_wait3A_784, %dma_wait3A_785] : memref<10240x16xf32, #tpu.memory_space<vmem_shared>> -> memref<10240x16xf32, #tpu.memory_space<vmem_shared>>
        tpu.wait_indirect_dma semaphore(%arg55 : memref<!tpu.dma_semaphore, #tpu.memory_space<semaphore_mem>>) src(%arg23 : memref<128x16xf32, #tpu.memory_space<vmem>>) dst(%dma_wait3A_786 : memref<10240x16xf32, #tpu.memory_space<vmem_shared>>)
        %add3A_787 = arith.constant 4 : i32
        %add3A_788 = arith.addi %add3A_764, %add3A_787 : i32
        %dma_start3A_789 = arith.constant 0 : i32
        %dma_start3A_790 = tpu.memref_slice %arg14[%add3A_788, %dma_start3A_789] : memref<160x128xi32, #tpu.memory_space<vmem>> -> memref<1x128xi32, #tpu.memory_space<vmem>>
        %dma_start3A_791 = tpu.memref_squeeze %dma_start3A_790 : memref<1x128xi32, #tpu.memory_space<vmem>> -> memref<128xi32, #tpu.memory_space<vmem>>
        %dma_start3A_792 = arith.constant 0 : i32
        %dma_start3A_793 = arith.constant 0 : i32
        %dma_start3A_794 = tpu.memref_slice %arg8[%dma_start3A_792, %dma_start3A_793] : memref<10240x16xf32, #tpu.memory_space<vmem_shared>> -> memref<10240x16xf32, #tpu.memory_space<vmem_shared>>
        tpu.enqueue_indirect_dma source(%dma_start3A_794 : memref<10240x16xf32, #tpu.memory_space<vmem_shared>>) target(%arg23 : memref<128x16xf32, #tpu.memory_space<vmem>>) offsets(%dma_start3A_791 : memref<128xi32, #tpu.memory_space<vmem>>) semaphore(%arg47 : memref<!tpu.dma_semaphore, #tpu.memory_space<semaphore_mem>>)
        %mul3A_795 = arith.constant 8 : i32
        %mul3A_796 = arith.muli %scan3A_658, %mul3A_795 : i32
        %add3A_797 = arith.constant 4 : i32
        %add3A_798 = arith.addi %mul3A_796, %add3A_797 : i32
        %dma_wait3A_799 = arith.constant 0 : i32
        %dma_wait3A_800 = arith.constant 0 : i32
        %dma_wait3A_801 = tpu.memref_slice %arg14[%dma_wait3A_799, %dma_wait3A_800] : memref<160x128xi32, #tpu.memory_space<vmem>> -> memref<1x128xi32, #tpu.memory_space<vmem>>
        %dma_wait3A_802 = tpu.memref_squeeze %dma_wait3A_801 : memref<1x128xi32, #tpu.memory_space<vmem>> -> memref<128xi32, #tpu.memory_space<vmem>>
        %dma_wait3A_803 = arith.constant 0 : i32
        %dma_wait3A_804 = arith.constant 0 : i32
        %dma_wait3A_805 = tpu.memref_slice %arg8[%dma_wait3A_803, %dma_wait3A_804] : memref<10240x16xf32, #tpu.memory_space<vmem_shared>> -> memref<10240x16xf32, #tpu.memory_space<vmem_shared>>
        tpu.wait_indirect_dma semaphore(%arg44 : memref<!tpu.dma_semaphore, #tpu.memory_space<semaphore_mem>>) src(%dma_wait3A_805 : memref<10240x16xf32, #tpu.memory_space<vmem_shared>>) dst(%arg20 : memref<128x16xf32, #tpu.memory_space<vmem>>)
        %dma_start3A_806 = arith.constant 0 : i32
        %dma_start3A_807 = arith.constant 0 : i32
        %dma_start3A_808 = tpu.memref_slice %arg15[%add3A_798, %dma_start3A_806, %dma_start3A_807] : memref<160x1x128xi32, #tpu.memory_space<vmem>> -> memref<1x1x128xi32, #tpu.memory_space<vmem>>
        %dma_start3A_809 = tpu.memref_squeeze %dma_start3A_808 : memref<1x1x128xi32, #tpu.memory_space<vmem>> -> memref<128xi32, #tpu.memory_space<vmem>>
        %dma_start3A_810 = arith.constant 0 : i32
        %dma_start3A_811 = arith.constant 0 : i32
        %dma_start3A_812 = tpu.memref_slice %arg7[%dma_start3A_810, %dma_start3A_811] : memref<10240x16xf32, #tpu.memory_space<vmem_shared>> -> memref<10240x16xf32, #tpu.memory_space<vmem_shared>>
        tpu.enqueue_indirect_dma source(%arg20 : memref<128x16xf32, #tpu.memory_space<vmem>>) target(%dma_start3A_812 : memref<10240x16xf32, #tpu.memory_space<vmem_shared>>) offsets(%dma_start3A_809 : memref<128xi32, #tpu.memory_space<vmem>>) semaphore(%arg52 : memref<!tpu.dma_semaphore, #tpu.memory_space<semaphore_mem>>) {add = true}
        %dma_wait3A_813 = arith.constant 0 : i32
        %dma_wait3A_814 = arith.constant 0 : i32
        %dma_wait3A_815 = arith.constant 0 : i32
        %dma_wait3A_816 = tpu.memref_slice %arg15[%dma_wait3A_813, %dma_wait3A_814, %dma_wait3A_815] : memref<160x1x128xi32, #tpu.memory_space<vmem>> -> memref<1x1x128xi32, #tpu.memory_space<vmem>>
        %dma_wait3A_817 = tpu.memref_squeeze %dma_wait3A_816 : memref<1x1x128xi32, #tpu.memory_space<vmem>> -> memref<128xi32, #tpu.memory_space<vmem>>
        %dma_wait3A_818 = arith.constant 0 : i32
        %dma_wait3A_819 = arith.constant 0 : i32
        %dma_wait3A_820 = tpu.memref_slice %arg7[%dma_wait3A_818, %dma_wait3A_819] : memref<10240x16xf32, #tpu.memory_space<vmem_shared>> -> memref<10240x16xf32, #tpu.memory_space<vmem_shared>>
        tpu.wait_indirect_dma semaphore(%arg48 : memref<!tpu.dma_semaphore, #tpu.memory_space<semaphore_mem>>) src(%arg16 : memref<128x16xf32, #tpu.memory_space<vmem>>) dst(%dma_wait3A_820 : memref<10240x16xf32, #tpu.memory_space<vmem_shared>>)
        %add3A_821 = arith.constant 4 : i32
        %add3A_822 = arith.addi %add3A_798, %add3A_821 : i32
        %dma_start3A_823 = arith.constant 0 : i32
        %dma_start3A_824 = tpu.memref_slice %arg14[%add3A_822, %dma_start3A_823] : memref<160x128xi32, #tpu.memory_space<vmem>> -> memref<1x128xi32, #tpu.memory_space<vmem>>
        %dma_start3A_825 = tpu.memref_squeeze %dma_start3A_824 : memref<1x128xi32, #tpu.memory_space<vmem>> -> memref<128xi32, #tpu.memory_space<vmem>>
        %dma_start3A_826 = arith.constant 0 : i32
        %dma_start3A_827 = arith.constant 0 : i32
        %dma_start3A_828 = tpu.memref_slice %arg8[%dma_start3A_826, %dma_start3A_827] : memref<10240x16xf32, #tpu.memory_space<vmem_shared>> -> memref<10240x16xf32, #tpu.memory_space<vmem_shared>>
        tpu.enqueue_indirect_dma source(%dma_start3A_828 : memref<10240x16xf32, #tpu.memory_space<vmem_shared>>) target(%arg16 : memref<128x16xf32, #tpu.memory_space<vmem>>) offsets(%dma_start3A_825 : memref<128xi32, #tpu.memory_space<vmem>>) semaphore(%arg40 : memref<!tpu.dma_semaphore, #tpu.memory_space<semaphore_mem>>)
        %mul3A_829 = arith.constant 8 : i32
        %mul3A_830 = arith.muli %scan3A_658, %mul3A_829 : i32
        %add3A_831 = arith.constant 5 : i32
        %add3A_832 = arith.addi %mul3A_830, %add3A_831 : i32
        %dma_wait3A_833 = arith.constant 0 : i32
        %dma_wait3A_834 = arith.constant 0 : i32
        %dma_wait3A_835 = tpu.memref_slice %arg14[%dma_wait3A_833, %dma_wait3A_834] : memref<160x128xi32, #tpu.memory_space<vmem>> -> memref<1x128xi32, #tpu.memory_space<vmem>>
        %dma_wait3A_836 = tpu.memref_squeeze %dma_wait3A_835 : memref<1x128xi32, #tpu.memory_space<vmem>> -> memref<128xi32, #tpu.memory_space<vmem>>
        %dma_wait3A_837 = arith.constant 0 : i32
        %dma_wait3A_838 = arith.constant 0 : i32
        %dma_wait3A_839 = tpu.memref_slice %arg8[%dma_wait3A_837, %dma_wait3A_838] : memref<10240x16xf32, #tpu.memory_space<vmem_shared>> -> memref<10240x16xf32, #tpu.memory_space<vmem_shared>>
        tpu.wait_indirect_dma semaphore(%arg45 : memref<!tpu.dma_semaphore, #tpu.memory_space<semaphore_mem>>) src(%dma_wait3A_839 : memref<10240x16xf32, #tpu.memory_space<vmem_shared>>) dst(%arg21 : memref<128x16xf32, #tpu.memory_space<vmem>>)
        %dma_start3A_840 = arith.constant 0 : i32
        %dma_start3A_841 = arith.constant 0 : i32
        %dma_start3A_842 = tpu.memref_slice %arg15[%add3A_832, %dma_start3A_840, %dma_start3A_841] : memref<160x1x128xi32, #tpu.memory_space<vmem>> -> memref<1x1x128xi32, #tpu.memory_space<vmem>>
        %dma_start3A_843 = tpu.memref_squeeze %dma_start3A_842 : memref<1x1x128xi32, #tpu.memory_space<vmem>> -> memref<128xi32, #tpu.memory_space<vmem>>
        %dma_start3A_844 = arith.constant 0 : i32
        %dma_start3A_845 = arith.constant 0 : i32
        %dma_start3A_846 = tpu.memref_slice %arg7[%dma_start3A_844, %dma_start3A_845] : memref<10240x16xf32, #tpu.memory_space<vmem_shared>> -> memref<10240x16xf32, #tpu.memory_space<vmem_shared>>
        tpu.enqueue_indirect_dma source(%arg21 : memref<128x16xf32, #tpu.memory_space<vmem>>) target(%dma_start3A_846 : memref<10240x16xf32, #tpu.memory_space<vmem_shared>>) offsets(%dma_start3A_843 : memref<128xi32, #tpu.memory_space<vmem>>) semaphore(%arg53 : memref<!tpu.dma_semaphore, #tpu.memory_space<semaphore_mem>>) {add = true}
        %dma_wait3A_847 = arith.constant 0 : i32
        %dma_wait3A_848 = arith.constant 0 : i32
        %dma_wait3A_849 = arith.constant 0 : i32
        %dma_wait3A_850 = tpu.memref_slice %arg15[%dma_wait3A_847, %dma_wait3A_848, %dma_wait3A_849] : memref<160x1x128xi32, #tpu.memory_space<vmem>> -> memref<1x1x128xi32, #tpu.memory_space<vmem>>
        %dma_wait3A_851 = tpu.memref_squeeze %dma_wait3A_850 : memref<1x1x128xi32, #tpu.memory_space<vmem>> -> memref<128xi32, #tpu.memory_space<vmem>>
        %dma_wait3A_852 = arith.constant 0 : i32
        %dma_wait3A_853 = arith.constant 0 : i32
        %dma_wait3A_854 = tpu.memref_slice %arg7[%dma_wait3A_852, %dma_wait3A_853] : memref<10240x16xf32, #tpu.memory_space<vmem_shared>> -> memref<10240x16xf32, #tpu.memory_space<vmem_shared>>
        tpu.wait_indirect_dma semaphore(%arg49 : memref<!tpu.dma_semaphore, #tpu.memory_space<semaphore_mem>>) src(%arg17 : memref<128x16xf32, #tpu.memory_space<vmem>>) dst(%dma_wait3A_854 : memref<10240x16xf32, #tpu.memory_space<vmem_shared>>)
        %add3A_855 = arith.constant 4 : i32
        %add3A_856 = arith.addi %add3A_832, %add3A_855 : i32
        %dma_start3A_857 = arith.constant 0 : i32
        %dma_start3A_858 = tpu.memref_slice %arg14[%add3A_856, %dma_start3A_857] : memref<160x128xi32, #tpu.memory_space<vmem>> -> memref<1x128xi32, #tpu.memory_space<vmem>>
        %dma_start3A_859 = tpu.memref_squeeze %dma_start3A_858 : memref<1x128xi32, #tpu.memory_space<vmem>> -> memref<128xi32, #tpu.memory_space<vmem>>
        %dma_start3A_860 = arith.constant 0 : i32
        %dma_start3A_861 = arith.constant 0 : i32
        %dma_start3A_862 = tpu.memref_slice %arg8[%dma_start3A_860, %dma_start3A_861] : memref<10240x16xf32, #tpu.memory_space<vmem_shared>> -> memref<10240x16xf32, #tpu.memory_space<vmem_shared>>
        tpu.enqueue_indirect_dma source(%dma_start3A_862 : memref<10240x16xf32, #tpu.memory_space<vmem_shared>>) target(%arg17 : memref<128x16xf32, #tpu.memory_space<vmem>>) offsets(%dma_start3A_859 : memref<128xi32, #tpu.memory_space<vmem>>) semaphore(%arg41 : memref<!tpu.dma_semaphore, #tpu.memory_space<semaphore_mem>>)
        %mul3A_863 = arith.constant 8 : i32
        %mul3A_864 = arith.muli %scan3A_658, %mul3A_863 : i32
        %add3A_865 = arith.constant 6 : i32
        %add3A_866 = arith.addi %mul3A_864, %add3A_865 : i32
        %dma_wait3A_867 = arith.constant 0 : i32
        %dma_wait3A_868 = arith.constant 0 : i32
        %dma_wait3A_869 = tpu.memref_slice %arg14[%dma_wait3A_867, %dma_wait3A_868] : memref<160x128xi32, #tpu.memory_space<vmem>> -> memref<1x128xi32, #tpu.memory_space<vmem>>
        %dma_wait3A_870 = tpu.memref_squeeze %dma_wait3A_869 : memref<1x128xi32, #tpu.memory_space<vmem>> -> memref<128xi32, #tpu.memory_space<vmem>>
        %dma_wait3A_871 = arith.constant 0 : i32
        %dma_wait3A_872 = arith.constant 0 : i32
        %dma_wait3A_873 = tpu.memref_slice %arg8[%dma_wait3A_871, %dma_wait3A_872] : memref<10240x16xf32, #tpu.memory_space<vmem_shared>> -> memref<10240x16xf32, #tpu.memory_space<vmem_shared>>
        tpu.wait_indirect_dma semaphore(%arg46 : memref<!tpu.dma_semaphore, #tpu.memory_space<semaphore_mem>>) src(%dma_wait3A_873 : memref<10240x16xf32, #tpu.memory_space<vmem_shared>>) dst(%arg22 : memref<128x16xf32, #tpu.memory_space<vmem>>)
        %dma_start3A_874 = arith.constant 0 : i32
        %dma_start3A_875 = arith.constant 0 : i32
        %dma_start3A_876 = tpu.memref_slice %arg15[%add3A_866, %dma_start3A_874, %dma_start3A_875] : memref<160x1x128xi32, #tpu.memory_space<vmem>> -> memref<1x1x128xi32, #tpu.memory_space<vmem>>
        %dma_start3A_877 = tpu.memref_squeeze %dma_start3A_876 : memref<1x1x128xi32, #tpu.memory_space<vmem>> -> memref<128xi32, #tpu.memory_space<vmem>>
        %dma_start3A_878 = arith.constant 0 : i32
        %dma_start3A_879 = arith.constant 0 : i32
        %dma_start3A_880 = tpu.memref_slice %arg7[%dma_start3A_878, %dma_start3A_879] : memref<10240x16xf32, #tpu.memory_space<vmem_shared>> -> memref<10240x16xf32, #tpu.memory_space<vmem_shared>>
        tpu.enqueue_indirect_dma source(%arg22 : memref<128x16xf32, #tpu.memory_space<vmem>>) target(%dma_start3A_880 : memref<10240x16xf32, #tpu.memory_space<vmem_shared>>) offsets(%dma_start3A_877 : memref<128xi32, #tpu.memory_space<vmem>>) semaphore(%arg54 : memref<!tpu.dma_semaphore, #tpu.memory_space<semaphore_mem>>) {add = true}
        %dma_wait3A_881 = arith.constant 0 : i32
        %dma_wait3A_882 = arith.constant 0 : i32
        %dma_wait3A_883 = arith.constant 0 : i32
        %dma_wait3A_884 = tpu.memref_slice %arg15[%dma_wait3A_881, %dma_wait3A_882, %dma_wait3A_883] : memref<160x1x128xi32, #tpu.memory_space<vmem>> -> memref<1x1x128xi32, #tpu.memory_space<vmem>>
        %dma_wait3A_885 = tpu.memref_squeeze %dma_wait3A_884 : memref<1x1x128xi32, #tpu.memory_space<vmem>> -> memref<128xi32, #tpu.memory_space<vmem>>
        %dma_wait3A_886 = arith.constant 0 : i32
        %dma_wait3A_887 = arith.constant 0 : i32
        %dma_wait3A_888 = tpu.memref_slice %arg7[%dma_wait3A_886, %dma_wait3A_887] : memref<10240x16xf32, #tpu.memory_space<vmem_shared>> -> memref<10240x16xf32, #tpu.memory_space<vmem_shared>>
        tpu.wait_indirect_dma semaphore(%arg50 : memref<!tpu.dma_semaphore, #tpu.memory_space<semaphore_mem>>) src(%arg18 : memref<128x16xf32, #tpu.memory_space<vmem>>) dst(%dma_wait3A_888 : memref<10240x16xf32, #tpu.memory_space<vmem_shared>>)
        %add3A_889 = arith.constant 4 : i32
        %add3A_890 = arith.addi %add3A_866, %add3A_889 : i32
        %dma_start3A_891 = arith.constant 0 : i32
        %dma_start3A_892 = tpu.memref_slice %arg14[%add3A_890, %dma_start3A_891] : memref<160x128xi32, #tpu.memory_space<vmem>> -> memref<1x128xi32, #tpu.memory_space<vmem>>
        %dma_start3A_893 = tpu.memref_squeeze %dma_start3A_892 : memref<1x128xi32, #tpu.memory_space<vmem>> -> memref<128xi32, #tpu.memory_space<vmem>>
        %dma_start3A_894 = arith.constant 0 : i32
        %dma_start3A_895 = arith.constant 0 : i32
        %dma_start3A_896 = tpu.memref_slice %arg8[%dma_start3A_894, %dma_start3A_895] : memref<10240x16xf32, #tpu.memory_space<vmem_shared>> -> memref<10240x16xf32, #tpu.memory_space<vmem_shared>>
        tpu.enqueue_indirect_dma source(%dma_start3A_896 : memref<10240x16xf32, #tpu.memory_space<vmem_shared>>) target(%arg18 : memref<128x16xf32, #tpu.memory_space<vmem>>) offsets(%dma_start3A_893 : memref<128xi32, #tpu.memory_space<vmem>>) semaphore(%arg42 : memref<!tpu.dma_semaphore, #tpu.memory_space<semaphore_mem>>)
        %mul3A_897 = arith.constant 8 : i32
        %mul3A_898 = arith.muli %scan3A_658, %mul3A_897 : i32
        %add3A_899 = arith.constant 7 : i32
        %add3A_900 = arith.addi %mul3A_898, %add3A_899 : i32
        %dma_wait3A_901 = arith.constant 0 : i32
        %dma_wait3A_902 = arith.constant 0 : i32
        %dma_wait3A_903 = tpu.memref_slice %arg14[%dma_wait3A_901, %dma_wait3A_902] : memref<160x128xi32, #tpu.memory_space<vmem>> -> memref<1x128xi32, #tpu.memory_space<vmem>>
        %dma_wait3A_904 = tpu.memref_squeeze %dma_wait3A_903 : memref<1x128xi32, #tpu.memory_space<vmem>> -> memref<128xi32, #tpu.memory_space<vmem>>
        %dma_wait3A_905 = arith.constant 0 : i32
        %dma_wait3A_906 = arith.constant 0 : i32
        %dma_wait3A_907 = tpu.memref_slice %arg8[%dma_wait3A_905, %dma_wait3A_906] : memref<10240x16xf32, #tpu.memory_space<vmem_shared>> -> memref<10240x16xf32, #tpu.memory_space<vmem_shared>>
        tpu.wait_indirect_dma semaphore(%arg47 : memref<!tpu.dma_semaphore, #tpu.memory_space<semaphore_mem>>) src(%dma_wait3A_907 : memref<10240x16xf32, #tpu.memory_space<vmem_shared>>) dst(%arg23 : memref<128x16xf32, #tpu.memory_space<vmem>>)
        %dma_start3A_908 = arith.constant 0 : i32
        %dma_start3A_909 = arith.constant 0 : i32
        %dma_start3A_910 = tpu.memref_slice %arg15[%add3A_900, %dma_start3A_908, %dma_start3A_909] : memref<160x1x128xi32, #tpu.memory_space<vmem>> -> memref<1x1x128xi32, #tpu.memory_space<vmem>>
        %dma_start3A_911 = tpu.memref_squeeze %dma_start3A_910 : memref<1x1x128xi32, #tpu.memory_space<vmem>> -> memref<128xi32, #tpu.memory_space<vmem>>
        %dma_start3A_912 = arith.constant 0 : i32
        %dma_start3A_913 = arith.constant 0 : i32
        %dma_start3A_914 = tpu.memref_slice %arg7[%dma_start3A_912, %dma_start3A_913] : memref<10240x16xf32, #tpu.memory_space<vmem_shared>> -> memref<10240x16xf32, #tpu.memory_space<vmem_shared>>
        tpu.enqueue_indirect_dma source(%arg23 : memref<128x16xf32, #tpu.memory_space<vmem>>) target(%dma_start3A_914 : memref<10240x16xf32, #tpu.memory_space<vmem_shared>>) offsets(%dma_start3A_911 : memref<128xi32, #tpu.memory_space<vmem>>) semaphore(%arg55 : memref<!tpu.dma_semaphore, #tpu.memory_space<semaphore_mem>>) {add = true}
        %dma_wait3A_915 = arith.constant 0 : i32
        %dma_wait3A_916 = arith.constant 0 : i32
        %dma_wait3A_917 = arith.constant 0 : i32
        %dma_wait3A_918 = tpu.memref_slice %arg15[%dma_wait3A_915, %dma_wait3A_916, %dma_wait3A_917] : memref<160x1x128xi32, #tpu.memory_space<vmem>> -> memref<1x1x128xi32, #tpu.memory_space<vmem>>
        %dma_wait3A_919 = tpu.memref_squeeze %dma_wait3A_918 : memref<1x1x128xi32, #tpu.memory_space<vmem>> -> memref<128xi32, #tpu.memory_space<vmem>>
        %dma_wait3A_920 = arith.constant 0 : i32
        %dma_wait3A_921 = arith.constant 0 : i32
        %dma_wait3A_922 = tpu.memref_slice %arg7[%dma_wait3A_920, %dma_wait3A_921] : memref<10240x16xf32, #tpu.memory_space<vmem_shared>> -> memref<10240x16xf32, #tpu.memory_space<vmem_shared>>
        tpu.wait_indirect_dma semaphore(%arg51 : memref<!tpu.dma_semaphore, #tpu.memory_space<semaphore_mem>>) src(%arg19 : memref<128x16xf32, #tpu.memory_space<vmem>>) dst(%dma_wait3A_922 : memref<10240x16xf32, #tpu.memory_space<vmem_shared>>)
        %add3A_923 = arith.constant 4 : i32
        %add3A_924 = arith.addi %add3A_900, %add3A_923 : i32
        %dma_start3A_925 = arith.constant 0 : i32
        %dma_start3A_926 = tpu.memref_slice %arg14[%add3A_924, %dma_start3A_925] : memref<160x128xi32, #tpu.memory_space<vmem>> -> memref<1x128xi32, #tpu.memory_space<vmem>>
        %dma_start3A_927 = tpu.memref_squeeze %dma_start3A_926 : memref<1x128xi32, #tpu.memory_space<vmem>> -> memref<128xi32, #tpu.memory_space<vmem>>
        %dma_start3A_928 = arith.constant 0 : i32
        %dma_start3A_929 = arith.constant 0 : i32
        %dma_start3A_930 = tpu.memref_slice %arg8[%dma_start3A_928, %dma_start3A_929] : memref<10240x16xf32, #tpu.memory_space<vmem_shared>> -> memref<10240x16xf32, #tpu.memory_space<vmem_shared>>
        tpu.enqueue_indirect_dma source(%dma_start3A_930 : memref<10240x16xf32, #tpu.memory_space<vmem_shared>>) target(%arg19 : memref<128x16xf32, #tpu.memory_space<vmem>>) offsets(%dma_start3A_927 : memref<128xi32, #tpu.memory_space<vmem>>) semaphore(%arg43 : memref<!tpu.dma_semaphore, #tpu.memory_space<semaphore_mem>>)
      }
      %scan3A_407 = arith.constant 18 : i32
      %dma_wait3A_408 = arith.constant 0 : i32
      %dma_wait3A_409 = arith.constant 0 : i32
      %dma_wait3A_410 = tpu.memref_slice %arg14[%dma_wait3A_408, %dma_wait3A_409] : memref<160x128xi32, #tpu.memory_space<vmem>> -> memref<1x128xi32, #tpu.memory_space<vmem>>
      %dma_wait3A_411 = tpu.memref_squeeze %dma_wait3A_410 : memref<1x128xi32, #tpu.memory_space<vmem>> -> memref<128xi32, #tpu.memory_space<vmem>>
      %dma_wait3A_412 = arith.constant 0 : i32
      %dma_wait3A_413 = arith.constant 0 : i32
      %dma_wait3A_414 = tpu.memref_slice %arg8[%dma_wait3A_412, %dma_wait3A_413] : memref<10240x16xf32, #tpu.memory_space<vmem_shared>> -> memref<10240x16xf32, #tpu.memory_space<vmem_shared>>
      tpu.wait_indirect_dma semaphore(%arg40 : memref<!tpu.dma_semaphore, #tpu.memory_space<semaphore_mem>>) src(%dma_wait3A_414 : memref<10240x16xf32, #tpu.memory_space<vmem_shared>>) dst(%arg16 : memref<128x16xf32, #tpu.memory_space<vmem>>)
      %dma_start3A_415 = arith.constant 152 : i32
      %dma_start3A_416 = arith.constant 0 : i32
      %dma_start3A_417 = arith.constant 0 : i32
      %dma_start3A_418 = tpu.memref_slice %arg15[%dma_start3A_415, %dma_start3A_416, %dma_start3A_417] : memref<160x1x128xi32, #tpu.memory_space<vmem>> -> memref<1x1x128xi32, #tpu.memory_space<vmem>>
      %dma_start3A_419 = tpu.memref_squeeze %dma_start3A_418 : memref<1x1x128xi32, #tpu.memory_space<vmem>> -> memref<128xi32, #tpu.memory_space<vmem>>
      %dma_start3A_420 = arith.constant 0 : i32
      %dma_start3A_421 = arith.constant 0 : i32
      %dma_start3A_422 = tpu.memref_slice %arg7[%dma_start3A_420, %dma_start3A_421] : memref<10240x16xf32, #tpu.memory_space<vmem_shared>> -> memref<10240x16xf32, #tpu.memory_space<vmem_shared>>
      tpu.enqueue_indirect_dma source(%arg16 : memref<128x16xf32, #tpu.memory_space<vmem>>) target(%dma_start3A_422 : memref<10240x16xf32, #tpu.memory_space<vmem_shared>>) offsets(%dma_start3A_419 : memref<128xi32, #tpu.memory_space<vmem>>) semaphore(%arg48 : memref<!tpu.dma_semaphore, #tpu.memory_space<semaphore_mem>>) {add = true}
      %dma_wait3A_423 = arith.constant 0 : i32
      %dma_wait3A_424 = arith.constant 0 : i32
      %dma_wait3A_425 = arith.constant 0 : i32
      %dma_wait3A_426 = tpu.memref_slice %arg15[%dma_wait3A_423, %dma_wait3A_424, %dma_wait3A_425] : memref<160x1x128xi32, #tpu.memory_space<vmem>> -> memref<1x1x128xi32, #tpu.memory_space<vmem>>
      %dma_wait3A_427 = tpu.memref_squeeze %dma_wait3A_426 : memref<1x1x128xi32, #tpu.memory_space<vmem>> -> memref<128xi32, #tpu.memory_space<vmem>>
      %dma_wait3A_428 = arith.constant 0 : i32
      %dma_wait3A_429 = arith.constant 0 : i32
      %dma_wait3A_430 = tpu.memref_slice %arg7[%dma_wait3A_428, %dma_wait3A_429] : memref<10240x16xf32, #tpu.memory_space<vmem_shared>> -> memref<10240x16xf32, #tpu.memory_space<vmem_shared>>
      tpu.wait_indirect_dma semaphore(%arg52 : memref<!tpu.dma_semaphore, #tpu.memory_space<semaphore_mem>>) src(%arg20 : memref<128x16xf32, #tpu.memory_space<vmem>>) dst(%dma_wait3A_430 : memref<10240x16xf32, #tpu.memory_space<vmem_shared>>)
      %dma_start3A_431 = arith.constant 156 : i32
      %dma_start3A_432 = arith.constant 0 : i32
      %dma_start3A_433 = tpu.memref_slice %arg14[%dma_start3A_431, %dma_start3A_432] : memref<160x128xi32, #tpu.memory_space<vmem>> -> memref<1x128xi32, #tpu.memory_space<vmem>>
      %dma_start3A_434 = tpu.memref_squeeze %dma_start3A_433 : memref<1x128xi32, #tpu.memory_space<vmem>> -> memref<128xi32, #tpu.memory_space<vmem>>
      %dma_start3A_435 = arith.constant 0 : i32
      %dma_start3A_436 = arith.constant 0 : i32
      %dma_start3A_437 = tpu.memref_slice %arg8[%dma_start3A_435, %dma_start3A_436] : memref<10240x16xf32, #tpu.memory_space<vmem_shared>> -> memref<10240x16xf32, #tpu.memory_space<vmem_shared>>
      tpu.enqueue_indirect_dma source(%dma_start3A_437 : memref<10240x16xf32, #tpu.memory_space<vmem_shared>>) target(%arg20 : memref<128x16xf32, #tpu.memory_space<vmem>>) offsets(%dma_start3A_434 : memref<128xi32, #tpu.memory_space<vmem>>) semaphore(%arg44 : memref<!tpu.dma_semaphore, #tpu.memory_space<semaphore_mem>>)
      %dma_wait3A_438 = arith.constant 0 : i32
      %dma_wait3A_439 = arith.constant 0 : i32
      %dma_wait3A_440 = tpu.memref_slice %arg14[%dma_wait3A_438, %dma_wait3A_439] : memref<160x128xi32, #tpu.memory_space<vmem>> -> memref<1x128xi32, #tpu.memory_space<vmem>>
      %dma_wait3A_441 = tpu.memref_squeeze %dma_wait3A_440 : memref<1x128xi32, #tpu.memory_space<vmem>> -> memref<128xi32, #tpu.memory_space<vmem>>
      %dma_wait3A_442 = arith.constant 0 : i32
      %dma_wait3A_443 = arith.constant 0 : i32
      %dma_wait3A_444 = tpu.memref_slice %arg8[%dma_wait3A_442, %dma_wait3A_443] : memref<10240x16xf32, #tpu.memory_space<vmem_shared>> -> memref<10240x16xf32, #tpu.memory_space<vmem_shared>>
      tpu.wait_indirect_dma semaphore(%arg41 : memref<!tpu.dma_semaphore, #tpu.memory_space<semaphore_mem>>) src(%dma_wait3A_444 : memref<10240x16xf32, #tpu.memory_space<vmem_shared>>) dst(%arg17 : memref<128x16xf32, #tpu.memory_space<vmem>>)
      %dma_start3A_445 = arith.constant 153 : i32
      %dma_start3A_446 = arith.constant 0 : i32
      %dma_start3A_447 = arith.constant 0 : i32
      %dma_start3A_448 = tpu.memref_slice %arg15[%dma_start3A_445, %dma_start3A_446, %dma_start3A_447] : memref<160x1x128xi32, #tpu.memory_space<vmem>> -> memref<1x1x128xi32, #tpu.memory_space<vmem>>
      %dma_start3A_449 = tpu.memref_squeeze %dma_start3A_448 : memref<1x1x128xi32, #tpu.memory_space<vmem>> -> memref<128xi32, #tpu.memory_space<vmem>>
      %dma_start3A_450 = arith.constant 0 : i32
      %dma_start3A_451 = arith.constant 0 : i32
      %dma_start3A_452 = tpu.memref_slice %arg7[%dma_start3A_450, %dma_start3A_451] : memref<10240x16xf32, #tpu.memory_space<vmem_shared>> -> memref<10240x16xf32, #tpu.memory_space<vmem_shared>>
      tpu.enqueue_indirect_dma source(%arg17 : memref<128x16xf32, #tpu.memory_space<vmem>>) target(%dma_start3A_452 : memref<10240x16xf32, #tpu.memory_space<vmem_shared>>) offsets(%dma_start3A_449 : memref<128xi32, #tpu.memory_space<vmem>>) semaphore(%arg49 : memref<!tpu.dma_semaphore, #tpu.memory_space<semaphore_mem>>) {add = true}
      %dma_wait3A_453 = arith.constant 0 : i32
      %dma_wait3A_454 = arith.constant 0 : i32
      %dma_wait3A_455 = arith.constant 0 : i32
      %dma_wait3A_456 = tpu.memref_slice %arg15[%dma_wait3A_453, %dma_wait3A_454, %dma_wait3A_455] : memref<160x1x128xi32, #tpu.memory_space<vmem>> -> memref<1x1x128xi32, #tpu.memory_space<vmem>>
      %dma_wait3A_457 = tpu.memref_squeeze %dma_wait3A_456 : memref<1x1x128xi32, #tpu.memory_space<vmem>> -> memref<128xi32, #tpu.memory_space<vmem>>
      %dma_wait3A_458 = arith.constant 0 : i32
      %dma_wait3A_459 = arith.constant 0 : i32
      %dma_wait3A_460 = tpu.memref_slice %arg7[%dma_wait3A_458, %dma_wait3A_459] : memref<10240x16xf32, #tpu.memory_space<vmem_shared>> -> memref<10240x16xf32, #tpu.memory_space<vmem_shared>>
      tpu.wait_indirect_dma semaphore(%arg53 : memref<!tpu.dma_semaphore, #tpu.memory_space<semaphore_mem>>) src(%arg21 : memref<128x16xf32, #tpu.memory_space<vmem>>) dst(%dma_wait3A_460 : memref<10240x16xf32, #tpu.memory_space<vmem_shared>>)
      %dma_start3A_461 = arith.constant 157 : i32
      %dma_start3A_462 = arith.constant 0 : i32
      %dma_start3A_463 = tpu.memref_slice %arg14[%dma_start3A_461, %dma_start3A_462] : memref<160x128xi32, #tpu.memory_space<vmem>> -> memref<1x128xi32, #tpu.memory_space<vmem>>
      %dma_start3A_464 = tpu.memref_squeeze %dma_start3A_463 : memref<1x128xi32, #tpu.memory_space<vmem>> -> memref<128xi32, #tpu.memory_space<vmem>>
      %dma_start3A_465 = arith.constant 0 : i32
      %dma_start3A_466 = arith.constant 0 : i32
      %dma_start3A_467 = tpu.memref_slice %arg8[%dma_start3A_465, %dma_start3A_466] : memref<10240x16xf32, #tpu.memory_space<vmem_shared>> -> memref<10240x16xf32, #tpu.memory_space<vmem_shared>>
      tpu.enqueue_indirect_dma source(%dma_start3A_467 : memref<10240x16xf32, #tpu.memory_space<vmem_shared>>) target(%arg21 : memref<128x16xf32, #tpu.memory_space<vmem>>) offsets(%dma_start3A_464 : memref<128xi32, #tpu.memory_space<vmem>>) semaphore(%arg45 : memref<!tpu.dma_semaphore, #tpu.memory_space<semaphore_mem>>)
      %dma_wait3A_468 = arith.constant 0 : i32
      %dma_wait3A_469 = arith.constant 0 : i32
      %dma_wait3A_470 = tpu.memref_slice %arg14[%dma_wait3A_468, %dma_wait3A_469] : memref<160x128xi32, #tpu.memory_space<vmem>> -> memref<1x128xi32, #tpu.memory_space<vmem>>
      %dma_wait3A_471 = tpu.memref_squeeze %dma_wait3A_470 : memref<1x128xi32, #tpu.memory_space<vmem>> -> memref<128xi32, #tpu.memory_space<vmem>>
      %dma_wait3A_472 = arith.constant 0 : i32
      %dma_wait3A_473 = arith.constant 0 : i32
      %dma_wait3A_474 = tpu.memref_slice %arg8[%dma_wait3A_472, %dma_wait3A_473] : memref<10240x16xf32, #tpu.memory_space<vmem_shared>> -> memref<10240x16xf32, #tpu.memory_space<vmem_shared>>
      tpu.wait_indirect_dma semaphore(%arg42 : memref<!tpu.dma_semaphore, #tpu.memory_space<semaphore_mem>>) src(%dma_wait3A_474 : memref<10240x16xf32, #tpu.memory_space<vmem_shared>>) dst(%arg18 : memref<128x16xf32, #tpu.memory_space<vmem>>)
      %dma_start3A_475 = arith.constant 154 : i32
      %dma_start3A_476 = arith.constant 0 : i32
      %dma_start3A_477 = arith.constant 0 : i32
      %dma_start3A_478 = tpu.memref_slice %arg15[%dma_start3A_475, %dma_start3A_476, %dma_start3A_477] : memref<160x1x128xi32, #tpu.memory_space<vmem>> -> memref<1x1x128xi32, #tpu.memory_space<vmem>>
      %dma_start3A_479 = tpu.memref_squeeze %dma_start3A_478 : memref<1x1x128xi32, #tpu.memory_space<vmem>> -> memref<128xi32, #tpu.memory_space<vmem>>
      %dma_start3A_480 = arith.constant 0 : i32
      %dma_start3A_481 = arith.constant 0 : i32
      %dma_start3A_482 = tpu.memref_slice %arg7[%dma_start3A_480, %dma_start3A_481] : memref<10240x16xf32, #tpu.memory_space<vmem_shared>> -> memref<10240x16xf32, #tpu.memory_space<vmem_shared>>
      tpu.enqueue_indirect_dma source(%arg18 : memref<128x16xf32, #tpu.memory_space<vmem>>) target(%dma_start3A_482 : memref<10240x16xf32, #tpu.memory_space<vmem_shared>>) offsets(%dma_start3A_479 : memref<128xi32, #tpu.memory_space<vmem>>) semaphore(%arg50 : memref<!tpu.dma_semaphore, #tpu.memory_space<semaphore_mem>>) {add = true}
      %dma_wait3A_483 = arith.constant 0 : i32
      %dma_wait3A_484 = arith.constant 0 : i32
      %dma_wait3A_485 = arith.constant 0 : i32
      %dma_wait3A_486 = tpu.memref_slice %arg15[%dma_wait3A_483, %dma_wait3A_484, %dma_wait3A_485] : memref<160x1x128xi32, #tpu.memory_space<vmem>> -> memref<1x1x128xi32, #tpu.memory_space<vmem>>
      %dma_wait3A_487 = tpu.memref_squeeze %dma_wait3A_486 : memref<1x1x128xi32, #tpu.memory_space<vmem>> -> memref<128xi32, #tpu.memory_space<vmem>>
      %dma_wait3A_488 = arith.constant 0 : i32
      %dma_wait3A_489 = arith.constant 0 : i32
      %dma_wait3A_490 = tpu.memref_slice %arg7[%dma_wait3A_488, %dma_wait3A_489] : memref<10240x16xf32, #tpu.memory_space<vmem_shared>> -> memref<10240x16xf32, #tpu.memory_space<vmem_shared>>
      tpu.wait_indirect_dma semaphore(%arg54 : memref<!tpu.dma_semaphore, #tpu.memory_space<semaphore_mem>>) src(%arg22 : memref<128x16xf32, #tpu.memory_space<vmem>>) dst(%dma_wait3A_490 : memref<10240x16xf32, #tpu.memory_space<vmem_shared>>)
      %dma_start3A_491 = arith.constant 158 : i32
      %dma_start3A_492 = arith.constant 0 : i32
      %dma_start3A_493 = tpu.memref_slice %arg14[%dma_start3A_491, %dma_start3A_492] : memref<160x128xi32, #tpu.memory_space<vmem>> -> memref<1x128xi32, #tpu.memory_space<vmem>>
      %dma_start3A_494 = tpu.memref_squeeze %dma_start3A_493 : memref<1x128xi32, #tpu.memory_space<vmem>> -> memref<128xi32, #tpu.memory_space<vmem>>
      %dma_start3A_495 = arith.constant 0 : i32
      %dma_start3A_496 = arith.constant 0 : i32
      %dma_start3A_497 = tpu.memref_slice %arg8[%dma_start3A_495, %dma_start3A_496] : memref<10240x16xf32, #tpu.memory_space<vmem_shared>> -> memref<10240x16xf32, #tpu.memory_space<vmem_shared>>
      tpu.enqueue_indirect_dma source(%dma_start3A_497 : memref<10240x16xf32, #tpu.memory_space<vmem_shared>>) target(%arg22 : memref<128x16xf32, #tpu.memory_space<vmem>>) offsets(%dma_start3A_494 : memref<128xi32, #tpu.memory_space<vmem>>) semaphore(%arg46 : memref<!tpu.dma_semaphore, #tpu.memory_space<semaphore_mem>>)
      %dma_wait3A_498 = arith.constant 0 : i32
      %dma_wait3A_499 = arith.constant 0 : i32
      %dma_wait3A_500 = tpu.memref_slice %arg14[%dma_wait3A_498, %dma_wait3A_499] : memref<160x128xi32, #tpu.memory_space<vmem>> -> memref<1x128xi32, #tpu.memory_space<vmem>>
      %dma_wait3A_501 = tpu.memref_squeeze %dma_wait3A_500 : memref<1x128xi32, #tpu.memory_space<vmem>> -> memref<128xi32, #tpu.memory_space<vmem>>
      %dma_wait3A_502 = arith.constant 0 : i32
      %dma_wait3A_503 = arith.constant 0 : i32
      %dma_wait3A_504 = tpu.memref_slice %arg8[%dma_wait3A_502, %dma_wait3A_503] : memref<10240x16xf32, #tpu.memory_space<vmem_shared>> -> memref<10240x16xf32, #tpu.memory_space<vmem_shared>>
      tpu.wait_indirect_dma semaphore(%arg43 : memref<!tpu.dma_semaphore, #tpu.memory_space<semaphore_mem>>) src(%dma_wait3A_504 : memref<10240x16xf32, #tpu.memory_space<vmem_shared>>) dst(%arg19 : memref<128x16xf32, #tpu.memory_space<vmem>>)
      %dma_start3A_505 = arith.constant 155 : i32
      %dma_start3A_506 = arith.constant 0 : i32
      %dma_start3A_507 = arith.constant 0 : i32
      %dma_start3A_508 = tpu.memref_slice %arg15[%dma_start3A_505, %dma_start3A_506, %dma_start3A_507] : memref<160x1x128xi32, #tpu.memory_space<vmem>> -> memref<1x1x128xi32, #tpu.memory_space<vmem>>
      %dma_start3A_509 = tpu.memref_squeeze %dma_start3A_508 : memref<1x1x128xi32, #tpu.memory_space<vmem>> -> memref<128xi32, #tpu.memory_space<vmem>>
      %dma_start3A_510 = arith.constant 0 : i32
      %dma_start3A_511 = arith.constant 0 : i32
      %dma_start3A_512 = tpu.memref_slice %arg7[%dma_start3A_510, %dma_start3A_511] : memref<10240x16xf32, #tpu.memory_space<vmem_shared>> -> memref<10240x16xf32, #tpu.memory_space<vmem_shared>>
      tpu.enqueue_indirect_dma source(%arg19 : memref<128x16xf32, #tpu.memory_space<vmem>>) target(%dma_start3A_512 : memref<10240x16xf32, #tpu.memory_space<vmem_shared>>) offsets(%dma_start3A_509 : memref<128xi32, #tpu.memory_space<vmem>>) semaphore(%arg51 : memref<!tpu.dma_semaphore, #tpu.memory_space<semaphore_mem>>) {add = true}
      %dma_wait3A_513 = arith.constant 0 : i32
      %dma_wait3A_514 = arith.constant 0 : i32
      %dma_wait3A_515 = arith.constant 0 : i32
      %dma_wait3A_516 = tpu.memref_slice %arg15[%dma_wait3A_513, %dma_wait3A_514, %dma_wait3A_515] : memref<160x1x128xi32, #tpu.memory_space<vmem>> -> memref<1x1x128xi32, #tpu.memory_space<vmem>>
      %dma_wait3A_517 = tpu.memref_squeeze %dma_wait3A_516 : memref<1x1x128xi32, #tpu.memory_space<vmem>> -> memref<128xi32, #tpu.memory_space<vmem>>
      %dma_wait3A_518 = arith.constant 0 : i32
      %dma_wait3A_519 = arith.constant 0 : i32
      %dma_wait3A_520 = tpu.memref_slice %arg7[%dma_wait3A_518, %dma_wait3A_519] : memref<10240x16xf32, #tpu.memory_space<vmem_shared>> -> memref<10240x16xf32, #tpu.memory_space<vmem_shared>>
      tpu.wait_indirect_dma semaphore(%arg55 : memref<!tpu.dma_semaphore, #tpu.memory_space<semaphore_mem>>) src(%arg23 : memref<128x16xf32, #tpu.memory_space<vmem>>) dst(%dma_wait3A_520 : memref<10240x16xf32, #tpu.memory_space<vmem_shared>>)
      %dma_start3A_521 = arith.constant 159 : i32
      %dma_start3A_522 = arith.constant 0 : i32
      %dma_start3A_523 = tpu.memref_slice %arg14[%dma_start3A_521, %dma_start3A_522] : memref<160x128xi32, #tpu.memory_space<vmem>> -> memref<1x128xi32, #tpu.memory_space<vmem>>
      %dma_start3A_524 = tpu.memref_squeeze %dma_start3A_523 : memref<1x128xi32, #tpu.memory_space<vmem>> -> memref<128xi32, #tpu.memory_space<vmem>>
      %dma_start3A_525 = arith.constant 0 : i32
      %dma_start3A_526 = arith.constant 0 : i32
      %dma_start3A_527 = tpu.memref_slice %arg8[%dma_start3A_525, %dma_start3A_526] : memref<10240x16xf32, #tpu.memory_space<vmem_shared>> -> memref<10240x16xf32, #tpu.memory_space<vmem_shared>>
      tpu.enqueue_indirect_dma source(%dma_start3A_527 : memref<10240x16xf32, #tpu.memory_space<vmem_shared>>) target(%arg23 : memref<128x16xf32, #tpu.memory_space<vmem>>) offsets(%dma_start3A_524 : memref<128xi32, #tpu.memory_space<vmem>>) semaphore(%arg47 : memref<!tpu.dma_semaphore, #tpu.memory_space<semaphore_mem>>)
      %dma_wait3A_528 = arith.constant 0 : i32
      %dma_wait3A_529 = arith.constant 0 : i32
      %dma_wait3A_530 = tpu.memref_slice %arg14[%dma_wait3A_528, %dma_wait3A_529] : memref<160x128xi32, #tpu.memory_space<vmem>> -> memref<1x128xi32, #tpu.memory_space<vmem>>
      %dma_wait3A_531 = tpu.memref_squeeze %dma_wait3A_530 : memref<1x128xi32, #tpu.memory_space<vmem>> -> memref<128xi32, #tpu.memory_space<vmem>>
      %dma_wait3A_532 = arith.constant 0 : i32
      %dma_wait3A_533 = arith.constant 0 : i32
      %dma_wait3A_534 = tpu.memref_slice %arg8[%dma_wait3A_532, %dma_wait3A_533] : memref<10240x16xf32, #tpu.memory_space<vmem_shared>> -> memref<10240x16xf32, #tpu.memory_space<vmem_shared>>
      tpu.wait_indirect_dma semaphore(%arg44 : memref<!tpu.dma_semaphore, #tpu.memory_space<semaphore_mem>>) src(%dma_wait3A_534 : memref<10240x16xf32, #tpu.memory_space<vmem_shared>>) dst(%arg20 : memref<128x16xf32, #tpu.memory_space<vmem>>)
      %dma_start3A_535 = arith.constant 156 : i32
      %dma_start3A_536 = arith.constant 0 : i32
      %dma_start3A_537 = arith.constant 0 : i32
      %dma_start3A_538 = tpu.memref_slice %arg15[%dma_start3A_535, %dma_start3A_536, %dma_start3A_537] : memref<160x1x128xi32, #tpu.memory_space<vmem>> -> memref<1x1x128xi32, #tpu.memory_space<vmem>>
      %dma_start3A_539 = tpu.memref_squeeze %dma_start3A_538 : memref<1x1x128xi32, #tpu.memory_space<vmem>> -> memref<128xi32, #tpu.memory_space<vmem>>
      %dma_start3A_540 = arith.constant 0 : i32
      %dma_start3A_541 = arith.constant 0 : i32
      %dma_start3A_542 = tpu.memref_slice %arg7[%dma_start3A_540, %dma_start3A_541] : memref<10240x16xf32, #tpu.memory_space<vmem_shared>> -> memref<10240x16xf32, #tpu.memory_space<vmem_shared>>
      tpu.enqueue_indirect_dma source(%arg20 : memref<128x16xf32, #tpu.memory_space<vmem>>) target(%dma_start3A_542 : memref<10240x16xf32, #tpu.memory_space<vmem_shared>>) offsets(%dma_start3A_539 : memref<128xi32, #tpu.memory_space<vmem>>) semaphore(%arg52 : memref<!tpu.dma_semaphore, #tpu.memory_space<semaphore_mem>>) {add = true}
      %dma_wait3A_543 = arith.constant 0 : i32
      %dma_wait3A_544 = arith.constant 0 : i32
      %dma_wait3A_545 = arith.constant 0 : i32
      %dma_wait3A_546 = tpu.memref_slice %arg15[%dma_wait3A_543, %dma_wait3A_544, %dma_wait3A_545] : memref<160x1x128xi32, #tpu.memory_space<vmem>> -> memref<1x1x128xi32, #tpu.memory_space<vmem>>
      %dma_wait3A_547 = tpu.memref_squeeze %dma_wait3A_546 : memref<1x1x128xi32, #tpu.memory_space<vmem>> -> memref<128xi32, #tpu.memory_space<vmem>>
      %dma_wait3A_548 = arith.constant 0 : i32
      %dma_wait3A_549 = arith.constant 0 : i32
      %dma_wait3A_550 = tpu.memref_slice %arg7[%dma_wait3A_548, %dma_wait3A_549] : memref<10240x16xf32, #tpu.memory_space<vmem_shared>> -> memref<10240x16xf32, #tpu.memory_space<vmem_shared>>
      tpu.wait_indirect_dma semaphore(%arg48 : memref<!tpu.dma_semaphore, #tpu.memory_space<semaphore_mem>>) src(%arg16 : memref<128x16xf32, #tpu.memory_space<vmem>>) dst(%dma_wait3A_550 : memref<10240x16xf32, #tpu.memory_space<vmem_shared>>)
      %dma_wait3A_551 = arith.constant 0 : i32
      %dma_wait3A_552 = arith.constant 0 : i32
      %dma_wait3A_553 = tpu.memref_slice %arg14[%dma_wait3A_551, %dma_wait3A_552] : memref<160x128xi32, #tpu.memory_space<vmem>> -> memref<1x128xi32, #tpu.memory_space<vmem>>
      %dma_wait3A_554 = tpu.memref_squeeze %dma_wait3A_553 : memref<1x128xi32, #tpu.memory_space<vmem>> -> memref<128xi32, #tpu.memory_space<vmem>>
      %dma_wait3A_555 = arith.constant 0 : i32
      %dma_wait3A_556 = arith.constant 0 : i32
      %dma_wait3A_557 = tpu.memref_slice %arg8[%dma_wait3A_555, %dma_wait3A_556] : memref<10240x16xf32, #tpu.memory_space<vmem_shared>> -> memref<10240x16xf32, #tpu.memory_space<vmem_shared>>
      tpu.wait_indirect_dma semaphore(%arg45 : memref<!tpu.dma_semaphore, #tpu.memory_space<semaphore_mem>>) src(%dma_wait3A_557 : memref<10240x16xf32, #tpu.memory_space<vmem_shared>>) dst(%arg21 : memref<128x16xf32, #tpu.memory_space<vmem>>)
      %dma_start3A_558 = arith.constant 157 : i32
      %dma_start3A_559 = arith.constant 0 : i32
      %dma_start3A_560 = arith.constant 0 : i32
      %dma_start3A_561 = tpu.memref_slice %arg15[%dma_start3A_558, %dma_start3A_559, %dma_start3A_560] : memref<160x1x128xi32, #tpu.memory_space<vmem>> -> memref<1x1x128xi32, #tpu.memory_space<vmem>>
      %dma_start3A_562 = tpu.memref_squeeze %dma_start3A_561 : memref<1x1x128xi32, #tpu.memory_space<vmem>> -> memref<128xi32, #tpu.memory_space<vmem>>
      %dma_start3A_563 = arith.constant 0 : i32
      %dma_start3A_564 = arith.constant 0 : i32
      %dma_start3A_565 = tpu.memref_slice %arg7[%dma_start3A_563, %dma_start3A_564] : memref<10240x16xf32, #tpu.memory_space<vmem_shared>> -> memref<10240x16xf32, #tpu.memory_space<vmem_shared>>
      tpu.enqueue_indirect_dma source(%arg21 : memref<128x16xf32, #tpu.memory_space<vmem>>) target(%dma_start3A_565 : memref<10240x16xf32, #tpu.memory_space<vmem_shared>>) offsets(%dma_start3A_562 : memref<128xi32, #tpu.memory_space<vmem>>) semaphore(%arg53 : memref<!tpu.dma_semaphore, #tpu.memory_space<semaphore_mem>>) {add = true}
      %dma_wait3A_566 = arith.constant 0 : i32
      %dma_wait3A_567 = arith.constant 0 : i32
      %dma_wait3A_568 = arith.constant 0 : i32
      %dma_wait3A_569 = tpu.memref_slice %arg15[%dma_wait3A_566, %dma_wait3A_567, %dma_wait3A_568] : memref<160x1x128xi32, #tpu.memory_space<vmem>> -> memref<1x1x128xi32, #tpu.memory_space<vmem>>
      %dma_wait3A_570 = tpu.memref_squeeze %dma_wait3A_569 : memref<1x1x128xi32, #tpu.memory_space<vmem>> -> memref<128xi32, #tpu.memory_space<vmem>>
      %dma_wait3A_571 = arith.constant 0 : i32
      %dma_wait3A_572 = arith.constant 0 : i32
      %dma_wait3A_573 = tpu.memref_slice %arg7[%dma_wait3A_571, %dma_wait3A_572] : memref<10240x16xf32, #tpu.memory_space<vmem_shared>> -> memref<10240x16xf32, #tpu.memory_space<vmem_shared>>
      tpu.wait_indirect_dma semaphore(%arg49 : memref<!tpu.dma_semaphore, #tpu.memory_space<semaphore_mem>>) src(%arg17 : memref<128x16xf32, #tpu.memory_space<vmem>>) dst(%dma_wait3A_573 : memref<10240x16xf32, #tpu.memory_space<vmem_shared>>)
      %dma_wait3A_574 = arith.constant 0 : i32
      %dma_wait3A_575 = arith.constant 0 : i32
      %dma_wait3A_576 = tpu.memref_slice %arg14[%dma_wait3A_574, %dma_wait3A_575] : memref<160x128xi32, #tpu.memory_space<vmem>> -> memref<1x128xi32, #tpu.memory_space<vmem>>
      %dma_wait3A_577 = tpu.memref_squeeze %dma_wait3A_576 : memref<1x128xi32, #tpu.memory_space<vmem>> -> memref<128xi32, #tpu.memory_space<vmem>>
      %dma_wait3A_578 = arith.constant 0 : i32
      %dma_wait3A_579 = arith.constant 0 : i32
      %dma_wait3A_580 = tpu.memref_slice %arg8[%dma_wait3A_578, %dma_wait3A_579] : memref<10240x16xf32, #tpu.memory_space<vmem_shared>> -> memref<10240x16xf32, #tpu.memory_space<vmem_shared>>
      tpu.wait_indirect_dma semaphore(%arg46 : memref<!tpu.dma_semaphore, #tpu.memory_space<semaphore_mem>>) src(%dma_wait3A_580 : memref<10240x16xf32, #tpu.memory_space<vmem_shared>>) dst(%arg22 : memref<128x16xf32, #tpu.memory_space<vmem>>)
      %dma_start3A_581 = arith.constant 158 : i32
      %dma_start3A_582 = arith.constant 0 : i32
      %dma_start3A_583 = arith.constant 0 : i32
      %dma_start3A_584 = tpu.memref_slice %arg15[%dma_start3A_581, %dma_start3A_582, %dma_start3A_583] : memref<160x1x128xi32, #tpu.memory_space<vmem>> -> memref<1x1x128xi32, #tpu.memory_space<vmem>>
      %dma_start3A_585 = tpu.memref_squeeze %dma_start3A_584 : memref<1x1x128xi32, #tpu.memory_space<vmem>> -> memref<128xi32, #tpu.memory_space<vmem>>
      %dma_start3A_586 = arith.constant 0 : i32
      %dma_start3A_587 = arith.constant 0 : i32
      %dma_start3A_588 = tpu.memref_slice %arg7[%dma_start3A_586, %dma_start3A_587] : memref<10240x16xf32, #tpu.memory_space<vmem_shared>> -> memref<10240x16xf32, #tpu.memory_space<vmem_shared>>
      tpu.enqueue_indirect_dma source(%arg22 : memref<128x16xf32, #tpu.memory_space<vmem>>) target(%dma_start3A_588 : memref<10240x16xf32, #tpu.memory_space<vmem_shared>>) offsets(%dma_start3A_585 : memref<128xi32, #tpu.memory_space<vmem>>) semaphore(%arg54 : memref<!tpu.dma_semaphore, #tpu.memory_space<semaphore_mem>>) {add = true}
      %dma_wait3A_589 = arith.constant 0 : i32
      %dma_wait3A_590 = arith.constant 0 : i32
      %dma_wait3A_591 = arith.constant 0 : i32
      %dma_wait3A_592 = tpu.memref_slice %arg15[%dma_wait3A_589, %dma_wait3A_590, %dma_wait3A_591] : memref<160x1x128xi32, #tpu.memory_space<vmem>> -> memref<1x1x128xi32, #tpu.memory_space<vmem>>
      %dma_wait3A_593 = tpu.memref_squeeze %dma_wait3A_592 : memref<1x1x128xi32, #tpu.memory_space<vmem>> -> memref<128xi32, #tpu.memory_space<vmem>>
      %dma_wait3A_594 = arith.constant 0 : i32
      %dma_wait3A_595 = arith.constant 0 : i32
      %dma_wait3A_596 = tpu.memref_slice %arg7[%dma_wait3A_594, %dma_wait3A_595] : memref<10240x16xf32, #tpu.memory_space<vmem_shared>> -> memref<10240x16xf32, #tpu.memory_space<vmem_shared>>
      tpu.wait_indirect_dma semaphore(%arg50 : memref<!tpu.dma_semaphore, #tpu.memory_space<semaphore_mem>>) src(%arg18 : memref<128x16xf32, #tpu.memory_space<vmem>>) dst(%dma_wait3A_596 : memref<10240x16xf32, #tpu.memory_space<vmem_shared>>)
      %dma_wait3A_597 = arith.constant 0 : i32
      %dma_wait3A_598 = arith.constant 0 : i32
      %dma_wait3A_599 = tpu.memref_slice %arg14[%dma_wait3A_597, %dma_wait3A_598] : memref<160x128xi32, #tpu.memory_space<vmem>> -> memref<1x128xi32, #tpu.memory_space<vmem>>
      %dma_wait3A_600 = tpu.memref_squeeze %dma_wait3A_599 : memref<1x128xi32, #tpu.memory_space<vmem>> -> memref<128xi32, #tpu.memory_space<vmem>>
      %dma_wait3A_601 = arith.constant 0 : i32
      %dma_wait3A_602 = arith.constant 0 : i32
      %dma_wait3A_603 = tpu.memref_slice %arg8[%dma_wait3A_601, %dma_wait3A_602] : memref<10240x16xf32, #tpu.memory_space<vmem_shared>> -> memref<10240x16xf32, #tpu.memory_space<vmem_shared>>
      tpu.wait_indirect_dma semaphore(%arg47 : memref<!tpu.dma_semaphore, #tpu.memory_space<semaphore_mem>>) src(%dma_wait3A_603 : memref<10240x16xf32, #tpu.memory_space<vmem_shared>>) dst(%arg23 : memref<128x16xf32, #tpu.memory_space<vmem>>)
      %dma_start3A_604 = arith.constant 159 : i32
      %dma_start3A_605 = arith.constant 0 : i32
      %dma_start3A_606 = arith.constant 0 : i32
      %dma_start3A_607 = tpu.memref_slice %arg15[%dma_start3A_604, %dma_start3A_605, %dma_start3A_606] : memref<160x1x128xi32, #tpu.memory_space<vmem>> -> memref<1x1x128xi32, #tpu.memory_space<vmem>>
      %dma_start3A_608 = tpu.memref_squeeze %dma_start3A_607 : memref<1x1x128xi32, #tpu.memory_space<vmem>> -> memref<128xi32, #tpu.memory_space<vmem>>
      %dma_start3A_609 = arith.constant 0 : i32
      %dma_start3A_610 = arith.constant 0 : i32
      %dma_start3A_611 = tpu.memref_slice %arg7[%dma_start3A_609, %dma_start3A_610] : memref<10240x16xf32, #tpu.memory_space<vmem_shared>> -> memref<10240x16xf32, #tpu.memory_space<vmem_shared>>
      tpu.enqueue_indirect_dma source(%arg23 : memref<128x16xf32, #tpu.memory_space<vmem>>) target(%dma_start3A_611 : memref<10240x16xf32, #tpu.memory_space<vmem_shared>>) offsets(%dma_start3A_608 : memref<128xi32, #tpu.memory_space<vmem>>) semaphore(%arg55 : memref<!tpu.dma_semaphore, #tpu.memory_space<semaphore_mem>>) {add = true}
      %dma_wait3A_612 = arith.constant 0 : i32
      %dma_wait3A_613 = arith.constant 0 : i32
      %dma_wait3A_614 = arith.constant 0 : i32
      %dma_wait3A_615 = tpu.memref_slice %arg15[%dma_wait3A_612, %dma_wait3A_613, %dma_wait3A_614] : memref<160x1x128xi32, #tpu.memory_space<vmem>> -> memref<1x1x128xi32, #tpu.memory_space<vmem>>
      %dma_wait3A_616 = tpu.memref_squeeze %dma_wait3A_615 : memref<1x1x128xi32, #tpu.memory_space<vmem>> -> memref<128xi32, #tpu.memory_space<vmem>>
      %dma_wait3A_617 = arith.constant 0 : i32
      %dma_wait3A_618 = arith.constant 0 : i32
      %dma_wait3A_619 = tpu.memref_slice %arg7[%dma_wait3A_617, %dma_wait3A_618] : memref<10240x16xf32, #tpu.memory_space<vmem_shared>> -> memref<10240x16xf32, #tpu.memory_space<vmem_shared>>
      tpu.wait_indirect_dma semaphore(%arg51 : memref<!tpu.dma_semaphore, #tpu.memory_space<semaphore_mem>>) src(%arg19 : memref<128x16xf32, #tpu.memory_space<vmem>>) dst(%dma_wait3A_619 : memref<10240x16xf32, #tpu.memory_space<vmem_shared>>)
      %dma_wait3A_620 = arith.constant 0 : i32
      %dma_wait3A_621 = arith.constant 0 : i32
      %dma_wait3A_622 = arith.constant 0 : i32
      %dma_wait3A_623 = tpu.memref_slice %arg15[%dma_wait3A_620, %dma_wait3A_621, %dma_wait3A_622] : memref<160x1x128xi32, #tpu.memory_space<vmem>> -> memref<1x1x128xi32, #tpu.memory_space<vmem>>
      %dma_wait3A_624 = tpu.memref_squeeze %dma_wait3A_623 : memref<1x1x128xi32, #tpu.memory_space<vmem>> -> memref<128xi32, #tpu.memory_space<vmem>>
      %dma_wait3A_625 = arith.constant 0 : i32
      %dma_wait3A_626 = arith.constant 0 : i32
      %dma_wait3A_627 = tpu.memref_slice %arg7[%dma_wait3A_625, %dma_wait3A_626] : memref<10240x16xf32, #tpu.memory_space<vmem_shared>> -> memref<10240x16xf32, #tpu.memory_space<vmem_shared>>
      tpu.wait_indirect_dma semaphore(%arg52 : memref<!tpu.dma_semaphore, #tpu.memory_space<semaphore_mem>>) src(%arg20 : memref<128x16xf32, #tpu.memory_space<vmem>>) dst(%dma_wait3A_627 : memref<10240x16xf32, #tpu.memory_space<vmem_shared>>)
      %dma_wait3A_628 = arith.constant 0 : i32
      %dma_wait3A_629 = arith.constant 0 : i32
      %dma_wait3A_630 = arith.constant 0 : i32
      %dma_wait3A_631 = tpu.memref_slice %arg15[%dma_wait3A_628, %dma_wait3A_629, %dma_wait3A_630] : memref<160x1x128xi32, #tpu.memory_space<vmem>> -> memref<1x1x128xi32, #tpu.memory_space<vmem>>
      %dma_wait3A_632 = tpu.memref_squeeze %dma_wait3A_631 : memref<1x1x128xi32, #tpu.memory_space<vmem>> -> memref<128xi32, #tpu.memory_space<vmem>>
      %dma_wait3A_633 = arith.constant 0 : i32
      %dma_wait3A_634 = arith.constant 0 : i32
      %dma_wait3A_635 = tpu.memref_slice %arg7[%dma_wait3A_633, %dma_wait3A_634] : memref<10240x16xf32, #tpu.memory_space<vmem_shared>> -> memref<10240x16xf32, #tpu.memory_space<vmem_shared>>
      tpu.wait_indirect_dma semaphore(%arg53 : memref<!tpu.dma_semaphore, #tpu.memory_space<semaphore_mem>>) src(%arg21 : memref<128x16xf32, #tpu.memory_space<vmem>>) dst(%dma_wait3A_635 : memref<10240x16xf32, #tpu.memory_space<vmem_shared>>)
      %dma_wait3A_636 = arith.constant 0 : i32
      %dma_wait3A_637 = arith.constant 0 : i32
      %dma_wait3A_638 = arith.constant 0 : i32
      %dma_wait3A_639 = tpu.memref_slice %arg15[%dma_wait3A_636, %dma_wait3A_637, %dma_wait3A_638] : memref<160x1x128xi32, #tpu.memory_space<vmem>> -> memref<1x1x128xi32, #tpu.memory_space<vmem>>
      %dma_wait3A_640 = tpu.memref_squeeze %dma_wait3A_639 : memref<1x1x128xi32, #tpu.memory_space<vmem>> -> memref<128xi32, #tpu.memory_space<vmem>>
      %dma_wait3A_641 = arith.constant 0 : i32
      %dma_wait3A_642 = arith.constant 0 : i32
      %dma_wait3A_643 = tpu.memref_slice %arg7[%dma_wait3A_641, %dma_wait3A_642] : memref<10240x16xf32, #tpu.memory_space<vmem_shared>> -> memref<10240x16xf32, #tpu.memory_space<vmem_shared>>
      tpu.wait_indirect_dma semaphore(%arg54 : memref<!tpu.dma_semaphore, #tpu.memory_space<semaphore_mem>>) src(%arg22 : memref<128x16xf32, #tpu.memory_space<vmem>>) dst(%dma_wait3A_643 : memref<10240x16xf32, #tpu.memory_space<vmem_shared>>)
      %dma_wait3A_644 = arith.constant 0 : i32
      %dma_wait3A_645 = arith.constant 0 : i32
      %dma_wait3A_646 = arith.constant 0 : i32
      %dma_wait3A_647 = tpu.memref_slice %arg15[%dma_wait3A_644, %dma_wait3A_645, %dma_wait3A_646] : memref<160x1x128xi32, #tpu.memory_space<vmem>> -> memref<1x1x128xi32, #tpu.memory_space<vmem>>
      %dma_wait3A_648 = tpu.memref_squeeze %dma_wait3A_647 : memref<1x1x128xi32, #tpu.memory_space<vmem>> -> memref<128xi32, #tpu.memory_space<vmem>>
      %dma_wait3A_649 = arith.constant 0 : i32
      %dma_wait3A_650 = arith.constant 0 : i32
      %dma_wait3A_651 = tpu.memref_slice %arg7[%dma_wait3A_649, %dma_wait3A_650] : memref<10240x16xf32, #tpu.memory_space<vmem_shared>> -> memref<10240x16xf32, #tpu.memory_space<vmem_shared>>
      tpu.wait_indirect_dma semaphore(%arg55 : memref<!tpu.dma_semaphore, #tpu.memory_space<semaphore_mem>>) src(%arg23 : memref<128x16xf32, #tpu.memory_space<vmem>>) dst(%dma_wait3A_651 : memref<10240x16xf32, #tpu.memory_space<vmem_shared>>)
      %barrier3A_652 = arith.constant 0 : index
      tpu.barrier barrier_id(%barrier3A_652)
      "tpu.region"() ({
        %run_scoped3A = tpu.sem_alloc : memref<!tpu.dma_semaphore, #tpu.memory_space<semaphore_mem>>
        %dma_start3A_658 = arith.constant 0 : i32
        %dma_start3A_659 = tpu.memref_slice %arg7[%mul3A_0, %dma_start3A_658] : memref<10240x16xf32, #tpu.memory_space<vmem_shared>> -> memref<640x16xf32, #tpu.memory_space<vmem_shared>>
        %dma_start3A_660 = arith.constant 0 : i32
        %dma_start3A_661 = tpu.memref_slice %arg7[%mul3A_0, %dma_start3A_660] : memref<10240x16xf32, #tpu.memory_space<vmem_shared>> -> memref<640x16xf32, #tpu.memory_space<vmem_shared>>
        tpu.enqueue_dma source(%dma_start3A_661 : memref<640x16xf32, #tpu.memory_space<vmem_shared>>) target(%arg12 : memref<640x16xf32, #tpu.memory_space<vmem>>) target_semaphore(%run_scoped3A : memref<!tpu.dma_semaphore, #tpu.memory_space<semaphore_mem>>)
        %dma_wait3A_662 = arith.constant 0 : i32
        %dma_wait3A_663 = tpu.memref_slice %arg7[%mul3A_0, %dma_wait3A_662] : memref<10240x16xf32, #tpu.memory_space<vmem_shared>> -> memref<640x16xf32, #tpu.memory_space<vmem_shared>>
        %dma_wait3A_664 = arith.constant 0 : i32
        %dma_wait3A_665 = tpu.memref_slice %arg7[%mul3A_0, %dma_wait3A_664] : memref<10240x16xf32, #tpu.memory_space<vmem_shared>> -> memref<640x16xf32, #tpu.memory_space<vmem_shared>>
        tpu.wait_dma2 semaphore(%run_scoped3A : memref<!tpu.dma_semaphore, #tpu.memory_space<semaphore_mem>>) src(%dma_wait3A_665 : memref<640x16xf32, #tpu.memory_space<vmem_shared>>) dst(%arg12 : memref<640x16xf32, #tpu.memory_space<vmem>>)
        tpu.yield
      }) : () -> ()
      "tpu.region"() ({
        %run_scoped3A = tpu.sem_alloc : memref<!tpu.dma_semaphore, #tpu.memory_space<semaphore_mem>>
        %dma_start3A_658 = arith.constant 0 : i32
        %dma_start3A_659 = tpu.memref_slice %arg7[%mul3A_0, %dma_start3A_658] : memref<10240x16xf32, #tpu.memory_space<vmem_shared>> -> memref<640x16xf32, #tpu.memory_space<vmem_shared>>
        %dma_start3A_660 = arith.constant 0 : i32
        %dma_start3A_661 = tpu.memref_slice %arg7[%mul3A_0, %dma_start3A_660] : memref<10240x16xf32, #tpu.memory_space<vmem_shared>> -> memref<640x16xf32, #tpu.memory_space<vmem_shared>>
        tpu.enqueue_dma source(%arg13 : memref<640x16xf32, #tpu.memory_space<vmem>>) target(%dma_start3A_661 : memref<640x16xf32, #tpu.memory_space<vmem_shared>>) target_semaphore(%run_scoped3A : memref<!tpu.dma_semaphore, #tpu.memory_space<semaphore_mem>>)
        %dma_wait3A_662 = arith.constant 0 : i32
        %dma_wait3A_663 = tpu.memref_slice %arg7[%mul3A_0, %dma_wait3A_662] : memref<10240x16xf32, #tpu.memory_space<vmem_shared>> -> memref<640x16xf32, #tpu.memory_space<vmem_shared>>
        %dma_wait3A_664 = arith.constant 0 : i32
        %dma_wait3A_665 = tpu.memref_slice %arg7[%mul3A_0, %dma_wait3A_664] : memref<10240x16xf32, #tpu.memory_space<vmem_shared>> -> memref<640x16xf32, #tpu.memory_space<vmem_shared>>
        tpu.wait_dma2 semaphore(%run_scoped3A : memref<!tpu.dma_semaphore, #tpu.memory_space<semaphore_mem>>) src(%arg13 : memref<640x16xf32, #tpu.memory_space<vmem>>) dst(%dma_wait3A_665 : memref<640x16xf32, #tpu.memory_space<vmem_shared>>)
        tpu.yield
      }) : () -> ()
      %scan3A_653 = arith.constant 0 : i32
      %scan3A_654 = arith.constant 160 : i32
      %scan3A_655 = arith.addi %scan3A_653, %scan3A_654 : i32
      %scan3A_656 = arith.constant 1 : i32
      scf.for %scan3A_658 = %scan3A_653 to %scan3A_655 step %scan3A_656  : i32 {
        %mul3A_659 = arith.constant 4 : i32
        %mul3A_660 = arith.muli %scan3A_658, %mul3A_659 : i32
        %add3A_661 = arith.constant 0 : i32
        %add3A_662 = arith.addi %mul3A_660, %add3A_661 : i32
        %get3A = arith.index_cast %add3A_662 : i32 to index
        %get3A_663 = arith.constant 0 : index
        %get3A_664 = tpu.vector_load %arg11[%get3A, %get3A_663] {strides = array<i32>} : memref<640x16xf32, #tpu.memory_space<vmem>>, vector<16xf32>,
        %get3A_665 = arith.index_cast %add3A_662 : i32 to index
        %get3A_666 = arith.constant 0 : index
        %get3A_667 = tpu.vector_load %arg12[%get3A_665, %get3A_666] {strides = array<i32>} : memref<640x16xf32, #tpu.memory_space<vmem>>, vector<16xf32>,
        %mul3A_668 = arith.mulf %get3A_664, %get3A_667 : vector<16xf32>
        %mul3A_669 = arith.mulf %get3A_664, %get3A_664 : vector<16xf32>
        %get3A_670 = arith.index_cast %add3A_662 : i32 to index
        %get3A_671 = arith.constant 0 : index
        %get3A_672 = tpu.vector_load %arg10[%get3A_670, %get3A_671] {strides = array<i32>} : memref<640x16xf32, #tpu.memory_space<vmem>>, vector<16xf32>,
        %mul3A_673 = arith.mulf %mul3A_669, %get3A_672 : vector<16xf32>
        %add3A_674 = arith.addf %mul3A_668, %mul3A_673 : vector<16xf32>
        %mul3A_675 = arith.constant 0.899999976 : f32
        %mul3A_676 = vector.broadcast %mul3A_675 : f32 to vector<16xf32>
        %mul3A_677 = arith.mulf %mul3A_676, %add3A_674 : vector<16xf32>
        %get3A_678 = arith.index_cast %add3A_662 : i32 to index
        %get3A_679 = arith.constant 0 : index
        %get3A_680 = tpu.vector_load %arg9[%get3A_678, %get3A_679] {strides = array<i32>} : memref<640x16xf32, #tpu.memory_space<vmem>>, vector<16xf32>,
        %mul3A_681 = arith.constant 1.000000e-01 : f32
        %mul3A_682 = vector.broadcast %mul3A_681 : f32 to vector<16xf32>
        %mul3A_683 = arith.mulf %mul3A_682, %get3A_680 : vector<16xf32>
        %add3A_684 = arith.addf %mul3A_677, %mul3A_683 : vector<16xf32>
        %swap3A = arith.index_cast %add3A_662 : i32 to index
        %swap3A_685 = arith.constant 0 : index
        %swap3A_686 = tpu.vector_load %arg10[%swap3A, %swap3A_685] {strides = array<i32>} : memref<640x16xf32, #tpu.memory_space<vmem>>, vector<16xf32>,
        tpu.vector_store %arg10[%swap3A, %swap3A_685], %add3A_684 {strides = array<i32>} : memref<640x16xf32, #tpu.memory_space<vmem>>, vector<16xf32>,
        %mul3A_687 = arith.mulf %add3A_684, %get3A_664 : vector<16xf32>
        %swap3A_688 = arith.index_cast %add3A_662 : i32 to index
        %swap3A_689 = arith.constant 0 : index
        %swap3A_690 = tpu.vector_load %arg12[%swap3A_688, %swap3A_689] {strides = array<i32>} : memref<640x16xf32, #tpu.memory_space<vmem>>, vector<16xf32>,
        tpu.vector_store %arg12[%swap3A_688, %swap3A_689], %mul3A_687 {strides = array<i32>} : memref<640x16xf32, #tpu.memory_space<vmem>>, vector<16xf32>,
        %mul3A_691 = arith.constant 4 : i32
        %mul3A_692 = arith.muli %scan3A_658, %mul3A_691 : i32
        %add3A_693 = arith.constant 1 : i32
        %add3A_694 = arith.addi %mul3A_692, %add3A_693 : i32
        %get3A_695 = arith.index_cast %add3A_694 : i32 to index
        %get3A_696 = arith.constant 0 : index
        %get3A_697 = tpu.vector_load %arg11[%get3A_695, %get3A_696] {strides = array<i32>} : memref<640x16xf32, #tpu.memory_space<vmem>>, vector<16xf32>,
        %get3A_698 = arith.index_cast %add3A_694 : i32 to index
        %get3A_699 = arith.constant 0 : index
        %get3A_700 = tpu.vector_load %arg12[%get3A_698, %get3A_699] {strides = array<i32>} : memref<640x16xf32, #tpu.memory_space<vmem>>, vector<16xf32>,
        %mul3A_701 = arith.mulf %get3A_697, %get3A_700 : vector<16xf32>
        %mul3A_702 = arith.mulf %get3A_697, %get3A_697 : vector<16xf32>
        %get3A_703 = arith.index_cast %add3A_694 : i32 to index
        %get3A_704 = arith.constant 0 : index
        %get3A_705 = tpu.vector_load %arg10[%get3A_703, %get3A_704] {strides = array<i32>} : memref<640x16xf32, #tpu.memory_space<vmem>>, vector<16xf32>,
        %mul3A_706 = arith.mulf %mul3A_702, %get3A_705 : vector<16xf32>
        %add3A_707 = arith.addf %mul3A_701, %mul3A_706 : vector<16xf32>
        %mul3A_708 = arith.constant 0.899999976 : f32
        %mul3A_709 = vector.broadcast %mul3A_708 : f32 to vector<16xf32>
        %mul3A_710 = arith.mulf %mul3A_709, %add3A_707 : vector<16xf32>
        %get3A_711 = arith.index_cast %add3A_694 : i32 to index
        %get3A_712 = arith.constant 0 : index
        %get3A_713 = tpu.vector_load %arg9[%get3A_711, %get3A_712] {strides = array<i32>} : memref<640x16xf32, #tpu.memory_space<vmem>>, vector<16xf32>,
        %mul3A_714 = arith.constant 1.000000e-01 : f32
        %mul3A_715 = vector.broadcast %mul3A_714 : f32 to vector<16xf32>
        %mul3A_716 = arith.mulf %mul3A_715, %get3A_713 : vector<16xf32>
        %add3A_717 = arith.addf %mul3A_710, %mul3A_716 : vector<16xf32>
        %swap3A_718 = arith.index_cast %add3A_694 : i32 to index
        %swap3A_719 = arith.constant 0 : index
        %swap3A_720 = tpu.vector_load %arg10[%swap3A_718, %swap3A_719] {strides = array<i32>} : memref<640x16xf32, #tpu.memory_space<vmem>>, vector<16xf32>,
        tpu.vector_store %arg10[%swap3A_718, %swap3A_719], %add3A_717 {strides = array<i32>} : memref<640x16xf32, #tpu.memory_space<vmem>>, vector<16xf32>,
        %mul3A_721 = arith.mulf %add3A_717, %get3A_697 : vector<16xf32>
        %swap3A_722 = arith.index_cast %add3A_694 : i32 to index
        %swap3A_723 = arith.constant 0 : index
        %swap3A_724 = tpu.vector_load %arg12[%swap3A_722, %swap3A_723] {strides = array<i32>} : memref<640x16xf32, #tpu.memory_space<vmem>>, vector<16xf32>,
        tpu.vector_store %arg12[%swap3A_722, %swap3A_723], %mul3A_721 {strides = array<i32>} : memref<640x16xf32, #tpu.memory_space<vmem>>, vector<16xf32>,
        %mul3A_725 = arith.constant 4 : i32
        %mul3A_726 = arith.muli %scan3A_658, %mul3A_725 : i32
        %add3A_727 = arith.constant 2 : i32
        %add3A_728 = arith.addi %mul3A_726, %add3A_727 : i32
        %get3A_729 = arith.index_cast %add3A_728 : i32 to index
        %get3A_730 = arith.constant 0 : index
        %get3A_731 = tpu.vector_load %arg11[%get3A_729, %get3A_730] {strides = array<i32>} : memref<640x16xf32, #tpu.memory_space<vmem>>, vector<16xf32>,
        %get3A_732 = arith.index_cast %add3A_728 : i32 to index
        %get3A_733 = arith.constant 0 : index
        %get3A_734 = tpu.vector_load %arg12[%get3A_732, %get3A_733] {strides = array<i32>} : memref<640x16xf32, #tpu.memory_space<vmem>>, vector<16xf32>,
        %mul3A_735 = arith.mulf %get3A_731, %get3A_734 : vector<16xf32>
        %mul3A_736 = arith.mulf %get3A_731, %get3A_731 : vector<16xf32>
        %get3A_737 = arith.index_cast %add3A_728 : i32 to index
        %get3A_738 = arith.constant 0 : index
        %get3A_739 = tpu.vector_load %arg10[%get3A_737, %get3A_738] {strides = array<i32>} : memref<640x16xf32, #tpu.memory_space<vmem>>, vector<16xf32>,
        %mul3A_740 = arith.mulf %mul3A_736, %get3A_739 : vector<16xf32>
        %add3A_741 = arith.addf %mul3A_735, %mul3A_740 : vector<16xf32>
        %mul3A_742 = arith.constant 0.899999976 : f32
        %mul3A_743 = vector.broadcast %mul3A_742 : f32 to vector<16xf32>
        %mul3A_744 = arith.mulf %mul3A_743, %add3A_741 : vector<16xf32>
        %get3A_745 = arith.index_cast %add3A_728 : i32 to index
        %get3A_746 = arith.constant 0 : index
        %get3A_747 = tpu.vector_load %arg9[%get3A_745, %get3A_746] {strides = array<i32>} : memref<640x16xf32, #tpu.memory_space<vmem>>, vector<16xf32>,
        %mul3A_748 = arith.constant 1.000000e-01 : f32
        %mul3A_749 = vector.broadcast %mul3A_748 : f32 to vector<16xf32>
        %mul3A_750 = arith.mulf %mul3A_749, %get3A_747 : vector<16xf32>
        %add3A_751 = arith.addf %mul3A_744, %mul3A_750 : vector<16xf32>
        %swap3A_752 = arith.index_cast %add3A_728 : i32 to index
        %swap3A_753 = arith.constant 0 : index
        %swap3A_754 = tpu.vector_load %arg10[%swap3A_752, %swap3A_753] {strides = array<i32>} : memref<640x16xf32, #tpu.memory_space<vmem>>, vector<16xf32>,
        tpu.vector_store %arg10[%swap3A_752, %swap3A_753], %add3A_751 {strides = array<i32>} : memref<640x16xf32, #tpu.memory_space<vmem>>, vector<16xf32>,
        %mul3A_755 = arith.mulf %add3A_751, %get3A_731 : vector<16xf32>
        %swap3A_756 = arith.index_cast %add3A_728 : i32 to index
        %swap3A_757 = arith.constant 0 : index
        %swap3A_758 = tpu.vector_load %arg12[%swap3A_756, %swap3A_757] {strides = array<i32>} : memref<640x16xf32, #tpu.memory_space<vmem>>, vector<16xf32>,
        tpu.vector_store %arg12[%swap3A_756, %swap3A_757], %mul3A_755 {strides = array<i32>} : memref<640x16xf32, #tpu.memory_space<vmem>>, vector<16xf32>,
        %mul3A_759 = arith.constant 4 : i32
        %mul3A_760 = arith.muli %scan3A_658, %mul3A_759 : i32
        %add3A_761 = arith.constant 3 : i32
        %add3A_762 = arith.addi %mul3A_760, %add3A_761 : i32
        %get3A_763 = arith.index_cast %add3A_762 : i32 to index
        %get3A_764 = arith.constant 0 : index
        %get3A_765 = tpu.vector_load %arg11[%get3A_763, %get3A_764] {strides = array<i32>} : memref<640x16xf32, #tpu.memory_space<vmem>>, vector<16xf32>,
        %get3A_766 = arith.index_cast %add3A_762 : i32 to index
        %get3A_767 = arith.constant 0 : index
        %get3A_768 = tpu.vector_load %arg12[%get3A_766, %get3A_767] {strides = array<i32>} : memref<640x16xf32, #tpu.memory_space<vmem>>, vector<16xf32>,
        %mul3A_769 = arith.mulf %get3A_765, %get3A_768 : vector<16xf32>
        %mul3A_770 = arith.mulf %get3A_765, %get3A_765 : vector<16xf32>
        %get3A_771 = arith.index_cast %add3A_762 : i32 to index
        %get3A_772 = arith.constant 0 : index
        %get3A_773 = tpu.vector_load %arg10[%get3A_771, %get3A_772] {strides = array<i32>} : memref<640x16xf32, #tpu.memory_space<vmem>>, vector<16xf32>,
        %mul3A_774 = arith.mulf %mul3A_770, %get3A_773 : vector<16xf32>
        %add3A_775 = arith.addf %mul3A_769, %mul3A_774 : vector<16xf32>
        %mul3A_776 = arith.constant 0.899999976 : f32
        %mul3A_777 = vector.broadcast %mul3A_776 : f32 to vector<16xf32>
        %mul3A_778 = arith.mulf %mul3A_777, %add3A_775 : vector<16xf32>
        %get3A_779 = arith.index_cast %add3A_762 : i32 to index
        %get3A_780 = arith.constant 0 : index
        %get3A_781 = tpu.vector_load %arg9[%get3A_779, %get3A_780] {strides = array<i32>} : memref<640x16xf32, #tpu.memory_space<vmem>>, vector<16xf32>,
        %mul3A_782 = arith.constant 1.000000e-01 : f32
        %mul3A_783 = vector.broadcast %mul3A_782 : f32 to vector<16xf32>
        %mul3A_784 = arith.mulf %mul3A_783, %get3A_781 : vector<16xf32>
        %add3A_785 = arith.addf %mul3A_778, %mul3A_784 : vector<16xf32>
        %swap3A_786 = arith.index_cast %add3A_762 : i32 to index
        %swap3A_787 = arith.constant 0 : index
        %swap3A_788 = tpu.vector_load %arg10[%swap3A_786, %swap3A_787] {strides = array<i32>} : memref<640x16xf32, #tpu.memory_space<vmem>>, vector<16xf32>,
        tpu.vector_store %arg10[%swap3A_786, %swap3A_787], %add3A_785 {strides = array<i32>} : memref<640x16xf32, #tpu.memory_space<vmem>>, vector<16xf32>,
        %mul3A_789 = arith.mulf %add3A_785, %get3A_765 : vector<16xf32>
        %swap3A_790 = arith.index_cast %add3A_762 : i32 to index
        %swap3A_791 = arith.constant 0 : index
        %swap3A_792 = tpu.vector_load %arg12[%swap3A_790, %swap3A_791] {strides = array<i32>} : memref<640x16xf32, #tpu.memory_space<vmem>>, vector<16xf32>,
        tpu.vector_store %arg12[%swap3A_790, %swap3A_791], %mul3A_789 {strides = array<i32>} : memref<640x16xf32, #tpu.memory_space<vmem>>, vector<16xf32>,
      }
      %scan3A_657 = arith.constant 160 : i32
      "tpu.region"() ({
        %run_scoped3A = tpu.sem_alloc : memref<!tpu.dma_semaphore, #tpu.memory_space<semaphore_mem>>
        %dma_start3A_658 = arith.constant 0 : i32
        %dma_start3A_659 = tpu.memref_slice %arg8[%mul3A_0, %dma_start3A_658] : memref<10240x16xf32, #tpu.memory_space<vmem_shared>> -> memref<640x16xf32, #tpu.memory_space<vmem_shared>>
        %dma_start3A_660 = arith.constant 0 : i32
        %dma_start3A_661 = tpu.memref_slice %arg8[%mul3A_0, %dma_start3A_660] : memref<10240x16xf32, #tpu.memory_space<vmem_shared>> -> memref<640x16xf32, #tpu.memory_space<vmem_shared>>
        tpu.enqueue_dma source(%arg12 : memref<640x16xf32, #tpu.memory_space<vmem>>) target(%dma_start3A_661 : memref<640x16xf32, #tpu.memory_space<vmem_shared>>) target_semaphore(%run_scoped3A : memref<!tpu.dma_semaphore, #tpu.memory_space<semaphore_mem>>)
        %dma_wait3A_662 = arith.constant 0 : i32
        %dma_wait3A_663 = tpu.memref_slice %arg8[%mul3A_0, %dma_wait3A_662] : memref<10240x16xf32, #tpu.memory_space<vmem_shared>> -> memref<640x16xf32, #tpu.memory_space<vmem_shared>>
        %dma_wait3A_664 = arith.constant 0 : i32
        %dma_wait3A_665 = tpu.memref_slice %arg8[%mul3A_0, %dma_wait3A_664] : memref<10240x16xf32, #tpu.memory_space<vmem_shared>> -> memref<640x16xf32, #tpu.memory_space<vmem_shared>>
        tpu.wait_dma2 semaphore(%run_scoped3A : memref<!tpu.dma_semaphore, #tpu.memory_space<semaphore_mem>>) src(%arg12 : memref<640x16xf32, #tpu.memory_space<vmem>>) dst(%dma_wait3A_665 : memref<640x16xf32, #tpu.memory_space<vmem_shared>>)
        tpu.yield
      }) : () -> ()
    }
    %scan3A_164 = arith.constant 10 : i32
    "tpu.region"() ({
      %run_scoped3A = tpu.sem_alloc : memref<!tpu.dma_semaphore, #tpu.memory_space<semaphore_mem>>
      %dma_start3A_165 = arith.constant 0 : i32
      %dma_start3A_166 = tpu.memref_slice %arg6[%add3A, %dma_start3A_165] : memref<20480x16xf32, #tpu.memory_space<hbm>> -> memref<640x16xf32, #tpu.memory_space<hbm>>
      %dma_start3A_167 = arith.constant 0 : i32
      %dma_start3A_168 = tpu.memref_slice %arg6[%add3A, %dma_start3A_167] : memref<20480x16xf32, #tpu.memory_space<hbm>> -> memref<640x16xf32, #tpu.memory_space<hbm>>
      tpu.enqueue_dma source(%arg10 : memref<640x16xf32, #tpu.memory_space<vmem>>) target(%dma_start3A_168 : memref<640x16xf32, #tpu.memory_space<hbm>>) target_semaphore(%run_scoped3A : memref<!tpu.dma_semaphore, #tpu.memory_space<semaphore_mem>>)
      %dma_wait3A_169 = arith.constant 0 : i32
      %dma_wait3A_170 = tpu.memref_slice %arg6[%add3A, %dma_wait3A_169] : memref<20480x16xf32, #tpu.memory_space<hbm>> -> memref<640x16xf32, #tpu.memory_space<hbm>>
      %dma_wait3A_171 = arith.constant 0 : i32
      %dma_wait3A_172 = tpu.memref_slice %arg6[%add3A, %dma_wait3A_171] : memref<20480x16xf32, #tpu.memory_space<hbm>> -> memref<640x16xf32, #tpu.memory_space<hbm>>
      tpu.wait_dma2 semaphore(%run_scoped3A : memref<!tpu.dma_semaphore, #tpu.memory_space<semaphore_mem>>) src(%arg10 : memref<640x16xf32, #tpu.memory_space<vmem>>) dst(%dma_wait3A_172 : memref<640x16xf32, #tpu.memory_space<hbm>>)
      tpu.yield
    }) : () -> ()
    return
  }
}

module attributes {stable_mosaic.version = 14 : i64} {
  func.func @_mlp_body(%arg0: i32, %arg1: memref<1000x128xf32, #tpu.memory_space<vmem>>, %arg2: memref<128x64xf32, #tpu.memory_space<vmem>>, %arg3: memref<1x64xf32, #tpu.memory_space<vmem>>, %arg4: memref<64x32xf32, #tpu.memory_space<vmem>>, %arg5: memref<1x32xf32, #tpu.memory_space<vmem>>, %arg6: memref<1000x16xf32, #tpu.memory_space<vmem>>, %arg7: memref<1000x16xf32, #tpu.memory_space<vmem>>) attributes {dimension_semantics = [#tpu.dimension_semantics<arbitrary>], iteration_bounds = array<i64: 10>, scalar_prefetch = 0 : i64, scratch_operands = 0 : i64, tpu.core_type = #tpu.core_type<tc>, window_params = [{transform_indices = @transform_0, window_bounds = array<i64: 1000, 128>}, {pipeline_mode = #tpu.pipeline_mode<synchronous>, transform_indices = @transform_1, window_bounds = array<i64: 128, 64>}, {pipeline_mode = #tpu.pipeline_mode<synchronous>, transform_indices = @transform_2, window_bounds = array<i64: 1, 64>}, {pipeline_mode = #tpu.pipeline_mode<synchronous>, transform_indices = @transform_3, window_bounds = array<i64: 64, 32>}, {pipeline_mode = #tpu.pipeline_mode<synchronous>, transform_indices = @transform_4, window_bounds = array<i64: 1, 32>}, {transform_indices = @transform_5, window_bounds = array<i64: 1000, 16>}, {transform_indices = @transform_6, window_bounds = array<i64: 1000, 16>}]} {
    %get3A = arith.constant 0 : index
    %get3A_0 = arith.constant 0 : index
    %get3A_1 = vector.load %arg1[%get3A, %get3A_0] : memref<1000x128xf32, #tpu.memory_space<vmem>>, vector<1000x128xf32>
    %get3A_2 = arith.constant 0 : index
    %get3A_3 = arith.constant 0 : index
    %get3A_4 = vector.load %arg2[%get3A_2, %get3A_3] : memref<128x64xf32, #tpu.memory_space<vmem>>, vector<128x64xf32>
    %dot_general3A = arith.constant dense<0.000000e+00> : vector<1000x64xf32>
    %dot_general3A_5 = tpu.matmul %get3A_1, %get3A_4, %dot_general3A {dimension_numbers = #tpu.dot_dimension_numbers<[1], [0], [0], [1], [0, 0, 1, 1], [], []>, transpose_lhs_hint = false} : vector<1000x128xf32>, vector<128x64xf32>, vector<1000x64xf32> -> vector<1000x64xf32>
    %get3A_6 = arith.constant 0 : index
    %get3A_7 = arith.constant 0 : index
    %get3A_8 = vector.load %arg3[%get3A_6, %get3A_7] : memref<1x64xf32, #tpu.memory_space<vmem>>, vector<1x64xf32>
    %add3A = vector.broadcast %get3A_8 : vector<1x64xf32> to vector<1000x64xf32>
    %add3A_9 = arith.addf %dot_general3A_5, %add3A : vector<1000x64xf32>
    %max3A = arith.constant 0.000000e+00 : f32
    %max3A_10 = vector.broadcast %max3A : f32 to vector<1000x64xf32>
    %max3A_11 = arith.maximumf %add3A_9, %max3A_10 : vector<1000x64xf32>
    %get3A_12 = arith.constant 0 : index
    %get3A_13 = arith.constant 0 : index
    %get3A_14 = vector.load %arg4[%get3A_12, %get3A_13] : memref<64x32xf32, #tpu.memory_space<vmem>>, vector<64x32xf32>
    %dot_general3A_15 = arith.constant dense<0.000000e+00> : vector<1000x32xf32>
    %dot_general3A_16 = tpu.matmul %max3A_11, %get3A_14, %dot_general3A_15 {dimension_numbers = #tpu.dot_dimension_numbers<[1], [0], [0], [1], [0, 0, 1, 1], [], []>, transpose_lhs_hint = false} : vector<1000x64xf32>, vector<64x32xf32>, vector<1000x32xf32> -> vector<1000x32xf32>
    %get3A_17 = arith.constant 0 : index
    %get3A_18 = arith.constant 0 : index
    %get3A_19 = vector.load %arg5[%get3A_17, %get3A_18] : memref<1x32xf32, #tpu.memory_space<vmem>>, vector<1x32xf32>
    %add3A_20 = vector.broadcast %get3A_19 : vector<1x32xf32> to vector<1000x32xf32>
    %add3A_21 = arith.addf %dot_general3A_16, %add3A_20 : vector<1000x32xf32>
    %slice3A = vector.extract_strided_slice %add3A_21 {offsets = [0, 0], sizes = [1000, 16], strides = [1, 1]} : vector<1000x32xf32> to vector<1000x16xf32>
    %swap3A = arith.constant 0 : index
    %swap3A_22 = arith.constant 0 : index
    %swap3A_23 = vector.load %arg6[%swap3A, %swap3A_22] : memref<1000x16xf32, #tpu.memory_space<vmem>>, vector<1000x16xf32>
    tpu.vector_store %arg6[%swap3A, %swap3A_22], %slice3A {strides = array<i32>} : memref<1000x16xf32, #tpu.memory_space<vmem>>, vector<1000x16xf32>,
    %slice3A_24 = vector.extract_strided_slice %add3A_21 {offsets = [0, 16], sizes = [1000, 16], strides = [1, 1]} : vector<1000x32xf32> to vector<1000x16xf32>
    %swap3A_25 = arith.constant 0 : index
    %swap3A_26 = arith.constant 0 : index
    %swap3A_27 = vector.load %arg7[%swap3A_25, %swap3A_26] : memref<1000x16xf32, #tpu.memory_space<vmem>>, vector<1000x16xf32>
    tpu.vector_store %arg7[%swap3A_25, %swap3A_26], %slice3A_24 {strides = array<i32>} : memref<1000x16xf32, #tpu.memory_space<vmem>>, vector<1000x16xf32>,
    return
  }
  func.func @transform_0(%arg0: i32) -> (i32, i32) {
    %c0_i32 = arith.constant 0 : i32
    %c0_i32_0 = arith.constant 0 : i32
    return %arg0, %c0_i32 : i32, i32
  }
  func.func @transform_1(%arg0: i32) -> (i32, i32) {
    %c0_i32 = arith.constant 0 : i32
    %c0_i32_0 = arith.constant 0 : i32
    %c0_i32_1 = arith.constant 0 : i32
    return %c0_i32, %c0_i32_0 : i32, i32
  }
  func.func @transform_2(%arg0: i32) -> (i32, i32) {
    %c0_i32 = arith.constant 0 : i32
    %c0_i32_0 = arith.constant 0 : i32
    %c0_i32_1 = arith.constant 0 : i32
    return %c0_i32, %c0_i32_0 : i32, i32
  }
  func.func @transform_3(%arg0: i32) -> (i32, i32) {
    %c0_i32 = arith.constant 0 : i32
    %c0_i32_0 = arith.constant 0 : i32
    %c0_i32_1 = arith.constant 0 : i32
    return %c0_i32, %c0_i32_0 : i32, i32
  }
  func.func @transform_4(%arg0: i32) -> (i32, i32) {
    %c0_i32 = arith.constant 0 : i32
    %c0_i32_0 = arith.constant 0 : i32
    %c0_i32_1 = arith.constant 0 : i32
    return %c0_i32, %c0_i32_0 : i32, i32
  }
  func.func @transform_5(%arg0: i32) -> (i32, i32) {
    %c0_i32 = arith.constant 0 : i32
    %c0_i32_0 = arith.constant 0 : i32
    return %arg0, %c0_i32 : i32, i32
  }
  func.func @transform_6(%arg0: i32) -> (i32, i32) {
    %c0_i32 = arith.constant 0 : i32
    %c0_i32_0 = arith.constant 0 : i32
    return %arg0, %c0_i32 : i32, i32
  }
}

module attributes {stable_mosaic.version = 14 : i64} {
  func.func @_lsm_body(%arg0: i32, %arg1: memref<80x16xf32, #tpu.memory_space<vmem>>, %arg2: memref<80x16xf32, #tpu.memory_space<vmem>>, %arg3: memref<80x32xf32, #tpu.memory_space<vmem>>) attributes {dimension_semantics = [#tpu.dimension_semantics<arbitrary>], iteration_bounds = array<i64: 125>, scalar_prefetch = 0 : i64, scratch_operands = 0 : i64, tpu.core_type = #tpu.core_type<tc>, window_params = [{transform_indices = @transform_0, window_bounds = array<i64: 80, 16>}, {transform_indices = @transform_1, window_bounds = array<i64: 80, 16>}, {transform_indices = @transform_2, window_bounds = array<i64: 80, 32>}]} {
    %get3A = arith.constant 0 : index
    %get3A_0 = arith.constant 0 : index
    %get3A_1 = vector.load %arg1[%get3A, %get3A_0] : memref<80x16xf32, #tpu.memory_space<vmem>>, vector<80x16xf32>
    %get3A_2 = arith.constant 0 : index
    %get3A_3 = arith.constant 0 : index
    %get3A_4 = vector.load %arg2[%get3A_2, %get3A_3] : memref<80x16xf32, #tpu.memory_space<vmem>>, vector<80x16xf32>
    %concatenate3A = tpu.concatenate %get3A_1, %get3A_4 in 1 : vector<80x16xf32>, vector<80x16xf32> -> vector<80x32xf32>
    %reduce_max3A = arith.constant dense<0xFF800000> : vector<80xf32>
    %reduce_max3A_5 = vector.multi_reduction <maximumf>, %concatenate3A, %reduce_max3A [1] : vector<80x32xf32> to vector<80xf32>
    %broadcast_in_dim3A = vector.shape_cast %reduce_max3A_5 : vector<80xf32> to vector<80x1xf32>
    %sub3A = vector.broadcast %broadcast_in_dim3A : vector<80x1xf32> to vector<80x32xf32>
    %sub3A_6 = arith.subf %concatenate3A, %sub3A : vector<80x32xf32>
    %exp3A = math.exp %sub3A_6 : vector<80x32xf32>
    %reduce_sum3A = arith.constant dense<0.000000e+00> : vector<80xf32>
    %reduce_sum3A_7 = vector.multi_reduction <add>, %exp3A, %reduce_sum3A [1] : vector<80x32xf32> to vector<80xf32>
    %broadcast_in_dim3A_8 = vector.shape_cast %reduce_sum3A_7 : vector<80xf32> to vector<80x1xf32>
    %sub3A_9 = vector.broadcast %broadcast_in_dim3A : vector<80x1xf32> to vector<80x32xf32>
    %sub3A_10 = arith.subf %concatenate3A, %sub3A_9 : vector<80x32xf32>
    %log3A = math.log %broadcast_in_dim3A_8 : vector<80x1xf32>
    %sub3A_11 = vector.broadcast %log3A : vector<80x1xf32> to vector<80x32xf32>
    %sub3A_12 = arith.subf %sub3A_10, %sub3A_11 : vector<80x32xf32>
    %swap3A = arith.constant 0 : index
    %swap3A_13 = arith.constant 0 : index
    %swap3A_14 = vector.load %arg3[%swap3A, %swap3A_13] : memref<80x32xf32, #tpu.memory_space<vmem>>, vector<80x32xf32>
    tpu.vector_store %arg3[%swap3A, %swap3A_13], %sub3A_12 {strides = array<i32>} : memref<80x32xf32, #tpu.memory_space<vmem>>, vector<80x32xf32>,
    return
  }
  func.func @transform_0(%arg0: i32) -> (i32, i32) {
    %c0_i32 = arith.constant 0 : i32
    %c0_i32_0 = arith.constant 0 : i32
    return %arg0, %c0_i32 : i32, i32
  }
  func.func @transform_1(%arg0: i32) -> (i32, i32) {
    %add3A = arith.constant 128 : i32
    %add3A_0 = arith.addi %add3A, %arg0 : i32
    %c0_i32 = arith.constant 0 : i32
    %c0_i32_1 = arith.constant 0 : i32
    return %add3A_0, %c0_i32 : i32, i32
  }
  func.func @transform_2(%arg0: i32) -> (i32, i32) {
    %c0_i32 = arith.constant 0 : i32
    %c0_i32_0 = arith.constant 0 : i32
    return %arg0, %c0_i32 : i32, i32
  }
}

</mosaic_0001>

<sc_bundles>
// kernel: kernel.5.cloned.1.call-start
scs
__scs_entry_jumppad:
0x0: {  	(pc) =	sbr.rel $0x88, $3  }
0x1: {  	(tag) =	ssettag $0x0;
	lr =	simm.s32 $0x1  }
0x2: {  	[smem:$0x3F9B] =	sst lr;
	_ =	strace $0xD0000000  }
0x3: {  	_ = 	snop  }
0x4: {  	_ = 	snop  }
0x5: {  	_ = 	snop  }
0x6: {  	_ = 	snop  }
0x7: {  	_ = 	snop  }
__scs_overlays_trampoline_lowered:
0x8: {  	[smem:$0x3FAA] =	sst s0  }
0x9: {  	[smem:$0x3FAB] =	sst s1  }
0xa: {  	[smem:$0x3FAC] =	sst s2  }
0xb: {  	[smem:$0x3FAD] =	sst s3  }
0xc: {  	[smem:$0x3FAE] =	sst s4  }
0xd: {  	[smem:$0x3FAF] =	sst s5  }
0xe: {  	[smem:$0x3FB0] =	sst s6  }
0xf: {  	[smem:$0x3FB1] =	sst s7  }
0x10: {  	[smem:$0x3FB2] =	sst s8  }
0x11: {  	[smem:$0x3FB3] =	sst s9;
	s0 =	simm.s32 @!p0 $0x0  }
0x12: {  	s1 =	sld [smem:$0x3F99];
	s0 =	simm.s32 @p0 $0x1  }
0x13: {  	[smem:$0x3FB4] =	sst s0;
	s0 =	simm.s32 @!p1 $0x0  }
0x14: {  	s2 =	sld [smem:$0x3F98];
	s0 =	simm.s32 @p1 $0x1  }
0x15: {  	[smem:$0x3FB5] =	sst s0;
	s0 =	simm.s32 @!p2 $0x0  }
0x16: {  	s3 =	sld [smem:$0x3FDB];
	s0 =	simm.s32 @p2 $0x1  }
0x17: {  	s4 =	simm.s32 $0x1BF5;
	[smem:$0x3FB7] =	sst s0  }
0x18: {  	s0 =	sld [smem:$0x3F9A];
	_ =	swait.ge [sflag:s4], $0x0  }
0x19: {  	s7 =	sld [smem:$0x3F9B]  }
0x1a: {  	s8 =	sadd.s32 $0xFFFFE003, lr  }
0x1b: {  	s9 =	sadd.s32 $0xFFFFFEF7, lr;
	s5 =	simm.s32 $0xFFFFFFFF;
	p2 =	slt.u32 s8, $0xFFFFF086  }
0x1c: {  	p1 =	slt.u32 s9, $0xF7A;
	s5 =	simm.s32 @!p2 $0x0  }
0x1d: {  	s5 =	simm.s32 @p1 $0x1;
	p0 =	seq.s32 s7, s2  }
0x1e: {  	s7 =	smul.u32 @!p0 $0xF7A, s2;
	p2 =	seq.s32 @!p0 s5, $0x0  }
0x1f: {  	s9 =	smul.u32 $0xF7A, s1;
	s8 =	simm.s32 @!p0 $0x1BF5;
	p2 =	por !p2, p0  }
0x20: {  	[sflag:s8] =	ssyncset.s32 @!p0 $0xFFFFF086;
	s6 =	sadd.s32 @!p0 s3, s7;
	s7 =	simm.s32 @!p0 $0x108  }
0x21: {  	s3 =	sadd.s32 s3, s9;
	s6 =	sadd.s32 @!p0 $0x88, s6;
	s7 =	simm.s32 @p2 $0x1082  }
0x22: {  	[simem:s7], [sflag:s8] =	dma.local @!p0 [hbm:s6], $0xF7A  }
0x23: {  	s9 =	sor.u32 $0xD0000000, s2;
	s6 =	simm.s32 $0x108;
	_ =	swait.ge @!p0 [sflag:s8], $0x0  }
0x24: {  	s3 =	sadd.s32 $0x88, s3;
	s6 =	simm.s32 @!p1 $0x1082;
	[sflag:s4] =	ssyncset.s32 $0xFFFFF086  }
0x25: {  	[simem:s6], [sflag:s4] =	dma.local [hbm:s3], $0xF7A  }
0x26: {  	[smem:$0x3F9B] =	sst s1;
	(tag) =	ssettag s2;
	_ =	strace s9  }
0x27: {  	s1 =	sld [smem:$0x3FAB]  }
0x28: {  	s2 =	sld [smem:$0x3FAC]  }
0x29: {  	s4 =	sld [smem:$0x3FAE]  }
0x2a: {  	p0 =	seq.s32 s5, $0x0;
	s5 =	sld [smem:$0x3FAF]  }
0x2b: {  	s6 =	sld [smem:$0x3FB0]  }
0x2c: {  	s7 =	sld [smem:$0x3FB1]  }
0x2d: {  	s3 =	simm.s32 $0x108;
	s8 =	sld [smem:$0x3FB2]  }
0x2e: {  	s3 =	simm.s32 @!p0 $0x1082;
	s9 =	sld [smem:$0x3FB3]  }
0x2f: {  	lr =	sadd.s32 s0, s3;
	s0 =	sld [smem:$0x3FAA]  }
0x30: {  	s3 =	sld [smem:$0x3FAD]  }
0x31: {  	[smem:$0x3FB6] =	sst s10  }
0x32: {  	s10 =	sld [smem:$0x3FB4];
	_ =	sdelay $0x3  }
0x33: {  	p0 =	seq.s32 s10, $0x1;
	s10 =	sld [smem:$0x3FB6];
	_ =	sdelay $0x3  }
0x34: {  	[smem:$0x3FB6] =	sst s10  }
0x35: {  	s10 =	sld [smem:$0x3FB5];
	_ =	sdelay $0x3  }
0x36: {  	p1 =	seq.s32 s10, $0x1;
	s10 =	sld [smem:$0x3FB6];
	_ =	sdelay $0x3  }
0x37: {  	[smem:$0x3FB6] =	sst s10  }
0x38: {  	s10 =	sld [smem:$0x3FB7]  }
0x39: {  	_ = 	snop;
	(pc) =	sbr.ind lr, $3  }
0x3a: {  	_ = 	snop  }
0x3b: {  	_ = 	snop  }
0x3c: {  	p2 =	seq.s32 s10, $0x1;
	s10 =	sld [smem:$0x3FB6]  }
0x3d: {  	_ =	shalt  }
0x3e: {  	_ =	shalt  }
0x3f: {  	_ =	shalt  }
0x40: {  	_ =	shalt  }
0x41: {  	_ =	shalt  }
0x42: {  	_ =	shalt  }
0x43: {  	_ =	shalt  }
0x44: {  	_ =	shalt  }
0x45: {  	_ =	shalt  }
0x46: {  	_ =	shalt  }
0x47: {  	_ =	shalt  }
0x48: {  	_ =	shalt  }
0x49: {  	_ =	shalt  }
0x4a: {  	_ =	shalt  }
0x4b: {  	_ =	shalt  }
0x4c: {  	_ =	shalt  }
0x4d: {  	_ =	shalt  }
0x4e: {  	_ =	shalt  }
0x4f: {  	_ =	shalt  }
0x50: {  	_ =	shalt  }
0x51: {  	_ =	shalt  }
0x52: {  	_ =	shalt  }
0x53: {  	_ =	shalt  }
0x54: {  	_ =	shalt  }
0x55: {  	_ =	shalt  }
0x56: {  	_ =	shalt  }
0x57: {  	_ =	shalt  }
0x58: {  	_ =	shalt  }
0x59: {  	_ =	shalt  }
0x5a: {  	_ =	shalt  }
0x5b: {  	_ =	shalt  }
0x5c: {  	_ =	shalt  }
0x5d: {  	_ =	shalt  }
0x5e: {  	_ =	shalt  }
0x5f: {  	_ =	shalt  }
0x60: {  	_ =	shalt  }
0x61: {  	_ =	shalt  }
0x62: {  	_ =	shalt  }
0x63: {  	_ =	shalt  }
0x64: {  	_ =	shalt  }
0x65: {  	_ =	shalt  }
0x66: {  	_ =	shalt  }
0x67: {  	_ =	shalt  }
0x68: {  	_ =	shalt  }
0x69: {  	_ =	shalt  }
0x6a: {  	_ =	shalt  }
0x6b: {  	_ =	shalt  }
0x6c: {  	_ =	shalt  }
0x6d: {  	_ =	shalt  }
0x6e: {  	_ =	shalt  }
0x6f: {  	_ =	shalt  }
0x70: {  	_ =	shalt  }
0x71: {  	_ =	shalt  }
0x72: {  	_ =	shalt  }
0x73: {  	_ =	shalt  }
0x74: {  	_ =	shalt  }
0x75: {  	_ =	shalt  }
0x76: {  	_ =	shalt  }
0x77: {  	_ =	shalt  }
0x78: {  	_ =	shalt  }
0x79: {  	_ =	shalt  }
0x7a: {  	_ =	shalt  }
0x7b: {  	_ =	shalt  }
0x7c: {  	_ =	shalt  }
0x7d: {  	_ =	shalt  }
0x7e: {  	_ =	shalt  }
0x7f: {  	_ =	shalt  }
0x80: {  	_ =	shalt  }
0x81: {  	_ =	shalt  }
0x82: {  	_ =	shalt  }
0x83: {  	_ =	shalt  }
0x84: {  	_ =	shalt  }
0x85: {  	_ =	shalt  }
0x86: {  	_ =	shalt  }
0x87: {  	_ =	shalt  }
.Lfunc_end0:
.L_simem_size_0:
called_computation_lowered:
.L_overlay_start_0:
0x88: {  	s2 =	sld [smem:$0x3FD9]  }
0x89: {  	s3 =	sld [smem:$0x3FFE];
	_ =	sdelay $0x1  }
0x8a: {  	s1 =	srdreg.scid  }
0x8b: {  	s0 =	sand.u32 $0x1, s1  }
0x8c: {  	s17 =	sshll.u32 s0, $0xA;
	s2 =	sadd.s32 s3, s2  }
0x8d: {  	s2 =	sadd.s32 s2, s17  }
0x8e: {  	[smem:$0x3FC2] =	sst s2  }
0x8f: {  	_ = 	snop  }
0x90: {  	s2 =	sld [smem:$0x3FD0];
	(tm) =	ssettm $0x1  }
0x91: {  	s18 =	sld [smem:$0x3FFB];
	_ =	sdelay $0x3  }
0x92: {  	_ =	strace s18  }
0x93: {  	s3 =	sld [smem:$0x3FFC];
	_ =	sdelay $0x3  }
0x94: {  	_ =	strace s3  }
0x95: {  	s3 =	sld [smem:$0x3FFD];
	_ =	sdelay $0x3  }
0x96: {  	_ =	strace s3  }
0x97: {  	_ =	strace $0x8FFFFFFF  }
0x98: {  	s19 =	sld [smem:$0x3FDB];
	_ =	sdelay $0x1  }
0x99: {  	s4 =	simm.s32 $_scs_section_size  }
0x9a: {  	s5 =	simm.s32 $_size__tile_overlayer_lowered;
	s6 =	simm.s32 $_tile_overlayer_lowered  }
0x9b: {  	s22 =	simm.s32 $0x1BFF;
	s21 =	sshll.u32 s6, $0x1;
	s3 =	sadd.s32 s4, s19  }
0x9c: {  	s7 =	simm.s32 $0x0;
	s20 =	sshll.u32 s5, $0x1;
	s5 =	sadd.s32 s21, s3  }
0x9d: {  	[timem:s7], [sflag:s22] =	dma.local [hbm:s5], s20  }
0x9e: {  	_ =	swait.ge [sflag:s22], s20  }
0x9f: {  	s4 =	ssub.s32 $0x0, s20;
	[sflag:s22] =	ssyncset.done $0x0  }
0xa0: {  	[sflag:s22] =	ssyncadd.s32 s4;
	_ =	sdelay $0x1  }
0xa1: {  	s23 =	simm.s32 $0x1B8B  }
0xa2: {  	_ =	swait.ge [sflag:s23], $0x1  }
0xa3: {  	[sflag:s23] =	ssyncset.done $0x0  }
0xa4: {  	s25 =	simm.s32 $0x1B8E;
	s24 =	sld [smem:$0x3FFE];
	[sflag:s23] =	ssyncadd.s32 $0xFFFFFFFF  }
0xa5: {  	s26 =	simm.s32 $execute0_lowered;
	[smem:$0x3FD2] =	sst s25  }
0xa6: {  	s5 =	sshll.u32 s26, $0x1;
	_ =	strace $0x80000046;
	[dreg:$0x1] =	wrdreg $0xFFFFFFFF  }
0xa7: {  	s28 =	simm.s32 $_size_execute0_lowered;
	s3 =	sadd.s32 s3, s5;
	[dreg:$0x0] =	wrdreg $0x0  }
0xa8: {  	s5 =	sshll.u32 s28, $0x1;
	[dreg:$0x2] =	wrdreg s3  }
0xa9: {  	[dreg:$0x3] =	wrdreg s5  }
0xaa: {  	[dreg:$0x4] =	wrdreg $0xC0  }
0xab: {  	_ =	task [dreg:s7], $0x5FFFF  }
0xac: {  	[dreg:$0x1] =	wrdreg $0xFFFFFFFF  }
0xad: {  	[dreg:$0x0] =	wrdreg $0x60  }
0xae: {  	[dreg:$0x2] =	wrdreg s24  }
0xaf: {  	[dreg:$0x3] =	wrdreg s2  }
0xb0: {  	[dreg:$0x4] =	wrdreg $0x0  }
0xb1: {  	[dreg:$0x5] =	wrdreg $0x28000  }
0xb2: {  	[dreg:$0x6] =	wrdreg $0x9  }
0xb3: {  	_ =	task.clear_ibuf [dreg:s7], $0x7FFFF;
	_ =	strace $0x90000046  }
0xb4: {  	s29 =	simm.s32 $0x9;
	_ =	strace $0x80000048  }
0xb5: {  	_ =	swait.ge [sflag:s29], $0x1  }
0xb6: {  	[sflag:s29] =	ssyncadd.s32 $0xFFFFFFFF  }
0xb7: {  	_ =	strace $0x90000048  }
0xb8: {  	_ =	sfence  }
0xb9: {  	s30 =	sld [smem:$0x0];
	_ =	sdelay $0x2  }
0xba: {  	s31 =	sshll.u32 s1, $0xD;
	s1 =	sshrl.u32 s1, $0x2  }
0xbb: {  	s3 =	sand.u32 $0x4000, s31;
	s1 =	sadd.s32 s1, s30  }
0xbc: {  	s0 =	sor.u32 s3, s0;
	s1 =	sshll.u32 s1, $0x11  }
0xbd: {  	s0 =	sor.u32 s1, s0  }
0xbe: {  	s0 =	sadd.s32 $0x8F2B, s0  }
0xbf: {  	[sflag:s0] =	ssyncadd.remote.s32 $0x1  }
0xc0: {  	_ =	sfence.sel $0xFFFF  }
0xc1: {  	[dreg:$0x0] =	wrdreg $0xFFFFFFFF;
	(pc) =	sbr.abs _section_cstart, $3  }
0xc2: {  	[dreg:$0x1] =	wrdreg $0xFFFFFFFF  }
0xc3: {  	_ =	task.clear_ibuf [dreg:s7], $0x2FFFF;
	_ =	strace $0x9FFFFFFF  }
0xc4: {  	(tm) =	ssettm $0x7FFFFFFF  }
0xc5: {  	_ =	shalt  }
tec
execute0_lowered:
.L_overlay_start_1:
0x0: {  	(tag) =	ssettag $0x1  }
0x1: {  	s0 =	rddreg [dreg:$0x0]  }
0x2: {  	s1 =	rddreg [dreg:$0x1]  }
0x3: {  	s2 =	rddreg [dreg:$0x2];
	s9 =	stileid.u32  }
0x4: {  	s4 =	srdreg.scid;
	s3 =	rddreg [dreg:$0x3]  }
0x5: {  	s14 =	simm.s32 $0x0;
	s18 =	simm.s32 $0x80;
	s28 =	simm.s32 $0x9  }
0x6: {  	s29 =	simm.s32 $0xA;
	s30 =	simm.s32 $0xB;
	s31 =	simm.s32 $0xC  }
0x7: {  	s13 =	simm.s32 $0xF;
	s10 =	simm.s32 $0x1D000;
	s7 =	smul.u32 $0x280, s9  }
0x8: {  	s12 =	simm.s32 $0x1;
	s15 =	simm.s32 $0x2;
	s6 =	smul.u32 $0xA00, s9  }
0x9: {  	s16 =	simm.s32 $0x7;
	s17 =	simm.s32 $0x8;
	s21 =	smul.u32 $0x2800, s9  }
0xa: {  	s4 =	sand.u32 $0x1, s4;
	[smem:$0x7FF] =	sst s14;
	s22 =	smul.u32 $0x500, s9  }
0xb: {  	s8 =	sadd.s32 $0x14A00, s0;
	s9 =	simm.s32 $0x11;
	s5 =	smul.u32 $0x2800, s4  }
0xc: {  	_ =	strace $0x80000047;
	s19 =	ssub.s32 $0x2, s4;
	p0 =	seq.s32 s4, $0x1  }
0xd: {  	[dreg:$0x7] =	wrdreg s7;
	s6 =	sadd.s32 s6, s0;
	s20 =	sshrl.u32 s19, $0x1  }
0xe: {  	s24 =	sadd.s32 s21, s2;
	s4 =	sadd.s32 s21, s3;
	s1 =	smov.u32 @p0 s8  }
0xf: {  	s21 =	simm.s32 $0x3;
	s8 =	simm.s32 $0x0;
	s5 =	sadd.s32 s7, s5  }
0x10: {  	s23 =	sadd.s32 $0xAA00, s6;
	s6 =	sadd.s32 $0xA00, s6;
	[dreg:$0xa] =	wrdreg s24  }
0x11: {  	[dreg:$0xb] =	wrdreg s4;
	s26 =	sadd.s32 s1, s22;
	s1 =	simm.s32 $0xD  }
0x12: {  	s4 =	simm.s32 $0x1D800;
	s22 =	simm.s32 $0x1E800;
	[dreg:$0x8] =	wrdreg s23  }
0x13: {  	s24 =	simm.s32 $0x1F000;
	s5 =	sshll.u32 s5, $0x1;
	[dreg:$0x9] =	wrdreg s6  }
0x14: {  	[dreg:$0xe] =	wrdreg s26;
	s6 =	simm.s32 $0x10;
	s23 =	simm.s32 $0x4  }
0x15: {  	s26 =	simm.s32 $0x6;
	s0 =	sadd.s32 s5, s0;
	s5 =	ssub.s32 s19, s20  }
0x16: {  	s19 =	simm.s32 $0x1B800;
	s20 =	simm.s32 $0x1E000;
	s0 =	sadd.s32 $0x19A00, s0  }
0x17: {  	s25 =	smax.u32 s5, $0x1;
	s5 =	simm.s32 $0x1C800;
	[dreg:$0xc] =	wrdreg s0  }
0x18: {  	v0 =	vimm.f32 $0.0e+00;
	v1 =	vimm.f32 $1.000000000e+00;
	[dreg:$0xd] =	wrdreg s25;
	s0 =	simm.s32 $0xE;
	s25 =	simm.s32 $0x5  }
.LBB2_1:
0x19: {  	[dreg:$0xf] =	wrdreg s8  }
0x1a: {  	s7 =	rddreg [dreg:$0xe];
	s11 =	simm.s32 $0x5000  }
0x1b: {  	[tilespmem:s11], [sflag:$0x11] =	stream.linear.gather [hbm4b:s7+s14], $0x2800, $0x38;
	[tilespmem:$0x1F800] =	vst v63  }
0x1c: {  	_ =	swait.ge [sflag:s9], $0x2800  }
0x1d: {  	[sflag:s9] =	ssyncset.done $0x0  }
0x1e: {  	s11 =	simm.s32 $0x11800;
	s8 =	rddreg [dreg:$0x8];
	[sflag:s9] =	ssyncadd.s32 $0xFFFFD800  }
0x1f: {  	[tilespmem:s11], [sflag:$0x11] =	stream.linear.gather [hbm4b:s8+s14], $0x5000, $0x38;
	[tilespmem:$0x1F800] =	vst v63  }
0x20: {  	_ =	swait.ge [sflag:s9], $0x5000  }
0x21: {  	[sflag:s9] =	ssyncset.done $0x0  }
0x22: {  	s11 =	simm.s32 $0x16800;
	s8 =	rddreg [dreg:$0x9];
	[sflag:s9] =	ssyncadd.s32 $0xFFFFB000  }
0x23: {  	[tilespmem:s11], [sflag:$0x11] =	stream.linear.gather [hbm4b:s8+s14], $0x5000, $0x38;
	[tilespmem:$0x1F800] =	vst v63  }
0x24: {  	_ =	swait.ge [sflag:s9], $0x5000  }
0x25: {  	[sflag:s9] =	ssyncset.done $0x0  }
0x26: {  	s7 =	simm.s32 $0x0;
	s14 =	simm.s32 $0x11;
	[sflag:s9] =	ssyncadd.s32 $0xFFFFB000  }
.LBB2_2:
0x27: {  	p0 =	sne.s32 s7, $0x9F00  }
.Ltmp0:
0x28: {  	s8 =	sshra.s32 s7, $0x2;
	(pc) =	sbr.rel @p0 .LBB2_2-.Ltmp0, $4  }
0x29: {  	[tilespmem:s8+$0xF000] =	vst v0  }
0x2a: {  	[tilespmem:s8+$0xF010] =	vst v0  }
0x2b: {  	[tilespmem:s8+$0xF020] =	vst v0  }
0x2c: {  	s7 =	sadd.s32 $0x100, s7;
	[tilespmem:s8+$0xF030] =	vst v0  }
0x2d: {  	s8 =	simm.s32 $0x100;
	s7 =	simm.s32 $0x0  }
.LBB2_4:
0x2e: {  	p0 =	sne.s32 s8, $0x1F00;
	[tilespmem:s7+$0x1B830] =	vst v1;
	s9 =	smov.u32 s8;
	s8 =	sadd.s32 $0x100, s8  }
.Ltmp1:
0x2f: {  	[tilespmem:s7+$0x1B820] =	vst v1;
	(pc) =	sbr.rel @p0 .LBB2_4-.Ltmp1, $3  }
0x30: {  	[tilespmem:s7+$0x1B800] =	vst v1  }
0x31: {  	[tilespmem:s7+$0x1B810] =	vst v1;
	_ =	sdelay $0x1  }
0x32: {  	s7 =	sshra.s32 s9, $0x2  }
0x33: {  	[tilespmem:s7+$0x1B830] =	vst v1  }
0x34: {  	[tilespmem:s7+$0x1B820] =	vst v1  }
0x35: {  	[tilespmem:s7+$0x1B800] =	vst v1  }
0x36: {  	[tilespmem:s7+$0x1B810] =	vst v1;
	s11 =	rddreg [dreg:$0xa];
	s8 =	simm.s32 $0xF000  }
0x37: {  	[spmem:s11] =	stream.linear.scatter [tilespmem:s8], [sflag:$0x11], $0x2800, $0x38;
	[tilespmem:$0x1F800] =	vst v63  }
0x38: {  	_ =	swait.ge [sflag:s14], $0x2800  }
0x39: {  	[sflag:s14] =	ssyncset.done $0x0  }
0x3a: {  	[sflag:s14] =	ssyncadd.s32 $0xFFFFD800  }
0x3b: {  	s8 =	simm.s32 $0x16800;
	[bflag:$0x0] =	sbarrier.arrive $0xFFFF  }
0x3c: {  	[spmem:s2] =	stream.indirect.scatter.add.f32 [tilespmem:s19], [sflag:$0x9], $0x10, s8, s18, $0xb8;
	[tilespmem:$0x1F800] =	vst v63  }
0x3d: {  	s9 =	simm.s32 $0x16880  }
0x3e: {  	[spmem:s2] =	stream.indirect.scatter.add.f32 [tilespmem:s19], [sflag:$0xA], $0x10, s9, s18, $0xb8;
	[tilespmem:$0x1F800] =	vst v63  }
0x3f: {  	s11 =	simm.s32 $0x16900  }
0x40: {  	[spmem:s2] =	stream.indirect.scatter.add.f32 [tilespmem:s19], [sflag:$0xB], $0x10, s11, s18, $0xb8;
	[tilespmem:$0x1F800] =	vst v63  }
0x41: {  	s8 =	simm.s32 $0x16980  }
0x42: {  	[spmem:s2] =	stream.indirect.scatter.add.f32 [tilespmem:s19], [sflag:$0xC], $0x10, s8, s18, $0xb8;
	[tilespmem:$0x1F800] =	vst v63  }
0x43: {  	s9 =	simm.s32 $0x16A00  }
0x44: {  	[spmem:s2] =	stream.indirect.scatter.add.f32 [tilespmem:s19], [sflag:$0xD], $0x10, s9, s18, $0xb8;
	[tilespmem:$0x1F800] =	vst v63  }
0x45: {  	s11 =	simm.s32 $0x16A80  }
0x46: {  	[spmem:s2] =	stream.indirect.scatter.add.f32 [tilespmem:s19], [sflag:$0xE], $0x10, s11, s18, $0xb8;
	[tilespmem:$0x1F800] =	vst v63  }
0x47: {  	s8 =	simm.s32 $0x16B00  }
0x48: {  	[spmem:s2] =	stream.indirect.scatter.add.f32 [tilespmem:s19], [sflag:$0xF], $0x10, s8, s18, $0xb8;
	[tilespmem:$0x1F800] =	vst v63  }
0x49: {  	s9 =	simm.s32 $0x16B80  }
0x4a: {  	[spmem:s2] =	stream.indirect.scatter.add.f32 [tilespmem:s19], [sflag:$0x10], $0x10, s9, s18, $0xb8;
	[tilespmem:$0x1F800] =	vst v63  }
0x4b: {  	_ =	swait.ge [sflag:s28], $0x800  }
0x4c: {  	[sflag:s28] =	ssyncset.done $0x0  }
0x4d: {  	s11 =	simm.s32 $0x16C00;
	[sflag:s28] =	ssyncadd.s32 $0xFFFFF800  }
0x4e: {  	[spmem:s2] =	stream.indirect.scatter.add.f32 [tilespmem:s19], [sflag:$0x9], $0x10, s11, s18, $0xb8;
	[tilespmem:$0x1F800] =	vst v63  }
0x4f: {  	_ =	swait.ge [sflag:s29], $0x800  }
0x50: {  	[sflag:s29] =	ssyncset.done $0x0  }
0x51: {  	s8 =	simm.s32 $0x16C80;
	[sflag:s29] =	ssyncadd.s32 $0xFFFFF800  }
0x52: {  	[spmem:s2] =	stream.indirect.scatter.add.f32 [tilespmem:s19], [sflag:$0xA], $0x10, s8, s18, $0xb8;
	[tilespmem:$0x1F800] =	vst v63  }
0x53: {  	_ =	swait.ge [sflag:s30], $0x800  }
0x54: {  	[sflag:s30] =	ssyncset.done $0x0  }
0x55: {  	s9 =	simm.s32 $0x16D00;
	[sflag:s30] =	ssyncadd.s32 $0xFFFFF800  }
0x56: {  	[spmem:s2] =	stream.indirect.scatter.add.f32 [tilespmem:s19], [sflag:$0xB], $0x10, s9, s18, $0xb8;
	[tilespmem:$0x1F800] =	vst v63  }
0x57: {  	_ =	swait.ge [sflag:s31], $0x800  }
0x58: {  	[sflag:s31] =	ssyncset.done $0x0  }
0x59: {  	s11 =	simm.s32 $0x16D80;
	[sflag:s31] =	ssyncadd.s32 $0xFFFFF800  }
0x5a: {  	[spmem:s2] =	stream.indirect.scatter.add.f32 [tilespmem:s19], [sflag:$0xC], $0x10, s11, s18, $0xb8;
	[tilespmem:$0x1F800] =	vst v63  }
0x5b: {  	_ =	swait.ge [sflag:s1], $0x800  }
0x5c: {  	[sflag:s1] =	ssyncset.done $0x0  }
0x5d: {  	s8 =	simm.s32 $0x16E00;
	[sflag:s1] =	ssyncadd.s32 $0xFFFFF800  }
0x5e: {  	[spmem:s2] =	stream.indirect.scatter.add.f32 [tilespmem:s19], [sflag:$0xD], $0x10, s8, s18, $0xb8;
	[tilespmem:$0x1F800] =	vst v63  }
0x5f: {  	_ =	swait.ge [sflag:s0], $0x800  }
0x60: {  	[sflag:s0] =	ssyncset.done $0x0  }
0x61: {  	s9 =	simm.s32 $0x16E80;
	[sflag:s0] =	ssyncadd.s32 $0xFFFFF800  }
0x62: {  	[spmem:s2] =	stream.indirect.scatter.add.f32 [tilespmem:s19], [sflag:$0xE], $0x10, s9, s18, $0xb8;
	[tilespmem:$0x1F800] =	vst v63  }
0x63: {  	_ =	swait.ge [sflag:s13], $0x800  }
0x64: {  	[sflag:s13] =	ssyncset.done $0x0  }
0x65: {  	s11 =	simm.s32 $0x16F00;
	[sflag:s13] =	ssyncadd.s32 $0xFFFFF800  }
0x66: {  	[spmem:s2] =	stream.indirect.scatter.add.f32 [tilespmem:s19], [sflag:$0xF], $0x10, s11, s18, $0xb8;
	[tilespmem:$0x1F800] =	vst v63  }
0x67: {  	_ =	swait.ge [sflag:s6], $0x800  }
0x68: {  	[sflag:s6] =	ssyncset.done $0x0  }
0x69: {  	s7 =	simm.s32 $0x1000;
	s8 =	simm.s32 $0x16F80;
	[sflag:s6] =	ssyncadd.s32 $0xFFFFF800  }
.LBB2_6:
0x6a: {  	[spmem:s2] =	stream.indirect.scatter.add.f32 [tilespmem:s19], [sflag:$0x10], $0x10, s8, s18, $0xb8;
	[tilespmem:$0x1F800] =	vst v63  }
0x6b: {  	s8 =	smov.u32 s7  }
0x6c: {  	p0 =	sne.s32 s7, $0x12000;
	s7 =	sadd.s32 $0x1000, s7;
	_ =	swait.ge [sflag:s28], $0x800  }
0x6d: {  	s8 =	sshra.s32 s8, $0x2;
	[sflag:s28] =	ssyncset.done $0x0  }
0x6e: {  	s9 =	sadd.s32 $0x16C00, s8;
	[sflag:s28] =	ssyncadd.s32 $0xFFFFF800  }
0x6f: {  	[spmem:s2] =	stream.indirect.scatter.add.f32 [tilespmem:s19], [sflag:$0x9], $0x10, s9, s18, $0xb8;
	[tilespmem:$0x1F800] =	vst v63  }
0x70: {  	_ =	swait.ge [sflag:s29], $0x800  }
0x71: {  	[sflag:s29] =	ssyncset.done $0x0  }
0x72: {  	s9 =	sadd.s32 $0x16C80, s8;
	[sflag:s29] =	ssyncadd.s32 $0xFFFFF800  }
0x73: {  	[spmem:s2] =	stream.indirect.scatter.add.f32 [tilespmem:s19], [sflag:$0xA], $0x10, s9, s18, $0xb8;
	[tilespmem:$0x1F800] =	vst v63  }
0x74: {  	_ =	swait.ge [sflag:s30], $0x800  }
0x75: {  	[sflag:s30] =	ssyncset.done $0x0  }
0x76: {  	s9 =	sadd.s32 $0x16D00, s8;
	[sflag:s30] =	ssyncadd.s32 $0xFFFFF800  }
0x77: {  	[spmem:s2] =	stream.indirect.scatter.add.f32 [tilespmem:s19], [sflag:$0xB], $0x10, s9, s18, $0xb8;
	[tilespmem:$0x1F800] =	vst v63  }
0x78: {  	_ =	swait.ge [sflag:s31], $0x800  }
0x79: {  	[sflag:s31] =	ssyncset.done $0x0  }
0x7a: {  	s9 =	sadd.s32 $0x16D80, s8;
	[sflag:s31] =	ssyncadd.s32 $0xFFFFF800  }
0x7b: {  	[spmem:s2] =	stream.indirect.scatter.add.f32 [tilespmem:s19], [sflag:$0xC], $0x10, s9, s18, $0xb8;
	[tilespmem:$0x1F800] =	vst v63  }
0x7c: {  	_ =	swait.ge [sflag:s1], $0x800  }
0x7d: {  	[sflag:s1] =	ssyncset.done $0x0  }
0x7e: {  	s9 =	sadd.s32 $0x16E00, s8;
	[sflag:s1] =	ssyncadd.s32 $0xFFFFF800  }
0x7f: {  	[spmem:s2] =	stream.indirect.scatter.add.f32 [tilespmem:s19], [sflag:$0xD], $0x10, s9, s18, $0xb8;
	[tilespmem:$0x1F800] =	vst v63  }
0x80: {  	_ =	swait.ge [sflag:s0], $0x800  }
0x81: {  	[sflag:s0] =	ssyncset.done $0x0  }
0x82: {  	s9 =	sadd.s32 $0x16E80, s8;
	[sflag:s0] =	ssyncadd.s32 $0xFFFFF800  }
0x83: {  	[spmem:s2] =	stream.indirect.scatter.add.f32 [tilespmem:s19], [sflag:$0xE], $0x10, s9, s18, $0xb8;
	[tilespmem:$0x1F800] =	vst v63  }
0x84: {  	_ =	swait.ge [sflag:s13], $0x800  }
0x85: {  	[sflag:s13] =	ssyncset.done $0x0  }
.Ltmp2:
0x86: {  	s9 =	sadd.s32 $0x16F00, s8;
	[sflag:s13] =	ssyncadd.s32 $0xFFFFF800;
	(pc) =	sbr.rel @p0 .LBB2_6-.Ltmp2, $4  }
0x87: {  	[spmem:s2] =	stream.indirect.scatter.add.f32 [tilespmem:s19], [sflag:$0xF], $0x10, s9, s18, $0xb8;
	[tilespmem:$0x1F800] =	vst v63  }
0x88: {  	_ =	swait.ge [sflag:s6], $0x800  }
0x89: {  	[sflag:s6] =	ssyncset.done $0x0  }
0x8a: {  	s8 =	sadd.s32 $0x16F80, s8;
	[sflag:s6] =	ssyncadd.s32 $0xFFFFF800  }
0x8b: {  	[spmem:s2] =	stream.indirect.scatter.add.f32 [tilespmem:s19], [sflag:$0x10], $0x10, s8, s18, $0xb8;
	[tilespmem:$0x1F800] =	vst v63  }
0x8c: {  	_ =	swait.ge [sflag:s28], $0x800  }
0x8d: {  	[sflag:s28] =	ssyncset.done $0x0  }
0x8e: {  	[sflag:s28] =	ssyncadd.s32 $0xFFFFF800  }
0x8f: {  	_ =	swait.ge [sflag:s29], $0x800  }
0x90: {  	[sflag:s29] =	ssyncset.done $0x0  }
0x91: {  	[sflag:s29] =	ssyncadd.s32 $0xFFFFF800  }
0x92: {  	_ =	swait.ge [sflag:s30], $0x800  }
0x93: {  	[sflag:s30] =	ssyncset.done $0x0  }
0x94: {  	[sflag:s30] =	ssyncadd.s32 $0xFFFFF800  }
0x95: {  	_ =	swait.ge [sflag:s31], $0x800  }
0x96: {  	[sflag:s31] =	ssyncset.done $0x0  }
0x97: {  	[sflag:s31] =	ssyncadd.s32 $0xFFFFF800  }
0x98: {  	_ =	swait.ge [sflag:s1], $0x800  }
0x99: {  	[sflag:s1] =	ssyncset.done $0x0  }
0x9a: {  	[sflag:s1] =	ssyncadd.s32 $0xFFFFF800  }
0x9b: {  	_ =	swait.ge [sflag:s0], $0x800  }
0x9c: {  	[sflag:s0] =	ssyncset.done $0x0  }
0x9d: {  	[sflag:s0] =	ssyncadd.s32 $0xFFFFF800  }
0x9e: {  	_ =	swait.ge [sflag:s13], $0x800  }
0x9f: {  	[sflag:s13] =	ssyncset.done $0x0  }
0xa0: {  	[sflag:s13] =	ssyncadd.s32 $0xFFFFF800  }
0xa1: {  	_ =	swait.ge [sflag:s6], $0x800  }
0xa2: {  	[sflag:s6] =	ssyncset.done $0x0  }
0xa3: {  	[sflag:s6] =	ssyncadd.s32 $0xFFFFF800  }
0xa4: {  	[bflag:$0x0] =	sbarrier.arrive $0xFFFF  }
0xa5: {  	s11 =	simm.s32 $0xC800;
	s7 =	rddreg [dreg:$0xa]  }
0xa6: {  	[tilespmem:s11], [sflag:$0x11] =	stream.linear.gather [spmem:s7], $0x2800, $0x38;
	[tilespmem:$0x1F800] =	vst v63  }
0xa7: {  	_ =	swait.ge [sflag:s14], $0x2800  }
0xa8: {  	[sflag:s14] =	ssyncset.done $0x0  }
0xa9: {  	s9 =	simm.s32 $0x0;
	[sflag:s14] =	ssyncadd.s32 $0xFFFFD800  }
0xaa: {  	v2 =	vld [tilespmem:s9+$0xC830];
	_ =	sdelay $0x4  }
0xab: {  	v2 =	vadd.f32 $1.000000000e+00, v2;
	_ =	sdelay $0x1  }
0xac: {  	v3 =	vshra.s32 v2, $0x1;
	v4 =	vmul.f32 $5.000000000e-01, v2  }
0xad: {  	v2 =	vsub.s32 $0x5F3759DF, v3  }
0xae: {  	v3 =	vmul.f32 v2, v4;
	_ =	sdelay $0x1  }
0xaf: {  	v3 =	vmul.f32 v2, v3;
	_ =	sdelay $0x1  }
0xb0: {  	v3 =	vsub.f32 $1.500000000e+00, v3  }
0xb1: {  	v5 =	vld [tilespmem:s9+$0x5000]  }
0xb2: {  	v7 =	vmul.f32 v2, v3;
	_ =	sdelay $0x1  }
0xb3: {  	s7 =	rddreg [dreg:$0x7];
	v3 =	vmul.f32 v7, v4  }
0xb4: {  	p0 =	slt.u32 s7, $0x2710;
	v6 =	vld [tilespmem:s9+$0x5020]  }
0xb5: {  	v2 =	vpsel !p0, $0x0, v5;
	v5 =	vmul.f32 v3, v7;
	_ =	sdelay $0x1  }
0xb6: {  	v5 =	vsub.f32 $1.500000000e+00, v5;
	_ =	sdelay $0x1  }
0xb7: {  	v3 =	vpsel !p0, $0x0, v6;
	v6 =	vmul.f32 v5, v7  }
0xb8: {  	v5 =	vld [tilespmem:s9+$0x5030]  }
0xb9: {  	v9 =	vld [tilespmem:s9+$0x5010];
	v4 =	vmul.f32 v6, v4  }
0xba: {  	v10 =	vld [tilespmem:s9+$0xC810];
	[tilespmem:s9+$0x5000] =	vst v2  }
0xbb: {  	[tilespmem:s9+$0x7800] =	vst v2;
	v4 =	vmul.f32 v4, v6  }
0xbc: {  	v8 =	vld [tilespmem:s9+$0xC820];
	[tilespmem:s9+$0x5020] =	vst v3  }
0xbd: {  	[tilespmem:s9+$0x7820] =	vst v3;
	v7 =	vld [tilespmem:s9+$0xC800];
	v5 =	vpsel !p0, $0x0, v5;
	v11 =	vsub.f32 $1.500000000e+00, v4  }
0xbe: {  	v4 =	vpsel !p0, $0x0, v9;
	[tilespmem:s9+$0x5030] =	vst v5  }
0xbf: {  	s8 =	simm.s32 $0x100;
	s14 =	simm.s32 $0x200;
	v9 =	vadd.f32 $1.000000000e+00, v10;
	[tilespmem:s9+$0x7810] =	vst v4;
	v6 =	vmul.f32 v11, v6  }
.LBB2_8:
0xc0: {  	s8 =	sshra.s32 s8, $0x2;
	[tilespmem:s9+$0x5010] =	vst v4  }
0xc1: {  	v10 =	vshra.s32 v9, $0x1;
	v9 =	vmul.f32 $5.000000000e-01, v9;
	v11 =	vld [tilespmem:s8+$0x5020];
	[tilespmem:s9+$0xA030] =	vst v6;
	v6 =	vmul.f32 v6, v5  }
0xc2: {  	v8 =	vadd.f32 $1.000000000e+00, v8;
	v10 =	vsub.s32 $0x5F3759DF, v10;
	v7 =	vadd.f32 $1.000000000e+00, v7  }
0xc3: {  	v12 =	vld [tilespmem:s8+$0x5000];
	[tilespmem:s9+$0x7830] =	vst v5;
	v13 =	vmul.f32 v10, v9  }
0xc4: {  	[tilespmem:s9+$0xC830] =	vst v6;
	v14 =	vshra.s32 v8, $0x1;
	v8 =	vmul.f32 $5.000000000e-01, v8;
	v5 =	vshra.s32 v7, $0x1  }
0xc5: {  	v6 =	vld [tilespmem:s8+$0xC830];
	v7 =	vmul.f32 $5.000000000e-01, v7;
	v14 =	vsub.s32 $0x5F3759DF, v14;
	v13 =	vmul.f32 v10, v13  }
0xc6: {  	v5 =	vsub.s32 $0x5F3759DF, v5;
	v15 =	vmul.f32 v14, v8  }
0xc7: {  	v16 =	vmul.f32 v5, v7;
	v13 =	vsub.f32 $1.500000000e+00, v13  }
0xc8: {  	v15 =	vmul.f32 v14, v15  }
0xc9: {  	v16 =	vmul.f32 v5, v16;
	v10 =	vmul.f32 v10, v13  }
0xca: {  	v6 =	vadd.f32 $1.000000000e+00, v6;
	v52 =	vsub.f32 $1.500000000e+00, v15  }
0xcb: {  	v53 =	vsub.f32 $1.500000000e+00, v16;
	v54 =	vmul.f32 v10, v9  }
0xcc: {  	v55 =	vshra.s32 v6, $0x1;
	v6 =	vmul.f32 $5.000000000e-01, v6;
	v13 =	vmul.f32 v14, v52  }
0xcd: {  	v14 =	vsub.s32 $0x5F3759DF, v55;
	v5 =	vmul.f32 v5, v53;
	v56 =	vmul.f32 v54, v10  }
0xce: {  	v17 =	vmul.f32 v14, v6;
	v57 =	vmul.f32 v13, v8  }
0xcf: {  	v18 =	vmul.f32 v5, v7;
	v15 =	vsub.f32 $1.500000000e+00, v56  }
0xd0: {  	v17 =	vmul.f32 v14, v17;
	v16 =	vmul.f32 v57, v13  }
0xd1: {  	v18 =	vmul.f32 v18, v5;
	v10 =	vmul.f32 v15, v10  }
0xd2: {  	v59 =	vsub.f32 $1.500000000e+00, v17;
	v58 =	vsub.f32 $1.500000000e+00, v16  }
0xd3: {  	v60 =	vsub.f32 $1.500000000e+00, v18;
	v9 =	vmul.f32 v10, v9  }
0xd4: {  	v14 =	vmul.f32 v14, v59;
	v13 =	vmul.f32 v58, v13  }
0xd5: {  	s7 =	sadd.s32 $0x4, s7;
	v5 =	vmul.f32 v60, v5;
	v9 =	vmul.f32 v9, v10  }
0xd6: {  	p1 =	slt.u32 s7, $0x2710;
	v61 =	vmul.f32 v14, v6;
	v8 =	vmul.f32 v13, v8  }
0xd7: {  	v11 =	vpsel !p1, $0x0, v11;
	v7 =	vmul.f32 v5, v7;
	v9 =	vsub.f32 $1.500000000e+00, v9  }
0xd8: {  	[tilespmem:s8+$0x5020] =	vst v11;
	v15 =	vmul.f32 v61, v14;
	v8 =	vmul.f32 v8, v13  }
0xd9: {  	v12 =	vpsel !p1, $0x0, v12;
	[tilespmem:s8+$0x7820] =	vst v11;
	v7 =	vmul.f32 v7, v5;
	v9 =	vmul.f32 v9, v10  }
0xda: {  	[tilespmem:s8+$0x5000] =	vst v12;
	v10 =	vsub.f32 $1.500000000e+00, v15;
	v8 =	vsub.f32 $1.500000000e+00, v8  }
0xdb: {  	[tilespmem:s8+$0x7800] =	vst v12;
	v7 =	vsub.f32 $1.500000000e+00, v7;
	v4 =	vmul.f32 v9, v4  }
0xdc: {  	[tilespmem:s9+$0xA010] =	vst v9;
	v10 =	vmul.f32 v10, v14;
	v9 =	vmul.f32 v8, v13  }
0xdd: {  	v62 =	vld [tilespmem:s8+$0x5030];
	v5 =	vmul.f32 v7, v5  }
0xde: {  	v63 =	vld [tilespmem:s8+$0x5010];
	[tilespmem:s9+$0xC810] =	vst v4;
	v6 =	vmul.f32 v10, v6;
	v4 =	vmul.f32 v9, v3  }
0xdf: {  	p0 =	sne.s32 s14, $0x9F00;
	v3 =	vmov v11;
	v11 =	vld [tilespmem:s8+$0xC810];
	[tilespmem:s9+$0xA000] =	vst v5;
	v5 =	vmul.f32 v5, v2  }
.Ltmp3:
0xe0: {  	s11 =	smov.u32 s14;
	v6 =	vmul.f32 v6, v10;
	[tilespmem:s9+$0xC820] =	vst v4;
	(pc) =	sbr.rel @p0 .LBB2_8-.Ltmp3, $4  }
0xe1: {  	[dreg:$0x6] =	wrdreg s11;
	s11 =	sadd.s32 $0x100, s14;
	v8 =	vld [tilespmem:s8+$0xC820];
	[tilespmem:s9+$0xC800] =	vst v5  }
0xe2: {  	[dreg:$0x5] =	wrdreg s11;
	v6 =	vsub.f32 $1.500000000e+00, v6;
	v5 =	vpsel !p1, $0x0, v62;
	v7 =	vld [tilespmem:s8+$0xC800];
	[tilespmem:s9+$0xA020] =	vst v9;
	s9 =	smov.u32 s8  }
0xe3: {  	s14 =	rddreg [dreg:$0x5];
	v4 =	vpsel !p1, $0x0, v63;
	[tilespmem:s9+$0x5030] =	vst v5  }
0xe4: {  	v2 =	vmov v12;
	s8 =	rddreg [dreg:$0x6];
	v9 =	vadd.f32 $1.000000000e+00, v11;
	[tilespmem:s9+$0x7810] =	vst v4;
	v6 =	vmul.f32 v6, v10  }
0xe5: {  	_ = 	snop  }
0xe6: {  	v10 =	vshra.s32 v9, $0x1;
	v29 =	vmul.f32 $5.000000000e-01, v9;
	v8 =	vadd.f32 $1.000000000e+00, v8  }
0xe7: {  	v10 =	vsub.s32 $0x5F3759DF, v10;
	v7 =	vadd.f32 $1.000000000e+00, v7  }
0xe8: {  	v11 =	vmul.f32 v10, v29;
	v12 =	vshra.s32 v8, $0x1;
	v8 =	vmul.f32 $5.000000000e-01, v8  }
0xe9: {  	v13 =	vshra.s32 v7, $0x1;
	v7 =	vmul.f32 $5.000000000e-01, v7;
	v12 =	vsub.s32 $0x5F3759DF, v12  }
0xea: {  	v11 =	vmul.f32 v10, v11;
	v13 =	vsub.s32 $0x5F3759DF, v13;
	v14 =	vmul.f32 v12, v8  }
0xeb: {  	v15 =	vmul.f32 v13, v7  }
0xec: {  	v11 =	vsub.f32 $1.500000000e+00, v11;
	v14 =	vmul.f32 v12, v14  }
0xed: {  	v30 =	vmul.f32 v13, v15  }
0xee: {  	v10 =	vmul.f32 v10, v11;
	v14 =	vsub.f32 $1.500000000e+00, v14  }
0xef: {  	v11 =	vsub.f32 $1.500000000e+00, v30  }
0xf0: {  	v31 =	vmul.f32 v10, v29;
	v12 =	vmul.f32 v12, v14  }
0xf1: {  	v11 =	vmul.f32 v13, v11  }
0xf2: {  	v32 =	vmul.f32 v31, v10;
	v34 =	vmul.f32 v12, v8  }
0xf3: {  	v16 =	vmul.f32 v11, v7  }
0xf4: {  	v14 =	vsub.f32 $1.500000000e+00, v32;
	v15 =	vmul.f32 v34, v12  }
0xf5: {  	s8 =	sshra.s32 s8, $0x2;
	[tilespmem:s9+$0x5010] =	vst v4;
	v35 =	vmul.f32 v16, v11  }
0xf6: {  	v33 =	vld [tilespmem:s8+$0x5020];
	v10 =	vmul.f32 v14, v10;
	v15 =	vsub.f32 $1.500000000e+00, v15  }
0xf7: {  	[tilespmem:s9+$0xA030] =	vst v6;
	v14 =	vsub.f32 $1.500000000e+00, v35  }
0xf8: {  	v17 =	vld [tilespmem:s8+$0x5000];
	v9 =	vmul.f32 v10, v29;
	v37 =	vmul.f32 v15, v12  }
0xf9: {  	s7 =	sadd.s32 $0x4, s7;
	v36 =	vmul.f32 v6, v5;
	v11 =	vmul.f32 v14, v11  }
0xfa: {  	p0 =	slt.u32 s7, $0x2710;
	[tilespmem:s9+$0x7830] =	vst v5;
	v9 =	vmul.f32 v9, v10;
	v8 =	vmul.f32 v37, v8  }
0xfb: {  	[tilespmem:s9+$0xC830] =	vst v36;
	v39 =	vpsel !p0, $0x0, v33;
	v7 =	vmul.f32 v11, v7  }
0xfc: {  	[tilespmem:s8+$0x5020] =	vst v39;
	v9 =	vsub.f32 $1.500000000e+00, v9;
	v8 =	vmul.f32 v8, v37  }
0xfd: {  	v38 =	vpsel !p0, $0x0, v17;
	[tilespmem:s8+$0x7820] =	vst v39;
	v7 =	vmul.f32 v7, v11  }
0xfe: {  	[tilespmem:s8+$0x5000] =	vst v38;
	v9 =	vmul.f32 v9, v10;
	v8 =	vsub.f32 $1.500000000e+00, v8  }
0xff: {  	v40 =	vld [tilespmem:s8+$0xC830];
	[tilespmem:s8+$0x7800] =	vst v38;
	v7 =	vsub.f32 $1.500000000e+00, v7  }
0x100: {  	[tilespmem:s9+$0xA010] =	vst v9;
	v41 =	vmul.f32 v9, v4;
	v5 =	vmul.f32 v8, v37  }
0x101: {  	v42 =	vld [tilespmem:s8+$0x5030];
	v7 =	vmul.f32 v7, v11  }
0x102: {  	v43 =	vld [tilespmem:s8+$0x5010];
	[tilespmem:s9+$0xC810] =	vst v41;
	v3 =	vmul.f32 v5, v3  }
0x103: {  	v4 =	vld [tilespmem:s8+$0xC810];
	[tilespmem:s9+$0xA000] =	vst v7;
	v2 =	vmul.f32 v7, v2  }
0x104: {  	v10 =	vadd.f32 $1.000000000e+00, v40;
	[tilespmem:s9+$0xC820] =	vst v3  }
0x105: {  	v3 =	vld [tilespmem:s8+$0xC820];
	[tilespmem:s9+$0xC800] =	vst v2  }
0x106: {  	v44 =	vshra.s32 v10, $0x1;
	v10 =	vmul.f32 $5.000000000e-01, v10;
	v45 =	vld [tilespmem:s8+$0xC800]  }
0x107: {  	v2 =	vsub.s32 $0x5F3759DF, v44  }
0x108: {  	v46 =	vmul.f32 v2, v10;
	v4 =	vadd.f32 $1.000000000e+00, v4;
	_ =	sdelay $0x1  }
0x109: {  	v11 =	vmul.f32 v2, v46;
	v47 =	vshra.s32 v4, $0x1;
	v4 =	vmul.f32 $5.000000000e-01, v4  }
0x10a: {  	v3 =	vadd.f32 $1.000000000e+00, v3;
	v7 =	vadd.f32 $1.000000000e+00, v45;
	v13 =	vsub.s32 $0x5F3759DF, v47  }
0x10b: {  	v11 =	vsub.f32 $1.500000000e+00, v11;
	v48 =	vmul.f32 v13, v4  }
0x10c: {  	v49 =	vshra.s32 v3, $0x1;
	v3 =	vmul.f32 $5.000000000e-01, v3;
	v50 =	vshra.s32 v7, $0x1  }
0x10d: {  	v7 =	vmul.f32 $5.000000000e-01, v7;
	v15 =	vsub.s32 $0x5F3759DF, v49;
	v14 =	vmul.f32 v13, v48  }
0x10e: {  	v2 =	vmul.f32 v2, v11;
	v16 =	vsub.s32 $0x5F3759DF, v50;
	v51 =	vmul.f32 v15, v3  }
0x10f: {  	v52 =	vmul.f32 v16, v7;
	v14 =	vsub.f32 $1.500000000e+00, v14  }
0x110: {  	v18 =	vmul.f32 v2, v10;
	v17 =	vmul.f32 v15, v51  }
0x111: {  	v11 =	vmul.f32 v16, v52;
	v13 =	vmul.f32 v13, v14  }
0x112: {  	v54 =	vmul.f32 v18, v2;
	v53 =	vsub.f32 $1.500000000e+00, v17  }
0x113: {  	v11 =	vsub.f32 $1.500000000e+00, v11;
	v55 =	vmul.f32 v13, v4  }
0x114: {  	v56 =	vsub.f32 $1.500000000e+00, v54;
	v14 =	vmul.f32 v15, v53  }
0x115: {  	v11 =	vmul.f32 v16, v11;
	v57 =	vmul.f32 v55, v13  }
0x116: {  	v2 =	vmul.f32 v56, v2;
	v58 =	vmul.f32 v14, v3  }
0x117: {  	v59 =	vmul.f32 v11, v7;
	v16 =	vsub.f32 $1.500000000e+00, v57  }
0x118: {  	v10 =	vmul.f32 v2, v10;
	v17 =	vmul.f32 v58, v14  }
0x119: {  	v15 =	vmul.f32 v59, v11;
	v13 =	vmul.f32 v16, v13  }
0x11a: {  	v10 =	vmul.f32 v10, v2;
	v60 =	vsub.f32 $1.500000000e+00, v17  }
0x11b: {  	v15 =	vsub.f32 $1.500000000e+00, v15;
	v4 =	vmul.f32 v13, v4  }
0x11c: {  	v10 =	vsub.f32 $1.500000000e+00, v10;
	v14 =	vmul.f32 v60, v14  }
0x11d: {  	[tilespmem:s9+$0xA020] =	vst v5;
	v61 =	vpsel !p0, $0x0, v42;
	v11 =	vmul.f32 v15, v11;
	v4 =	vmul.f32 v4, v13  }
0x11e: {  	v8 =	vpsel !p0, $0x0, v43;
	[tilespmem:s8+$0x5030] =	vst v61;
	v2 =	vmul.f32 v10, v2;
	v3 =	vmul.f32 v14, v3  }
0x11f: {  	[tilespmem:s8+$0x7810] =	vst v8;
	v7 =	vmul.f32 v11, v7;
	v4 =	vsub.f32 $1.500000000e+00, v4  }
0x120: {  	[tilespmem:s8+$0xA030] =	vst v2;
	v2 =	vmul.f32 v2, v61;
	v3 =	vmul.f32 v3, v14  }
0x121: {  	[tilespmem:s8+$0x5010] =	vst v8;
	v7 =	vmul.f32 v7, v11;
	v4 =	vmul.f32 v4, v13  }
0x122: {  	[tilespmem:s8+$0x7830] =	vst v61;
	v3 =	vsub.f32 $1.500000000e+00, v3  }
0x123: {  	[tilespmem:s8+$0xC830] =	vst v2;
	v62 =	vsub.f32 $1.500000000e+00, v7;
	v2 =	vmul.f32 v4, v8  }
0x124: {  	v3 =	vmul.f32 v3, v14;
	[tilespmem:s8+$0xA010] =	vst v4  }
0x125: {  	v63 =	vmul.f32 v62, v11;
	[tilespmem:s8+$0xC810] =	vst v2  }
0x126: {  	v2 =	vmul.f32 v3, v39;
	[tilespmem:s8+$0xA020] =	vst v3  }
0x127: {  	[tilespmem:s8+$0xA000] =	vst v63;
	v4 =	vmul.f32 v63, v38  }
0x128: {  	[tilespmem:s8+$0xC820] =	vst v2  }
0x129: {  	s9 =	simm.s32 $0xC800;
	[tilespmem:s8+$0xC800] =	vst v4;
	s8 =	rddreg [dreg:$0xb]  }
0x12a: {  	[spmem:s8] =	stream.linear.scatter [tilespmem:s9], [sflag:$0x11], $0x2800, $0x38;
	[tilespmem:$0x1F800] =	vst v63  }
0x12b: {  	s8 =	simm.s32 $0x11  }
0x12c: {  	_ =	swait.ge [sflag:s8], $0x2800  }
0x12d: {  	[sflag:s8] =	ssyncset.done $0x0  }
0x12e: {  	s14 =	simm.s32 $0xF000;
	s11 =	rddreg [dreg:$0xa];
	[sflag:s8] =	ssyncadd.s32 $0xFFFFD800  }
0x12f: {  	[spmem:s11] =	stream.linear.scatter [tilespmem:s14], [sflag:$0x11], $0x2800, $0x38;
	[tilespmem:$0x1F800] =	vst v63  }
0x130: {  	_ =	swait.ge [sflag:s8], $0x2800  }
0x131: {  	[sflag:s8] =	ssyncset.done $0x0  }
0x132: {  	s9 =	simm.s32 $0x0;
	s11 =	simm.s32 $0x1C000;
	[sflag:s8] =	ssyncadd.s32 $0xFFFFD800  }
.LBB2_10:
0x133: {  	[bflag:$0x0] =	sbarrier.arrive $0xFFFF;
	s7 =	simm.s32 $0x11800  }
0x134: {  	[tilespmem:s19], [sflag:$0x1] =	stream.indirect.gather [spmem:s3], $0x10, s7, s18, $0xb8;
	[tilespmem:$0x1F800] =	vst v63  }
0x135: {  	s8 =	simm.s32 $0x11880  }
0x136: {  	[tilespmem:s11], [sflag:$0x2] =	stream.indirect.gather [spmem:s3], $0x10, s8, s18, $0xb8;
	[tilespmem:$0x1F800] =	vst v63  }
0x137: {  	s14 =	simm.s32 $0x11900  }
0x138: {  	[tilespmem:s5], [sflag:$0x3] =	stream.indirect.gather [spmem:s3], $0x10, s14, s18, $0xb8;
	[tilespmem:$0x1F800] =	vst v63  }
0x139: {  	s8 =	simm.s32 $0x11980  }
0x13a: {  	[tilespmem:s10], [sflag:$0x4] =	stream.indirect.gather [spmem:s3], $0x10, s8, s18, $0xb8;
	[tilespmem:$0x1F800] =	vst v63  }
0x13b: {  	_ =	swait.ge [sflag:s12], $0x800  }
0x13c: {  	[sflag:s12] =	ssyncset.done $0x0  }
0x13d: {  	s14 =	simm.s32 $0x16800;
	[sflag:s12] =	ssyncadd.s32 $0xFFFFF800  }
0x13e: {  	[spmem:s2] =	stream.indirect.scatter.add.f32 [tilespmem:s19], [sflag:$0x9], $0x10, s14, s18, $0xb8;
	[tilespmem:$0x1F800] =	vst v63  }
0x13f: {  	s8 =	simm.s32 $0x11A00  }
0x140: {  	[tilespmem:s4], [sflag:$0x5] =	stream.indirect.gather [spmem:s3], $0x10, s8, s18, $0xb8;
	[tilespmem:$0x1F800] =	vst v63  }
0x141: {  	_ =	swait.ge [sflag:s15], $0x800  }
0x142: {  	[sflag:s15] =	ssyncset.done $0x0  }
0x143: {  	s14 =	simm.s32 $0x16880;
	[sflag:s15] =	ssyncadd.s32 $0xFFFFF800  }
0x144: {  	[spmem:s2] =	stream.indirect.scatter.add.f32 [tilespmem:s11], [sflag:$0xA], $0x10, s14, s18, $0xb8;
	[tilespmem:$0x1F800] =	vst v63  }
0x145: {  	s8 =	simm.s32 $0x11A80  }
0x146: {  	[tilespmem:s20], [sflag:$0x6] =	stream.indirect.gather [spmem:s3], $0x10, s8, s18, $0xb8;
	[tilespmem:$0x1F800] =	vst v63  }
0x147: {  	_ =	swait.ge [sflag:s21], $0x800  }
0x148: {  	[sflag:s21] =	ssyncset.done $0x0  }
0x149: {  	s14 =	simm.s32 $0x16900;
	[sflag:s21] =	ssyncadd.s32 $0xFFFFF800  }
0x14a: {  	[spmem:s2] =	stream.indirect.scatter.add.f32 [tilespmem:s5], [sflag:$0xB], $0x10, s14, s18, $0xb8;
	[tilespmem:$0x1F800] =	vst v63  }
0x14b: {  	s8 =	simm.s32 $0x11B00  }
0x14c: {  	[tilespmem:s22], [sflag:$0x7] =	stream.indirect.gather [spmem:s3], $0x10, s8, s18, $0xb8;
	[tilespmem:$0x1F800] =	vst v63  }
0x14d: {  	_ =	swait.ge [sflag:s23], $0x800  }
0x14e: {  	[sflag:s23] =	ssyncset.done $0x0  }
0x14f: {  	s14 =	simm.s32 $0x16980;
	[sflag:s23] =	ssyncadd.s32 $0xFFFFF800  }
0x150: {  	[spmem:s2] =	stream.indirect.scatter.add.f32 [tilespmem:s10], [sflag:$0xC], $0x10, s14, s18, $0xb8;
	[tilespmem:$0x1F800] =	vst v63  }
0x151: {  	s8 =	simm.s32 $0x11B80  }
0x152: {  	[tilespmem:s24], [sflag:$0x8] =	stream.indirect.gather [spmem:s3], $0x10, s8, s18, $0xb8;
	[tilespmem:$0x1F800] =	vst v63  }
0x153: {  	_ =	swait.ge [sflag:s25], $0x800  }
0x154: {  	[sflag:s25] =	ssyncset.done $0x0  }
0x155: {  	s14 =	simm.s32 $0x16A00;
	[sflag:s25] =	ssyncadd.s32 $0xFFFFF800  }
0x156: {  	[spmem:s2] =	stream.indirect.scatter.add.f32 [tilespmem:s4], [sflag:$0xD], $0x10, s14, s18, $0xb8;
	[tilespmem:$0x1F800] =	vst v63  }
0x157: {  	_ =	swait.ge [sflag:s28], $0x800  }
0x158: {  	[sflag:s28] =	ssyncset.done $0x0  }
0x159: {  	s8 =	simm.s32 $0x11C00;
	[sflag:s28] =	ssyncadd.s32 $0xFFFFF800  }
0x15a: {  	[tilespmem:s19], [sflag:$0x1] =	stream.indirect.gather [spmem:s3], $0x10, s8, s18, $0xb8;
	[tilespmem:$0x1F800] =	vst v63  }
0x15b: {  	_ =	swait.ge [sflag:s26], $0x800  }
0x15c: {  	[sflag:s26] =	ssyncset.done $0x0  }
0x15d: {  	s14 =	simm.s32 $0x16A80;
	[sflag:s26] =	ssyncadd.s32 $0xFFFFF800  }
0x15e: {  	[spmem:s2] =	stream.indirect.scatter.add.f32 [tilespmem:s20], [sflag:$0xE], $0x10, s14, s18, $0xb8;
	[tilespmem:$0x1F800] =	vst v63  }
0x15f: {  	_ =	swait.ge [sflag:s29], $0x800  }
0x160: {  	[sflag:s29] =	ssyncset.done $0x0  }
0x161: {  	s8 =	simm.s32 $0x11C80;
	[sflag:s29] =	ssyncadd.s32 $0xFFFFF800  }
0x162: {  	[tilespmem:s11], [sflag:$0x2] =	stream.indirect.gather [spmem:s3], $0x10, s8, s18, $0xb8;
	[tilespmem:$0x1F800] =	vst v63  }
0x163: {  	_ =	swait.ge [sflag:s16], $0x800  }
0x164: {  	[sflag:s16] =	ssyncset.done $0x0  }
0x165: {  	s14 =	simm.s32 $0x16B00;
	[sflag:s16] =	ssyncadd.s32 $0xFFFFF800  }
0x166: {  	[spmem:s2] =	stream.indirect.scatter.add.f32 [tilespmem:s22], [sflag:$0xF], $0x10, s14, s18, $0xb8;
	[tilespmem:$0x1F800] =	vst v63  }
0x167: {  	_ =	swait.ge [sflag:s30], $0x800  }
0x168: {  	[sflag:s30] =	ssyncset.done $0x0  }
0x169: {  	s8 =	simm.s32 $0x11D00;
	[sflag:s30] =	ssyncadd.s32 $0xFFFFF800  }
0x16a: {  	[tilespmem:s5], [sflag:$0x3] =	stream.indirect.gather [spmem:s3], $0x10, s8, s18, $0xb8;
	[tilespmem:$0x1F800] =	vst v63  }
0x16b: {  	_ =	swait.ge [sflag:s17], $0x800  }
0x16c: {  	[sflag:s17] =	ssyncset.done $0x0  }
0x16d: {  	s14 =	simm.s32 $0x16B80;
	[sflag:s17] =	ssyncadd.s32 $0xFFFFF800  }
0x16e: {  	[spmem:s2] =	stream.indirect.scatter.add.f32 [tilespmem:s24], [sflag:$0x10], $0x10, s14, s18, $0xb8;
	[tilespmem:$0x1F800] =	vst v63  }
0x16f: {  	_ =	swait.ge [sflag:s31], $0x800  }
0x170: {  	[sflag:s31] =	ssyncset.done $0x0  }
0x171: {  	s8 =	simm.s32 $0x11D80;
	[sflag:s31] =	ssyncadd.s32 $0xFFFFF800  }
0x172: {  	[tilespmem:s10], [sflag:$0x4] =	stream.indirect.gather [spmem:s3], $0x10, s8, s18, $0xb8;
	[tilespmem:$0x1F800] =	vst v63  }
0x173: {  	_ =	swait.ge [sflag:s12], $0x800  }
0x174: {  	[sflag:s12] =	ssyncset.done $0x0  }
0x175: {  	s14 =	simm.s32 $0x16C00;
	[sflag:s12] =	ssyncadd.s32 $0xFFFFF800  }
0x176: {  	[spmem:s2] =	stream.indirect.scatter.add.f32 [tilespmem:s19], [sflag:$0x9], $0x10, s14, s18, $0xb8;
	[tilespmem:$0x1F800] =	vst v63  }
0x177: {  	_ =	swait.ge [sflag:s1], $0x800  }
0x178: {  	[sflag:s1] =	ssyncset.done $0x0  }
0x179: {  	s8 =	simm.s32 $0x11E00;
	[sflag:s1] =	ssyncadd.s32 $0xFFFFF800  }
0x17a: {  	[tilespmem:s4], [sflag:$0x5] =	stream.indirect.gather [spmem:s3], $0x10, s8, s18, $0xb8;
	[tilespmem:$0x1F800] =	vst v63  }
0x17b: {  	_ =	swait.ge [sflag:s15], $0x800  }
0x17c: {  	[sflag:s15] =	ssyncset.done $0x0  }
0x17d: {  	s14 =	simm.s32 $0x16C80;
	[sflag:s15] =	ssyncadd.s32 $0xFFFFF800  }
0x17e: {  	[spmem:s2] =	stream.indirect.scatter.add.f32 [tilespmem:s11], [sflag:$0xA], $0x10, s14, s18, $0xb8;
	[tilespmem:$0x1F800] =	vst v63  }
0x17f: {  	_ =	swait.ge [sflag:s0], $0x800  }
0x180: {  	[sflag:s0] =	ssyncset.done $0x0  }
0x181: {  	s8 =	simm.s32 $0x11E80;
	[sflag:s0] =	ssyncadd.s32 $0xFFFFF800  }
0x182: {  	[tilespmem:s20], [sflag:$0x6] =	stream.indirect.gather [spmem:s3], $0x10, s8, s18, $0xb8;
	[tilespmem:$0x1F800] =	vst v63  }
0x183: {  	_ =	swait.ge [sflag:s21], $0x800  }
0x184: {  	[sflag:s21] =	ssyncset.done $0x0  }
0x185: {  	s14 =	simm.s32 $0x16D00;
	[sflag:s21] =	ssyncadd.s32 $0xFFFFF800  }
0x186: {  	[spmem:s2] =	stream.indirect.scatter.add.f32 [tilespmem:s5], [sflag:$0xB], $0x10, s14, s18, $0xb8;
	[tilespmem:$0x1F800] =	vst v63  }
0x187: {  	_ =	swait.ge [sflag:s13], $0x800  }
0x188: {  	[sflag:s13] =	ssyncset.done $0x0  }
0x189: {  	s8 =	simm.s32 $0x11F00;
	[sflag:s13] =	ssyncadd.s32 $0xFFFFF800  }
0x18a: {  	[tilespmem:s22], [sflag:$0x7] =	stream.indirect.gather [spmem:s3], $0x10, s8, s18, $0xb8;
	[tilespmem:$0x1F800] =	vst v63  }
0x18b: {  	_ =	swait.ge [sflag:s23], $0x800  }
0x18c: {  	[sflag:s23] =	ssyncset.done $0x0  }
0x18d: {  	s14 =	simm.s32 $0x16D80;
	[sflag:s23] =	ssyncadd.s32 $0xFFFFF800  }
0x18e: {  	[spmem:s2] =	stream.indirect.scatter.add.f32 [tilespmem:s10], [sflag:$0xC], $0x10, s14, s18, $0xb8;
	[tilespmem:$0x1F800] =	vst v63  }
0x18f: {  	_ =	swait.ge [sflag:s6], $0x800  }
0x190: {  	[sflag:s6] =	ssyncset.done $0x0  }
0x191: {  	s8 =	simm.s32 $0x11F80;
	[sflag:s6] =	ssyncadd.s32 $0xFFFFF800  }
0x192: {  	[tilespmem:s24], [sflag:$0x8] =	stream.indirect.gather [spmem:s3], $0x10, s8, s18, $0xb8;
	[tilespmem:$0x1F800] =	vst v63  }
0x193: {  	_ =	swait.ge [sflag:s25], $0x800  }
0x194: {  	[sflag:s25] =	ssyncset.done $0x0  }
0x195: {  	s14 =	simm.s32 $0x16E00;
	[sflag:s25] =	ssyncadd.s32 $0xFFFFF800  }
0x196: {  	[spmem:s2] =	stream.indirect.scatter.add.f32 [tilespmem:s4], [sflag:$0xD], $0x10, s14, s18, $0xb8;
	[tilespmem:$0x1F800] =	vst v63  }
0x197: {  	_ =	swait.ge [sflag:s28], $0x800  }
0x198: {  	[sflag:s28] =	ssyncset.done $0x0  }
0x199: {  	s8 =	simm.s32 $0x12000;
	[sflag:s28] =	ssyncadd.s32 $0xFFFFF800  }
0x19a: {  	[tilespmem:s19], [sflag:$0x1] =	stream.indirect.gather [spmem:s3], $0x10, s8, s18, $0xb8;
	[tilespmem:$0x1F800] =	vst v63  }
0x19b: {  	_ =	swait.ge [sflag:s26], $0x800  }
0x19c: {  	[sflag:s26] =	ssyncset.done $0x0  }
0x19d: {  	s14 =	simm.s32 $0x16E80;
	[sflag:s26] =	ssyncadd.s32 $0xFFFFF800  }
0x19e: {  	[spmem:s2] =	stream.indirect.scatter.add.f32 [tilespmem:s20], [sflag:$0xE], $0x10, s14, s18, $0xb8;
	[tilespmem:$0x1F800] =	vst v63  }
0x19f: {  	_ =	swait.ge [sflag:s29], $0x800  }
0x1a0: {  	[sflag:s29] =	ssyncset.done $0x0  }
0x1a1: {  	s8 =	simm.s32 $0x12080;
	[sflag:s29] =	ssyncadd.s32 $0xFFFFF800  }
0x1a2: {  	[tilespmem:s11], [sflag:$0x2] =	stream.indirect.gather [spmem:s3], $0x10, s8, s18, $0xb8;
	[tilespmem:$0x1F800] =	vst v63  }
0x1a3: {  	_ =	swait.ge [sflag:s16], $0x800  }
0x1a4: {  	[sflag:s16] =	ssyncset.done $0x0  }
0x1a5: {  	s14 =	simm.s32 $0x16F00;
	[sflag:s16] =	ssyncadd.s32 $0xFFFFF800  }
0x1a6: {  	[spmem:s2] =	stream.indirect.scatter.add.f32 [tilespmem:s22], [sflag:$0xF], $0x10, s14, s18, $0xb8;
	[tilespmem:$0x1F800] =	vst v63  }
0x1a7: {  	_ =	swait.ge [sflag:s30], $0x800  }
0x1a8: {  	[sflag:s30] =	ssyncset.done $0x0  }
0x1a9: {  	s8 =	simm.s32 $0x12100;
	[sflag:s30] =	ssyncadd.s32 $0xFFFFF800  }
0x1aa: {  	[tilespmem:s5], [sflag:$0x3] =	stream.indirect.gather [spmem:s3], $0x10, s8, s18, $0xb8;
	[tilespmem:$0x1F800] =	vst v63  }
0x1ab: {  	_ =	swait.ge [sflag:s17], $0x800  }
0x1ac: {  	[sflag:s17] =	ssyncset.done $0x0  }
0x1ad: {  	s14 =	simm.s32 $0x16F80;
	[sflag:s17] =	ssyncadd.s32 $0xFFFFF800  }
0x1ae: {  	[spmem:s2] =	stream.indirect.scatter.add.f32 [tilespmem:s24], [sflag:$0x10], $0x10, s14, s18, $0xb8;
	[tilespmem:$0x1F800] =	vst v63  }
0x1af: {  	_ =	swait.ge [sflag:s31], $0x800  }
0x1b0: {  	[sflag:s31] =	ssyncset.done $0x0  }
0x1b1: {  	s7 =	simm.s32 $0x1000;
	s8 =	simm.s32 $0x12180;
	[sflag:s31] =	ssyncadd.s32 $0xFFFFF800  }
.LBB2_11:
0x1b2: {  	[tilespmem:s10], [sflag:$0x4] =	stream.indirect.gather [spmem:s3], $0x10, s8, s18, $0xb8;
	[tilespmem:$0x1F800] =	vst v63  }
0x1b3: {  	s8 =	smov.u32 s7  }
0x1b4: {  	p0 =	sne.s32 s7, $0x11000;
	s7 =	sadd.s32 $0x1000, s7;
	_ =	swait.ge [sflag:s12], $0x800  }
0x1b5: {  	s8 =	sshra.s32 s8, $0x2;
	[sflag:s12] =	ssyncset.done $0x0  }
0x1b6: {  	s14 =	sadd.s32 $0x16C00, s8;
	[sflag:s12] =	ssyncadd.s32 $0xFFFFF800  }
0x1b7: {  	[spmem:s2] =	stream.indirect.scatter.add.f32 [tilespmem:s19], [sflag:$0x9], $0x10, s14, s18, $0xb8;
	[tilespmem:$0x1F800] =	vst v63  }
0x1b8: {  	_ =	swait.ge [sflag:s1], $0x800  }
0x1b9: {  	[sflag:s1] =	ssyncset.done $0x0  }
0x1ba: {  	s14 =	sadd.s32 $0x11E00, s8;
	[sflag:s1] =	ssyncadd.s32 $0xFFFFF800  }
0x1bb: {  	[tilespmem:s4], [sflag:$0x5] =	stream.indirect.gather [spmem:s3], $0x10, s14, s18, $0xb8;
	[tilespmem:$0x1F800] =	vst v63  }
0x1bc: {  	_ =	swait.ge [sflag:s15], $0x800  }
0x1bd: {  	[sflag:s15] =	ssyncset.done $0x0  }
0x1be: {  	s14 =	sadd.s32 $0x16C80, s8;
	[sflag:s15] =	ssyncadd.s32 $0xFFFFF800  }
0x1bf: {  	[spmem:s2] =	stream.indirect.scatter.add.f32 [tilespmem:s11], [sflag:$0xA], $0x10, s14, s18, $0xb8;
	[tilespmem:$0x1F800] =	vst v63  }
0x1c0: {  	_ =	swait.ge [sflag:s0], $0x800  }
0x1c1: {  	[sflag:s0] =	ssyncset.done $0x0  }
0x1c2: {  	s14 =	sadd.s32 $0x11E80, s8;
	[sflag:s0] =	ssyncadd.s32 $0xFFFFF800  }
0x1c3: {  	[tilespmem:s20], [sflag:$0x6] =	stream.indirect.gather [spmem:s3], $0x10, s14, s18, $0xb8;
	[tilespmem:$0x1F800] =	vst v63  }
0x1c4: {  	_ =	swait.ge [sflag:s21], $0x800  }
0x1c5: {  	[sflag:s21] =	ssyncset.done $0x0  }
0x1c6: {  	s14 =	sadd.s32 $0x16D00, s8;
	[sflag:s21] =	ssyncadd.s32 $0xFFFFF800  }
0x1c7: {  	[spmem:s2] =	stream.indirect.scatter.add.f32 [tilespmem:s5], [sflag:$0xB], $0x10, s14, s18, $0xb8;
	[tilespmem:$0x1F800] =	vst v63  }
0x1c8: {  	_ =	swait.ge [sflag:s13], $0x800  }
0x1c9: {  	[sflag:s13] =	ssyncset.done $0x0  }
0x1ca: {  	s14 =	sadd.s32 $0x11F00, s8;
	[sflag:s13] =	ssyncadd.s32 $0xFFFFF800  }
0x1cb: {  	[tilespmem:s22], [sflag:$0x7] =	stream.indirect.gather [spmem:s3], $0x10, s14, s18, $0xb8;
	[tilespmem:$0x1F800] =	vst v63  }
0x1cc: {  	_ =	swait.ge [sflag:s23], $0x800  }
0x1cd: {  	[sflag:s23] =	ssyncset.done $0x0  }
0x1ce: {  	s14 =	sadd.s32 $0x16D80, s8;
	[sflag:s23] =	ssyncadd.s32 $0xFFFFF800  }
0x1cf: {  	[spmem:s2] =	stream.indirect.scatter.add.f32 [tilespmem:s10], [sflag:$0xC], $0x10, s14, s18, $0xb8;
	[tilespmem:$0x1F800] =	vst v63  }
0x1d0: {  	_ =	swait.ge [sflag:s6], $0x800  }
0x1d1: {  	[sflag:s6] =	ssyncset.done $0x0  }
0x1d2: {  	s14 =	sadd.s32 $0x11F80, s8;
	[sflag:s6] =	ssyncadd.s32 $0xFFFFF800  }
0x1d3: {  	[tilespmem:s24], [sflag:$0x8] =	stream.indirect.gather [spmem:s3], $0x10, s14, s18, $0xb8;
	[tilespmem:$0x1F800] =	vst v63  }
0x1d4: {  	_ =	swait.ge [sflag:s25], $0x800  }
0x1d5: {  	[sflag:s25] =	ssyncset.done $0x0  }
0x1d6: {  	s14 =	sadd.s32 $0x16E00, s8;
	[sflag:s25] =	ssyncadd.s32 $0xFFFFF800  }
0x1d7: {  	[spmem:s2] =	stream.indirect.scatter.add.f32 [tilespmem:s4], [sflag:$0xD], $0x10, s14, s18, $0xb8;
	[tilespmem:$0x1F800] =	vst v63  }
0x1d8: {  	_ =	swait.ge [sflag:s28], $0x800  }
0x1d9: {  	[sflag:s28] =	ssyncset.done $0x0  }
0x1da: {  	s14 =	sadd.s32 $0x12000, s8;
	[sflag:s28] =	ssyncadd.s32 $0xFFFFF800  }
0x1db: {  	[tilespmem:s19], [sflag:$0x1] =	stream.indirect.gather [spmem:s3], $0x10, s14, s18, $0xb8;
	[tilespmem:$0x1F800] =	vst v63  }
0x1dc: {  	_ =	swait.ge [sflag:s26], $0x800  }
0x1dd: {  	[sflag:s26] =	ssyncset.done $0x0  }
0x1de: {  	s14 =	sadd.s32 $0x16E80, s8;
	[sflag:s26] =	ssyncadd.s32 $0xFFFFF800  }
0x1df: {  	[spmem:s2] =	stream.indirect.scatter.add.f32 [tilespmem:s20], [sflag:$0xE], $0x10, s14, s18, $0xb8;
	[tilespmem:$0x1F800] =	vst v63  }
0x1e0: {  	_ =	swait.ge [sflag:s29], $0x800  }
0x1e1: {  	[sflag:s29] =	ssyncset.done $0x0  }
0x1e2: {  	s14 =	sadd.s32 $0x12080, s8;
	[sflag:s29] =	ssyncadd.s32 $0xFFFFF800  }
0x1e3: {  	[tilespmem:s11], [sflag:$0x2] =	stream.indirect.gather [spmem:s3], $0x10, s14, s18, $0xb8;
	[tilespmem:$0x1F800] =	vst v63  }
0x1e4: {  	_ =	swait.ge [sflag:s16], $0x800  }
0x1e5: {  	[sflag:s16] =	ssyncset.done $0x0  }
0x1e6: {  	s14 =	sadd.s32 $0x16F00, s8;
	[sflag:s16] =	ssyncadd.s32 $0xFFFFF800  }
0x1e7: {  	[spmem:s2] =	stream.indirect.scatter.add.f32 [tilespmem:s22], [sflag:$0xF], $0x10, s14, s18, $0xb8;
	[tilespmem:$0x1F800] =	vst v63  }
0x1e8: {  	_ =	swait.ge [sflag:s30], $0x800  }
0x1e9: {  	[sflag:s30] =	ssyncset.done $0x0  }
0x1ea: {  	s14 =	sadd.s32 $0x12100, s8;
	[sflag:s30] =	ssyncadd.s32 $0xFFFFF800  }
0x1eb: {  	[tilespmem:s5], [sflag:$0x3] =	stream.indirect.gather [spmem:s3], $0x10, s14, s18, $0xb8;
	[tilespmem:$0x1F800] =	vst v63  }
0x1ec: {  	_ =	swait.ge [sflag:s17], $0x800  }
0x1ed: {  	[sflag:s17] =	ssyncset.done $0x0  }
.Ltmp4:
0x1ee: {  	s14 =	sadd.s32 $0x16F80, s8;
	[sflag:s17] =	ssyncadd.s32 $0xFFFFF800;
	(pc) =	sbr.rel @p0 .LBB2_11-.Ltmp4, $4  }
0x1ef: {  	[spmem:s2] =	stream.indirect.scatter.add.f32 [tilespmem:s24], [sflag:$0x10], $0x10, s14, s18, $0xb8;
	[tilespmem:$0x1F800] =	vst v63  }
0x1f0: {  	_ =	swait.ge [sflag:s31], $0x800  }
0x1f1: {  	[sflag:s31] =	ssyncset.done $0x0  }
0x1f2: {  	s8 =	sadd.s32 $0x12180, s8;
	[sflag:s31] =	ssyncadd.s32 $0xFFFFF800  }
0x1f3: {  	[tilespmem:s10], [sflag:$0x4] =	stream.indirect.gather [spmem:s3], $0x10, s8, s18, $0xb8;
	[tilespmem:$0x1F800] =	vst v63  }
0x1f4: {  	_ =	swait.ge [sflag:s12], $0x800  }
0x1f5: {  	[sflag:s12] =	ssyncset.done $0x0  }
0x1f6: {  	s7 =	simm.s32 $0x1B400;
	[sflag:s12] =	ssyncadd.s32 $0xFFFFF800  }
0x1f7: {  	[spmem:s2] =	stream.indirect.scatter.add.f32 [tilespmem:s19], [sflag:$0x9], $0x10, s7, s18, $0xb8;
	[tilespmem:$0x1F800] =	vst v63  }
0x1f8: {  	_ =	swait.ge [sflag:s1], $0x800  }
0x1f9: {  	[sflag:s1] =	ssyncset.done $0x0  }
0x1fa: {  	s8 =	simm.s32 $0x16600;
	[sflag:s1] =	ssyncadd.s32 $0xFFFFF800  }
0x1fb: {  	[tilespmem:s4], [sflag:$0x5] =	stream.indirect.gather [spmem:s3], $0x10, s8, s18, $0xb8;
	[tilespmem:$0x1F800] =	vst v63  }
0x1fc: {  	_ =	swait.ge [sflag:s15], $0x800  }
0x1fd: {  	[sflag:s15] =	ssyncset.done $0x0  }
0x1fe: {  	s14 =	simm.s32 $0x1B480;
	[sflag:s15] =	ssyncadd.s32 $0xFFFFF800  }
0x1ff: {  	[spmem:s2] =	stream.indirect.scatter.add.f32 [tilespmem:s11], [sflag:$0xA], $0x10, s14, s18, $0xb8;
	[tilespmem:$0x1F800] =	vst v63  }
0x200: {  	_ =	swait.ge [sflag:s0], $0x800  }
0x201: {  	[sflag:s0] =	ssyncset.done $0x0  }
0x202: {  	s8 =	simm.s32 $0x16680;
	[sflag:s0] =	ssyncadd.s32 $0xFFFFF800  }
0x203: {  	[tilespmem:s20], [sflag:$0x6] =	stream.indirect.gather [spmem:s3], $0x10, s8, s18, $0xb8;
	[tilespmem:$0x1F800] =	vst v63  }
0x204: {  	_ =	swait.ge [sflag:s21], $0x800  }
0x205: {  	[sflag:s21] =	ssyncset.done $0x0  }
0x206: {  	s14 =	simm.s32 $0x1B500;
	[sflag:s21] =	ssyncadd.s32 $0xFFFFF800  }
0x207: {  	[spmem:s2] =	stream.indirect.scatter.add.f32 [tilespmem:s5], [sflag:$0xB], $0x10, s14, s18, $0xb8;
	[tilespmem:$0x1F800] =	vst v63  }
0x208: {  	_ =	swait.ge [sflag:s13], $0x800  }
0x209: {  	[sflag:s13] =	ssyncset.done $0x0  }
0x20a: {  	s8 =	simm.s32 $0x16700;
	[sflag:s13] =	ssyncadd.s32 $0xFFFFF800  }
0x20b: {  	[tilespmem:s22], [sflag:$0x7] =	stream.indirect.gather [spmem:s3], $0x10, s8, s18, $0xb8;
	[tilespmem:$0x1F800] =	vst v63  }
0x20c: {  	_ =	swait.ge [sflag:s23], $0x800  }
0x20d: {  	[sflag:s23] =	ssyncset.done $0x0  }
0x20e: {  	s14 =	simm.s32 $0x1B580;
	[sflag:s23] =	ssyncadd.s32 $0xFFFFF800  }
0x20f: {  	[spmem:s2] =	stream.indirect.scatter.add.f32 [tilespmem:s10], [sflag:$0xC], $0x10, s14, s18, $0xb8;
	[tilespmem:$0x1F800] =	vst v63  }
0x210: {  	_ =	swait.ge [sflag:s6], $0x800  }
0x211: {  	[sflag:s6] =	ssyncset.done $0x0  }
0x212: {  	s8 =	simm.s32 $0x16780;
	[sflag:s6] =	ssyncadd.s32 $0xFFFFF800  }
0x213: {  	[tilespmem:s24], [sflag:$0x8] =	stream.indirect.gather [spmem:s3], $0x10, s8, s18, $0xb8;
	[tilespmem:$0x1F800] =	vst v63  }
0x214: {  	_ =	swait.ge [sflag:s25], $0x800  }
0x215: {  	[sflag:s25] =	ssyncset.done $0x0  }
0x216: {  	s14 =	simm.s32 $0x1B600;
	[sflag:s25] =	ssyncadd.s32 $0xFFFFF800  }
0x217: {  	[spmem:s2] =	stream.indirect.scatter.add.f32 [tilespmem:s4], [sflag:$0xD], $0x10, s14, s18, $0xb8;
	[tilespmem:$0x1F800] =	vst v63  }
0x218: {  	_ =	swait.ge [sflag:s28], $0x800  }
0x219: {  	[sflag:s28] =	ssyncset.done $0x0  }
0x21a: {  	[sflag:s28] =	ssyncadd.s32 $0xFFFFF800  }
0x21b: {  	_ =	swait.ge [sflag:s26], $0x800  }
0x21c: {  	[sflag:s26] =	ssyncset.done $0x0  }
0x21d: {  	s8 =	simm.s32 $0x1B680;
	[sflag:s26] =	ssyncadd.s32 $0xFFFFF800  }
0x21e: {  	[spmem:s2] =	stream.indirect.scatter.add.f32 [tilespmem:s20], [sflag:$0xE], $0x10, s8, s18, $0xb8;
	[tilespmem:$0x1F800] =	vst v63  }
0x21f: {  	_ =	swait.ge [sflag:s29], $0x800  }
0x220: {  	[sflag:s29] =	ssyncset.done $0x0  }
0x221: {  	[sflag:s29] =	ssyncadd.s32 $0xFFFFF800  }
0x222: {  	_ =	swait.ge [sflag:s16], $0x800  }
0x223: {  	[sflag:s16] =	ssyncset.done $0x0  }
0x224: {  	s14 =	simm.s32 $0x1B700;
	[sflag:s16] =	ssyncadd.s32 $0xFFFFF800  }
0x225: {  	[spmem:s2] =	stream.indirect.scatter.add.f32 [tilespmem:s22], [sflag:$0xF], $0x10, s14, s18, $0xb8;
	[tilespmem:$0x1F800] =	vst v63  }
0x226: {  	_ =	swait.ge [sflag:s30], $0x800  }
0x227: {  	[sflag:s30] =	ssyncset.done $0x0  }
0x228: {  	[sflag:s30] =	ssyncadd.s32 $0xFFFFF800  }
0x229: {  	_ =	swait.ge [sflag:s17], $0x800  }
0x22a: {  	[sflag:s17] =	ssyncset.done $0x0  }
0x22b: {  	s8 =	simm.s32 $0x1B780;
	[sflag:s17] =	ssyncadd.s32 $0xFFFFF800  }
0x22c: {  	[spmem:s2] =	stream.indirect.scatter.add.f32 [tilespmem:s24], [sflag:$0x10], $0x10, s8, s18, $0xb8;
	[tilespmem:$0x1F800] =	vst v63  }
0x22d: {  	_ =	swait.ge [sflag:s31], $0x800  }
0x22e: {  	[sflag:s31] =	ssyncset.done $0x0  }
0x22f: {  	[sflag:s31] =	ssyncadd.s32 $0xFFFFF800  }
0x230: {  	_ =	swait.ge [sflag:s1], $0x800  }
0x231: {  	[sflag:s1] =	ssyncset.done $0x0  }
0x232: {  	[sflag:s1] =	ssyncadd.s32 $0xFFFFF800  }
0x233: {  	_ =	swait.ge [sflag:s0], $0x800  }
0x234: {  	[sflag:s0] =	ssyncset.done $0x0  }
0x235: {  	[sflag:s0] =	ssyncadd.s32 $0xFFFFF800  }
0x236: {  	_ =	swait.ge [sflag:s13], $0x800  }
0x237: {  	[sflag:s13] =	ssyncset.done $0x0  }
0x238: {  	[sflag:s13] =	ssyncadd.s32 $0xFFFFF800  }
0x239: {  	_ =	swait.ge [sflag:s6], $0x800  }
0x23a: {  	[sflag:s6] =	ssyncset.done $0x0  }
0x23b: {  	[sflag:s6] =	ssyncadd.s32 $0xFFFFF800  }
0x23c: {  	[bflag:$0x0] =	sbarrier.arrive $0xFFFF  }
0x23d: {  	s14 =	simm.s32 $0xC800;
	s8 =	simm.s32 $0x11;
	s7 =	rddreg [dreg:$0xa]  }
0x23e: {  	[tilespmem:s14], [sflag:$0x11] =	stream.linear.gather [spmem:s7], $0x2800, $0x38;
	[tilespmem:$0x1F800] =	vst v63  }
0x23f: {  	_ =	swait.ge [sflag:s8], $0x2800  }
0x240: {  	[sflag:s8] =	ssyncset.done $0x0  }
0x241: {  	s14 =	simm.s32 $0xF000;
	[sflag:s8] =	ssyncadd.s32 $0xFFFFD800  }
0x242: {  	[spmem:s7] =	stream.linear.scatter [tilespmem:s14], [sflag:$0x11], $0x2800, $0x38;
	[tilespmem:$0x1F800] =	vst v63  }
0x243: {  	_ =	swait.ge [sflag:s8], $0x2800  }
0x244: {  	[sflag:s8] =	ssyncset.done $0x0  }
0x245: {  	s7 =	simm.s32 $0x0;
	[sflag:s8] =	ssyncadd.s32 $0xFFFFD800  }
0x246: {  	v6 =	vld [tilespmem:s7+$0x5010]  }
0x247: {  	v5 =	vld [tilespmem:s7+$0xA010]  }
0x248: {  	v3 =	vld [tilespmem:s7+$0xA020]  }
0x249: {  	v2 =	vld [tilespmem:s7+$0xA030]  }
0x24a: {  	v4 =	vld [tilespmem:s7+$0x7810]  }
0x24b: {  	v9 =	vld [tilespmem:s7+$0x5030]  }
0x24c: {  	v8 =	vld [tilespmem:s7+$0xC810]  }
0x24d: {  	v12 =	vld [tilespmem:s7+$0x7820]  }
0x24e: {  	v14 =	vld [tilespmem:s7+$0x7830]  }
0x24f: {  	v15 =	vld [tilespmem:s7+$0xC820];
	v7 =	vmul.f32 v5, v5  }
0x250: {  	v10 =	vld [tilespmem:s7+$0xC830];
	v16 =	vmul.f32 v2, v2;
	v13 =	vmul.f32 v3, v3  }
0x251: {  	v18 =	vmul.f32 v8, v5;
	v8 =	vld [tilespmem:s7+$0x7800];
	v17 =	vmul.f32 v4, v7  }
0x252: {  	v11 =	vmul.f32 $1.000000010e-01, v6;
	v4 =	vld [tilespmem:s7+$0xA000]  }
0x253: {  	v7 =	vld [tilespmem:s7+$0x5020];
	v13 =	vmul.f32 v12, v13;
	v12 =	vmul.f32 v14, v16;
	v14 =	vadd.f32 v17, v18  }
0x254: {  	s8 =	simm.s32 $0x100;
	v6 =	vld [tilespmem:s7+$0x5000];
	v15 =	vmul.f32 v15, v3;
	v9 =	vmul.f32 $1.000000010e-01, v9  }
.LBB2_13:
0x255: {  	s14 =	sshra.s32 s8, $0x2;
	p0 =	sne.s32 s8, $0x9F00;
	s8 =	sadd.s32 $0x100, s8;
	v16 =	vld [tilespmem:s7+$0xC800];
	v14 =	vmul.f32 $8.999999760e-01, v14;
	v10 =	vmul.f32 v10, v2  }
0x256: {  	v17 =	vld [tilespmem:s14+$0x5010];
	v13 =	vadd.f32 v13, v15  }
0x257: {  	v15 =	vld [tilespmem:s14+$0xA010];
	v18 =	vmul.f32 v4, v4;
	v11 =	vadd.f32 v14, v11;
	v10 =	vadd.f32 v12, v10  }
0x258: {  	v7 =	vmul.f32 $1.000000010e-01, v7;
	v12 =	vld [tilespmem:s14+$0xA020];
	v13 =	vmul.f32 $8.999999760e-01, v13  }
0x259: {  	v14 =	vld [tilespmem:s14+$0xA030];
	[tilespmem:s7+$0x7810] =	vst v11;
	v5 =	vmul.f32 v11, v5;
	v10 =	vmul.f32 $8.999999760e-01, v10  }
0x25a: {  	v8 =	vmul.f32 v8, v18;
	v11 =	vld [tilespmem:s14+$0x7810];
	v16 =	vmul.f32 v16, v4;
	v7 =	vadd.f32 v13, v7  }
0x25b: {  	v18 =	vld [tilespmem:s14+$0x5030];
	[tilespmem:s7+$0xC810] =	vst v5;
	v19 =	vadd.f32 v10, v9  }
0x25c: {  	v9 =	vld [tilespmem:s14+$0xC810];
	v10 =	vmul.f32 v15, v15;
	v8 =	vadd.f32 v8, v16;
	[tilespmem:s7+$0x7820] =	vst v7;
	v7 =	vmul.f32 v7, v3  }
0x25d: {  	v6 =	vmul.f32 $1.000000010e-01, v6;
	v13 =	vld [tilespmem:s14+$0x7820];
	[tilespmem:s7+$0x7830] =	vst v19;
	v16 =	vmul.f32 v19, v2;
	v5 =	vmovc v15;
	v3 =	vmov v12  }
0x25e: {  	v15 =	vmul.f32 v14, v14;
	v19 =	vld [tilespmem:s14+$0x7830];
	v8 =	vmul.f32 $8.999999760e-01, v8;
	[tilespmem:s7+$0xC820] =	vst v7;
	v2 =	vmov v14  }
0x25f: {  	v14 =	vmul.f32 v11, v10;
	v20 =	vld [tilespmem:s14+$0xC820];
	[tilespmem:s7+$0xC830] =	vst v16  }
.Ltmp5:
0x260: {  	v10 =	vld [tilespmem:s14+$0xC830];
	v6 =	vadd.f32 v8, v6;
	(pc) =	sbr.rel @p0 .LBB2_13-.Ltmp5, $4  }
0x261: {  	v12 =	vmul.f32 v12, v3;
	v9 =	vmul.f32 v9, v5;
	v7 =	vld [tilespmem:s14+$0x5020]  }
0x262: {  	v11 =	vmul.f32 $1.000000010e-01, v17;
	[tilespmem:s7+$0x7800] =	vst v6;
	v16 =	vmul.f32 v6, v4;
	v4 =	vld [tilespmem:s14+$0xA000]  }
0x263: {  	v13 =	vmul.f32 v13, v12;
	v8 =	vld [tilespmem:s14+$0x7800];
	v14 =	vadd.f32 v14, v9;
	v12 =	vmul.f32 v19, v15  }
0x264: {  	v9 =	vmul.f32 $1.000000010e-01, v18;
	v6 =	vld [tilespmem:s14+$0x5000];
	v15 =	vmul.f32 v20, v3;
	[tilespmem:s7+$0xC800] =	vst v16;
	s7 =	smov.u32 s14  }
0x265: {  	v16 =	vld [tilespmem:s7+$0xC800];
	_ =	sdelay $0x1  }
0x266: {  	v14 =	vmul.f32 $8.999999760e-01, v14  }
0x267: {  	v10 =	vmul.f32 v10, v2;
	v17 =	vmul.f32 v4, v4  }
0x268: {  	v13 =	vadd.f32 v13, v15;
	v11 =	vadd.f32 v14, v11  }
0x269: {  	v10 =	vadd.f32 v12, v10;
	v8 =	vmul.f32 v8, v17;
	v61 =	vmul.f32 v16, v4  }
0x26a: {  	v7 =	vmul.f32 $1.000000010e-01, v7;
	v13 =	vmul.f32 $8.999999760e-01, v13  }
0x26b: {  	v5 =	vmul.f32 v11, v5;
	v10 =	vmul.f32 $8.999999760e-01, v10;
	v8 =	vadd.f32 v8, v61  }
0x26c: {  	[tilespmem:s7+$0x7810] =	vst v11;
	v7 =	vadd.f32 v13, v7  }
0x26d: {  	v6 =	vmul.f32 $1.000000010e-01, v6;
	[tilespmem:s7+$0xC810] =	vst v5;
	v62 =	vadd.f32 v10, v9;
	v8 =	vmul.f32 $8.999999760e-01, v8  }
0x26e: {  	[tilespmem:s7+$0x7820] =	vst v7;
	v3 =	vmul.f32 v7, v3  }
0x26f: {  	[tilespmem:s7+$0x7830] =	vst v62;
	v2 =	vmul.f32 v62, v2;
	v63 =	vadd.f32 v8, v6  }
0x270: {  	[tilespmem:s7+$0xC820] =	vst v3  }
0x271: {  	[tilespmem:s7+$0xC830] =	vst v2;
	v2 =	vmul.f32 v63, v4  }
0x272: {  	s9 =	sadd.s32 $0x1, s9;
	[tilespmem:s7+$0x7800] =	vst v63  }
0x273: {  	s14 =	rddreg [dreg:$0xb];
	s8 =	simm.s32 $0xC800;
	p0 =	sne.s32 s9, $0xA;
	[tilespmem:s7+$0xC800] =	vst v2  }
0x274: {  	[spmem:s14] =	stream.linear.scatter [tilespmem:s8], [sflag:$0x11], $0x2800, $0x38;
	[tilespmem:$0x1F800] =	vst v63  }
.Ltmp6:
0x275: {  	_ = 	snop;
	(pc) =	sbr.rel @p0 .LBB2_10-.Ltmp6, $4  }
0x276: {  	s14 =	simm.s32 $0x11  }
0x277: {  	_ =	swait.ge [sflag:s14], $0x2800  }
0x278: {  	[sflag:s14] =	ssyncset.done $0x0  }
0x279: {  	[sflag:s14] =	ssyncadd.s32 $0xFFFFD800  }
0x27a: {  	s14 =	simm.s32 $0x0  }
0x27b: {  	s7 =	rddreg [dreg:$0xc];
	s8 =	simm.s32 $0x7800;
	s9 =	simm.s32 $0x11  }
0x27c: {  	[hbm4b:s7+s14] =	stream.linear.scatter [tilespmem:s8], [sflag:$0x11], $0x2800, $0x38;
	[tilespmem:$0x1F800] =	vst v63  }
0x27d: {  	_ =	swait.ge [sflag:s9], $0x2800  }
0x27e: {  	s7 =	rddreg [dreg:$0xf]  }
0x27f: {  	s11 =	rddreg [dreg:$0xd];
	s8 =	sadd.s32 $0x1, s7  }
0x280: {  	p0 =	sne.s32 s8, s11  }
.Ltmp7:
0x281: {  	_ = 	snop;
	(pc) =	sbr.rel @p0 .LBB2_1-.Ltmp7, $3  }
0x282: {  	_ =	sdelay $0x1  }
0x283: {  	[sflag:s9] =	ssyncset.done $0x0  }
0x284: {  	[sflag:s9] =	ssyncadd.s32 $0xFFFFD800  }
0x285: {  	_ =	sfence.sel $0x180000  }
0x286: {  	[bflag:$0x0] =	sbarrier.arrive $0xFFFF  }
0x287: {  	_ =	strace $0x90000047  }
0x288: {  	s0 =	stileid.u32;
	[bflag:$0x2] =	sbarrier.arrive $0xFFFF  }
0x289: {  	p0 =	sne.s32 s0, $0x0;
	s0 =	rddreg [dreg:$0x4]  }
0x28a: {  	s0 =	sadd.s32 @!p0 $0x100000, s0  }
0x28b: {  	[sflag:s0] =	ssyncadd.tile.s32 @!p0 $0x1;
	_ =	shalt  }
.Lfunc_end2:
_tile_overlayer_lowered:
.L_overlay_start_2:
0x28c: {  	(tag) =	ssettag $0x2  }
0x28d: {  	s0 =	rddreg [dreg:$0x0];
	s2 =	stileid.u32  }
0x28e: {  	s1 =	rddreg [dreg:$0x1];
	p0 =	sne.s32 s2, $0x0  }
0x28f: {  	s3 =	rddreg [dreg:$0x2];
	[bflag:$0x3] =	sbarrier.arrive $0xFFFF;
	s2 =	simm.s32 @!p0 $0x1C11  }
0x290: {  	[timem:s3], [sflag:s2] =	dma.local @!p0 [hbm:s0], s1  }
0x291: {  	s0 =	simm.s32 @!p0 $0x11  }
0x292: {  	_ =	swait.ge @!p0 [sflag:s0], s1  }
0x293: {  	s1 =	ssub.s32 @!p0 $0x0, s1;
	[sflag:s0] =	ssyncset.done @!p0 $0x0  }
0x294: {  	[sflag:s0] =	ssyncadd.s32 @!p0 s1  }
0x295: {  	[bflag:$0x3] =	sbarrier.arrive $0xFFFF  }
0x296: {  	_ =	shalt  }

</sc_bundles>
